<compile_context>
chip_gen: v7x
topology: tpu7x:2x2x1
jax: 0.10.2.dev20260603
libtpu: 0.0.44.dev20260713+nightly
codegen_flags: <defaults>
</compile_context>

<pallas_src>
import functools

import jax
import jax.numpy as jnp
from jax import lax
from jax.experimental import pallas as pl
from jax.experimental.pallas import tpu as pltpu
from jax.experimental.pallas import tpu_sc as plsc

F32 = jnp.float32

NC = 2
NS = 16
CH = 128


def _relu(v):
    return jnp.maximum(v, 0.0)


def _tc_node_features(xp, posp, T0, npad, nf, n_off):
    B = 1024
    grid = npad // B

    def body(x_ref, pos_ref, t_ref, o_ref):
        xb = x_ref[...]
        iota = lax.broadcasted_iota(jnp.int32, (1, nf), 1)
        acc = jnp.zeros((B, nf), F32)
        for i in range(9):
            gi = xb[:, i:i + 1].astype(jnp.int32) + n_off[i]
            acc = acc + (gi == iota).astype(F32)
        acc = acc + xb[:, 9:10] * (iota == n_off[9]).astype(F32)
        pb = pos_ref[...]
        for j in range(3):
            acc = acc + pb[:, j:j + 1] * (iota == (n_off[9] + 1 + j)).astype(F32)
        o_ref[...] = jnp.dot(acc, t_ref[...], preferred_element_type=F32, precision=lax.Precision.HIGHEST)

    return pl.pallas_call(
        body,
        grid=(grid,),
        in_specs=[
            pl.BlockSpec((B, 13), lambda i: (i, 0)),
            pl.BlockSpec((B, 3), lambda i: (i, 0)),
            pl.BlockSpec((nf, 128), lambda i: (0, 0)),
        ],
        out_specs=pl.BlockSpec((B, 128), lambda i: (i, 0)),
        out_shape=jax.ShapeDtypeStruct((npad, 128), F32),
        compiler_params=pltpu.CompilerParams(dimension_semantics=("arbitrary",)),
    )(xp, posp, T0)


NB = 8
CW = 64


_SC_CACHE = {}


CWS = 128


def _sc_scatter_add(h, src2s, dst2s, npad, epad):
    zeros = jnp.zeros((npad // NS, 128), F32)
    key = ("scatter", npad, epad)
    if key not in _SC_CACHE:
        _SC_CACHE[key] = _build_sc_scatter(npad, epad)
    return _SC_CACHE[key](zeros, h, src2s, dst2s)


def _build_sc_scatter(npad, epad):
    nrows = epad // CWS
    nch = nrows // (NC * NS)
    rps = npad // NS
    mesh = plsc.VectorSubcoreMesh(core_axis_name="c", subcore_axis_name="s")

    @functools.partial(
        pl.kernel,
        out_type=jax.ShapeDtypeStruct((NC * npad, 128), F32),
        mesh=mesh,
        scratch_types=[
            pltpu.VMEM((nch, CWS), jnp.int32),
            pltpu.VMEM((nch, CWS), jnp.int32),
            pltpu.VMEM((CWS, 128), F32),
            pltpu.VMEM((CWS, 128), F32),
            pltpu.VMEM_SHARED((npad, 128), F32),
            pltpu.SemaphoreType.DMA,
            pltpu.SemaphoreType.DMA,
        ],
    )
    def k(zeros_hbm, h_hbm, src_hbm, dst_hbm, out_hbm, sidx, didx, rows0,
          rows1, acc, sem0, sem1):
        rowsl = (rows0, rows1)
        seml = (sem0, sem1)
        c = lax.axis_index("c")
        s = lax.axis_index("s")
        wid = c * NS + s
        crow = wid * nch
        r0 = s * rps
        pltpu.sync_copy(src_hbm.at[pl.ds(crow, nch)], sidx)
        pltpu.sync_copy(dst_hbm.at[pl.ds(crow, nch)], didx)
        pltpu.sync_copy(zeros_hbm, acc.at[pl.ds(r0, rps)])
        plsc.subcore_barrier()

        for b in range(2):
            pltpu.async_copy(h_hbm.at[sidx.at[b]], rowsl[b], seml[b])

        def step(i, carry):
            for b in range(2):
                j = 2 * i + b
                pltpu.make_async_copy(h_hbm.at[sidx.at[j]], rowsl[b],
                                      seml[b]).wait()
                pltpu.sync_copy(rowsl[b], acc.at[didx.at[j]], add=True)

                @pl.when(j + 2 < nch)
                def _():
                    pltpu.async_copy(h_hbm.at[sidx.at[j + 2]], rowsl[b],
                                     seml[b])
            return carry

        lax.fori_loop(0, nch // 2, step, 0)
        plsc.subcore_barrier()
        pltpu.sync_copy(acc.at[pl.ds(r0, rps)],
                        out_hbm.at[pl.ds(c * npad + r0, rps)])

    return k


def _sc_gather2(u, src2, dst2, epad):
    nch = epad // CW // (NC * NS)
    mesh = plsc.VectorSubcoreMesh(core_axis_name="c", subcore_axis_name="s")
    sds = jax.ShapeDtypeStruct((epad, 128), F32)
    NP = NB // 2

    @functools.partial(
        pl.kernel,
        out_type=(sds, sds),
        mesh=mesh,
        scratch_types=[
            pltpu.VMEM((nch, CW), jnp.int32),
            pltpu.VMEM((nch, CW), jnp.int32),
            [pltpu.VMEM((CW, 128), F32)] * NB,
            [pltpu.SemaphoreType.DMA] * NB,
            [pltpu.SemaphoreType.DMA] * NB,
        ],
    )
    def k(u_hbm, src_hbm, dst_hbm, gs_hbm, gd_hbm, sidx, didx, rows,
          gsem, wsem):
        c = lax.axis_index("c")
        s = lax.axis_index("s")
        wid = c * NS + s
        crow = wid * nch
        base = crow * CW
        pltpu.sync_copy(src_hbm.at[pl.ds(crow, nch)], sidx)
        pltpu.sync_copy(dst_hbm.at[pl.ds(crow, nch)], didx)

        idxs = [sidx] * NP + [didx] * NP

        def fire(b, j):
            pltpu.async_copy(u_hbm.at[idxs[b].at[j]], rows[b], gsem[b])

        for b in range(NB):
            fire(b, b % NP)

        def step(i, carry):
            for b in range(NB):
                p = b % NP
                j = i * NP + p
                out = gs_hbm if b < NP else gd_hbm
                pltpu.make_async_copy(u_hbm.at[idxs[b].at[j]], rows[b],
                                      gsem[b]).wait()
                pltpu.async_copy(rows[b], out.at[pl.ds(base + j * CW, CW)],
                                 wsem[b])

                @pl.when(j + NP < nch)
                def _():
                    pltpu.make_async_copy(
                        rows[b], out.at[pl.ds(base + j * CW, CW)],
                        wsem[b]).wait()
                    fire(b, j + NP)
            return carry

        lax.fori_loop(0, nch // NP, step, 0)
        for b in range(NB):
            p = b % NP
            out = gs_hbm if b < NP else gd_hbm
            pltpu.make_async_copy(
                rows[b], out.at[pl.ds(base + (nch - NP + p) * CW, CW)],
                wsem[b]).wait()

    return k(u, src2, dst2)


def _tc_gin(hin, agg_a, agg_b, W1, b1, W2f, b2f, ST, npad, n, fold_bn):
    B = 1024
    grid = npad // B

    def body(h_ref, aa_ref, ab_ref, w1_ref, b1_ref, w2_ref, b2_ref, st_ref,
             u_ref, stat_ref):
        pid = pl.program_id(0)
        h = h_ref[...]
        ag = aa_ref[...] + ab_ref[...]
        if fold_bn:
            S = st_ref[0:1, :]
            T = st_ref[1:2, :]
            onehot108 = (lax.broadcasted_iota(jnp.int32, (1, 128), 1) == 108)
            indeg = jnp.sum(jnp.where(onehot108, ag, 0.0), axis=1, keepdims=True)
            z = h * S + T + S * ag + T * indeg
        else:
            z = h + ag
        t = _relu(jnp.dot(z, w1_ref[...], preferred_element_type=F32, precision=lax.Precision.HIGHEST)
                  + b1_ref[0:1, :])
        u = _relu(jnp.dot(t, w2_ref[...], preferred_element_type=F32, precision=lax.Precision.HIGHEST)
                  + b2_ref[0:1, :])
        u_ref[...] = u
        rid = lax.broadcasted_iota(jnp.int32, (B, 1), 0) + pid * B
        um = jnp.where(rid < n, u, 0.0)
        ssum = jnp.sum(um, axis=0, keepdims=True)
        sq = jnp.sum(um * um, axis=0, keepdims=True)

        @pl.when(pid == 0)
        def _():
            stat_ref[...] = jnp.zeros((8, 128), F32)

        upd = jnp.concatenate([ssum, sq, jnp.zeros((6, 128), F32)], axis=0)
        stat_ref[...] = stat_ref[...] + upd

    return pl.pallas_call(
        body,
        grid=(grid,),
        in_specs=[
            pl.BlockSpec((B, 128), lambda i: (i, 0)),
            pl.BlockSpec((B, 128), lambda i: (i, 0)),
            pl.BlockSpec((B, 128), lambda i: (i, 0)),
            pl.BlockSpec((128, 108), lambda i: (0, 0)),
            pl.BlockSpec((8, 108), lambda i: (0, 0)),
            pl.BlockSpec((108, 128), lambda i: (0, 0)),
            pl.BlockSpec((8, 128), lambda i: (0, 0)),
            pl.BlockSpec((8, 128), lambda i: (0, 0)),
        ],
        out_specs=[
            pl.BlockSpec((B, 128), lambda i: (i, 0)),
            pl.BlockSpec((8, 128), lambda i: (0, 0)),
        ],
        out_shape=[
            jax.ShapeDtypeStruct((npad, 128), F32),
            jax.ShapeDtypeStruct((8, 128), F32),
        ],
        compiler_params=pltpu.CompilerParams(dimension_semantics=("arbitrary",)),
    )(hin, agg_a, agg_b, W1, b1, W2f, b2f, ST)


def _tc_head(gs, gd, eap, ebp, ST2, M1, be1, We2, be2, We3, be3,
             Wh1a, Wh1b, Wh1c, bh1, Wh2, bh2, Wh3, bh3, wh4, misc,
             epad, e_count, ef, e_off, g):
    B = 512
    grid = epad // B

    def body(gs_ref, gd_ref, ea_ref, eb_ref, st_ref, m1_ref, be1_ref,
             we2_ref, be2_ref, we3_ref, be3_ref, wa_ref, wb_ref, wc_ref,
             bh1_ref, wh2_ref, bh2_ref, wh3_ref, bh3_ref, wh4_ref, misc_ref,
             out_ref):
        pid = pl.program_id(0)
        ea = ea_ref[...]
        iote = lax.broadcasted_iota(jnp.int32, (1, ef), 1)
        acc = jnp.zeros((B, ef), F32)
        for i in range(5):
            gi = ea[:, i:i + 1].astype(jnp.int32) + e_off[i]
            acc = acc + (gi == iote).astype(F32)
        acc = acc + ea[:, 5:6] * (iote == e_off[5]).astype(F32)
        e1 = _relu(jnp.dot(acc, m1_ref[...], preferred_element_type=F32, precision=lax.Precision.HIGHEST)
                   + be1_ref[0:1, :])
        e2 = _relu(jnp.dot(e1, we2_ref[...], preferred_element_type=F32, precision=lax.Precision.HIGHEST)
                   + be2_ref[0:1, :])
        e3 = jnp.dot(e2, we3_ref[...], preferred_element_type=F32, precision=lax.Precision.HIGHEST) + be3_ref[0:1, :]
        S = st_ref[0:1, :]
        T = st_ref[1:2, :]
        xs = gs_ref[...] * S + T
        xd = gd_ref[...] * S + T
        z1 = _relu(jnp.dot(xs, wa_ref[...], preferred_element_type=F32, precision=lax.Precision.HIGHEST)
                   + jnp.dot(xd, wb_ref[...], preferred_element_type=F32, precision=lax.Precision.HIGHEST)
                   + jnp.dot(e3, wc_ref[...], preferred_element_type=F32, precision=lax.Precision.HIGHEST)
                   + bh1_ref[0:1, :])
        z2 = _relu(jnp.dot(z1, wh2_ref[...], preferred_element_type=F32, precision=lax.Precision.HIGHEST)
                   + bh2_ref[0:1, :])
        z3 = _relu(jnp.dot(z2, wh3_ref[...], preferred_element_type=F32, precision=lax.Precision.HIGHEST)
                   + bh3_ref[0:1, :])
        z4 = jnp.sum(z3 * wh4_ref[0:1, :], axis=1, keepdims=True) \
            + misc_ref[0:1, 0:1]
        rid = lax.broadcasted_iota(jnp.int32, (B, 1), 0) + pid * B
        z4 = jnp.where(rid < e_count, z4, 0.0)
        iog = lax.broadcasted_iota(jnp.int32, (1, g), 1).astype(F32)
        onehot = (eb_ref[...] == iog).astype(F32)
        pooled = lax.dot_general(z4, onehot, (((0,), (0,)), ((), ())),
                                 preferred_element_type=F32,
                                 precision=lax.Precision.HIGHEST)

        @pl.when(pid == 0)
        def _():
            out_ref[...] = jnp.zeros((8, g), F32)

        out_ref[...] = out_ref[...] + jnp.concatenate(
            [pooled, jnp.zeros((7, g), F32)], axis=0)

    full = lambda i: (0, 0)
    return pl.pallas_call(
        body,
        grid=(grid,),
        in_specs=[
            pl.BlockSpec((B, 128), lambda i: (i, 0)),
            pl.BlockSpec((B, 128), lambda i: (i, 0)),
            pl.BlockSpec((B, 6), lambda i: (i, 0)),
            pl.BlockSpec((B, 1), lambda i: (i, 0)),
            pl.BlockSpec((8, 128), full),
            pl.BlockSpec((ef, 22), full),
            pl.BlockSpec((8, 22), full),
            pl.BlockSpec((22, 40), full),
            pl.BlockSpec((8, 40), full),
            pl.BlockSpec((40, 40), full),
            pl.BlockSpec((8, 40), full),
            pl.BlockSpec((128, 512), full),
            pl.BlockSpec((128, 512), full),
            pl.BlockSpec((40, 512), full),
            pl.BlockSpec((8, 512), full),
            pl.BlockSpec((512, 512), full),
            pl.BlockSpec((8, 512), full),
            pl.BlockSpec((512, 256), full),
            pl.BlockSpec((8, 256), full),
            pl.BlockSpec((8, 256), full),
            pl.BlockSpec((8, 8), full),
        ],
        out_specs=pl.BlockSpec((8, g), full),
        out_shape=jax.ShapeDtypeStruct((8, g), F32),
        compiler_params=pltpu.CompilerParams(dimension_semantics=("arbitrary",)),
    )(gs, gd, eap, ebp, ST2, M1, be1, We2, be2, We3, be3,
      Wh1a, Wh1b, Wh1c, bh1, Wh2, bh2, Wh3, bh3, wh4, misc)


def _tc_sumsq(u, mean, npad, n):
    B = 1024
    grid = npad // B

    def body(u_ref, m_ref, out_ref):
        pid = pl.program_id(0)
        d = u_ref[...] - m_ref[0:1, :]
        rid = lax.broadcasted_iota(jnp.int32, (B, 1), 0) + pid * B
        d = jnp.where(rid < n, d, 0.0)
        sq = jnp.sum(d * d, axis=0, keepdims=True)

        @pl.when(pid == 0)
        def _():
            out_ref[...] = jnp.zeros((8, 128), F32)

        out_ref[...] = out_ref[...] + jnp.concatenate(
            [sq, jnp.zeros((7, 128), F32)], axis=0)

    return pl.pallas_call(
        body,
        grid=(grid,),
        in_specs=[
            pl.BlockSpec((B, 128), lambda i: (i, 0)),
            pl.BlockSpec((8, 128), lambda i: (0, 0)),
        ],
        out_specs=pl.BlockSpec((8, 128), lambda i: (0, 0)),
        out_shape=jax.ShapeDtypeStruct((8, 128), F32),
        compiler_params=pltpu.CompilerParams(dimension_semantics=("arbitrary",)),
    )(u, mean)


def _pad_bias(b, n):
    out = jnp.zeros((8, n), F32)
    return out.at[0, :b.shape[0]].set(b)


def kernel(x, edge_index, edge_attr, edge_batch, pos, params):
    n = x.shape[0]
    e = edge_index.shape[1]
    g = 64
    npad = -(-n // 1024) * 1024
    epad = -(-e // (NC * NS * CH)) * (NC * NS * CH)

    node_tabs = params['node_emb']
    edge_tabs = params['edge_emb']
    nv = [t.shape[0] for t in node_tabs]
    nd = [t.shape[1] for t in node_tabs]
    ev = [t.shape[0] for t in edge_tabs]
    ed = [t.shape[1] for t in edge_tabs]
    n_voff = [0]
    for v in nv:
        n_voff.append(n_voff[-1] + v)
    n_doff = [0]
    for dd in nd:
        n_doff.append(n_doff[-1] + dd)
    e_voff = [0]
    for v in ev:
        e_voff.append(e_voff[-1] + v)
    e_doff = [0]
    for dd in ed:
        e_doff.append(e_doff[-1] + dd)
    nf = -(-(n_voff[-1] + 4) // 8) * 8
    ef = -(-(e_voff[-1] + 1) // 8) * 8

    T0 = jnp.zeros((nf, 128), F32)
    for i in range(9):
        T0 = T0.at[n_voff[i]:n_voff[i] + nv[i],
                   n_doff[i]:n_doff[i] + nd[i]].set(node_tabs[i])
    T0 = T0.at[n_voff[-1], n_doff[-1]].set(1.0)
    for j in range(3):
        T0 = T0.at[n_voff[-1] + 1 + j, n_doff[-1] + 1 + j].set(0.1)
    node_onehot_off = n_voff[:9] + [n_voff[-1]]
    edge_onehot_off = e_voff[:5] + [e_voff[-1]]

    ea_map = jnp.zeros((ef, 11), F32)
    for i in range(5):
        ea_map = ea_map.at[e_voff[i]:e_voff[i] + ev[i],
                           e_doff[i]:e_doff[i] + ed[i]].set(edge_tabs[i])
    ea_map = ea_map.at[e_voff[-1], 10].set(0.1)
    M1 = ea_map @ params['e_lin'][0]['w'].T

    W1 = jnp.zeros((128, 108), F32).at[:37].set(params['x_nn1'][0]['w'].T)
    b1 = _pad_bias(params['x_nn1'][0]['b'], 108)
    W2f = jnp.zeros((108, 128), F32).at[:, :108].set(params['x_nn1'][1]['w'].T)
    b2f = _pad_bias(params['x_nn1'][1]['b'], 128).at[0, 108].set(1.0)
    W3 = jnp.zeros((128, 108), F32).at[:108].set(params['x_nn2'][0]['w'].T)
    b3 = _pad_bias(params['x_nn2'][0]['b'], 108)
    W4f = jnp.zeros((108, 128), F32).at[:, :108].set(params['x_nn2'][1]['w'].T)
    b4f = _pad_bias(params['x_nn2'][1]['b'], 128)

    h0w = params['head'][0]['w']
    Wh1a = jnp.zeros((128, 512), F32).at[:108].set(h0w[:, :108].T)
    Wh1b = jnp.zeros((128, 512), F32).at[:108].set(h0w[:, 108:216].T)
    Wh1c = h0w[:, 216:256].T
    bh1 = _pad_bias(params['head'][0]['b'], 512)
    Wh2 = params['head'][1]['w'].T
    bh2 = _pad_bias(params['head'][1]['b'], 512)
    Wh3 = params['head'][2]['w'].T
    bh3 = _pad_bias(params['head'][2]['b'], 256)
    wh4 = jnp.zeros((8, 256), F32).at[0].set(params['head'][3]['w'][0])
    misc = jnp.zeros((8, 8), F32).at[0, 0].set(params['head'][3]['b'][0])
    be1 = _pad_bias(params['e_lin'][0]['b'], 22)
    We2 = params['e_lin'][1]['w'].T
    be2 = _pad_bias(params['e_lin'][1]['b'], 40)
    We3 = params['e_lin'][2]['w'].T
    be3 = _pad_bias(params['e_lin'][2]['b'], 40)

    xp = jnp.zeros((npad, 13), F32).at[:n].set(x)
    posp = jnp.zeros((npad, 3), F32).at[:n].set(pos)
    srcp = jnp.full((epad,), n, jnp.int32).at[:e].set(edge_index[0])
    dstp = jnp.full((epad,), n, jnp.int32).at[:e].set(edge_index[1])
    src2 = srcp.reshape(-1, CW)
    dst2 = dstp.reshape(-1, CW)
    src2s = srcp.reshape(-1, CWS)
    dst2s = dstp.reshape(-1, CWS)

    eap = jnp.zeros((epad, 6), F32).at[:e].set(edge_attr)
    ebp = jnp.zeros((epad, 1), F32).at[:e, 0].set(edge_batch.astype(F32))

    h0 = _tc_node_features(xp, posp, T0, npad, nf, node_onehot_off)
    agg0 = _sc_scatter_add(h0, src2s, dst2s, npad, epad)
    dummy_st = jnp.zeros((8, 128), F32)
    u1, st1 = _tc_gin(h0, agg0[:npad], agg0[npad:], W1, b1, W2f, b2f,
                      dummy_st, npad, n, fold_bn=False)
    mean1 = st1[0, :108] / n
    m1pad = jnp.zeros((8, 128), F32).at[0, :108].set(mean1)
    var1 = _tc_sumsq(u1, m1pad, npad, n)[0, :108] / n
    s1 = params['bn1']['g'] / jnp.sqrt(var1 + 1e-5)
    t1 = params['bn1']['b'] - mean1 * s1
    ST1 = jnp.zeros((8, 128), F32).at[0, :108].set(s1).at[1, :108].set(t1)

    aggu = _sc_scatter_add(u1, src2s, dst2s, npad, epad)
    u2, st2 = _tc_gin(u1, aggu[:npad], aggu[npad:], W3, b3, W4f, b4f,
                      ST1, npad, n, fold_bn=True)
    mean2 = st2[0, :108] / n
    m2pad = jnp.zeros((8, 128), F32).at[0, :108].set(mean2)
    var2 = _tc_sumsq(u2, m2pad, npad, n)[0, :108] / n
    s2 = params['bn2']['g'] / jnp.sqrt(var2 + 1e-5)
    t2 = params['bn2']['b'] - mean2 * s2
    ST2 = jnp.zeros((8, 128), F32).at[0, :108].set(s2).at[1, :108].set(t2)

    gs, gd = _sc_gather2(u2, src2, dst2, epad)
    pooled = _tc_head(gs, gd, eap, ebp, ST2, M1, be1, We2, be2, We3, be3,
                      Wh1a, Wh1b, Wh1c, bh1, Wh2, bh2, Wh3, bh3, wh4, misc,
                      epad, e, ef, edge_onehot_off, g)
    return pooled[0, :].reshape(g, 1)

# --- scband reference (transcript-rebuilt; emitter-appended) ---
"""Pipeline reference for scband-ginnet-52063593562848 (READ-ONLY COPY).

The authoritative reference and input builder live on the scoring server;
editing this copy changes nothing except your own understanding.
"""

import jax, jax.numpy as jnp
import numpy as np

N = 10000
E = 160000
G = 64

NODE_VOCABS = [(10, 5), (4, 2), (12, 6), (7, 3), (10, 5), (9, 4), (12, 6), (2, 1), (2, 1)]
EDGE_VOCABS = [(7, 3), (5, 2), (6, 3), (2, 1), (2, 1)]


def _lin(key, out_d, in_d):
    return {'w': jax.random.normal(key, (out_d, in_d), dtype=jnp.float32) * 0.05,
            'b': jnp.zeros((out_d,), dtype=jnp.float32)}


def _dense(p, h):
    return h @ p['w'].T + p['b']


def setup_inputs(seed: int = 0):
    key = jax.random.key(seed)
    ks = jax.random.split(key, 40)
    x = jax.random.uniform(ks[0], (N, 13), dtype=jnp.float32)
    edge_index = jax.random.randint(ks[1], (2, E), 0, N, dtype=jnp.int32)
    edge_attr = jax.random.uniform(ks[2], (E, 6), dtype=jnp.float32)
    edge_batch = jnp.sort(jax.random.randint(ks[3], (E,), 0, G, dtype=jnp.int32))
    pos = jax.random.normal(ks[4], (N, 3), dtype=jnp.float32)
    params = {}
    params['node_emb'] = [jax.random.normal(ks[5 + i], (v, d), dtype=jnp.float32)
                          for i, (v, d) in enumerate(NODE_VOCABS)]
    params['edge_emb'] = [jax.random.normal(ks[14 + i], (v, d), dtype=jnp.float32)
                          for i, (v, d) in enumerate(EDGE_VOCABS)]
    params['x_nn1'] = [_lin(ks[19], 108, 37), _lin(ks[20], 108, 108)]
    params['x_nn2'] = [_lin(ks[21], 108, 108), _lin(ks[22], 108, 108)]
    params['bn1'] = {'g': jnp.ones((108,), dtype=jnp.float32), 'b': jnp.zeros((108,), dtype=jnp.float32)}
    params['bn2'] = {'g': jnp.ones((108,), dtype=jnp.float32), 'b': jnp.zeros((108,), dtype=jnp.float32)}
    params['e_lin'] = [_lin(ks[23], 22, 11), _lin(ks[24], 40, 22), _lin(ks[25], 40, 40)]
    params['head'] = [_lin(ks[26], 512, 256), _lin(ks[27], 512, 512), _lin(ks[28], 256, 512), _lin(ks[29], 1, 256)]
    return {'x': x, 'edge_index': edge_index, 'edge_attr': edge_attr,
            'edge_batch': edge_batch, 'pos': pos, 'params': params}


def _bn(p, h, eps=1e-5):
    m = jnp.mean(h, axis=0)
    v = jnp.mean((h - m) ** 2, axis=0)
    return p['g'] * (h - m) / jnp.sqrt(v + eps) + p['b']


def _gin(ps, h, src, dst):
    # GINConv with eps=0: nn(x + sum_{j->i} x_j); messages flow src -> dst
    agg = jnp.zeros_like(h).at[dst].add(h[src])
    z = h + agg
    z = jax.nn.relu(_dense(ps[0], z))
    return _dense(ps[1], z)


def _forward(x, edge_attr, pos, params, edge_index, edge_batch):
    node_feats = [params['node_emb'][i][x[:, i].astype(jnp.int32)] for i in range(9)]
    node_feats.append(x[:, 9:10])          # x[:, 9:-3] with 13 columns
    node_feats.append(pos / 10.0)
    h = jnp.concatenate(node_feats, axis=1)  # [N, 37]
    edge_feats = [params['edge_emb'][i][edge_attr[:, i].astype(jnp.int32)] for i in range(5)]
    edge_feats.append(edge_attr[:, 5:] / 10.0)
    ea = jnp.concatenate(edge_feats, axis=1)  # [E, 11]
    src, dst = edge_index[0], edge_index[1]
    h = jax.nn.relu(_gin(params['x_nn1'], h, src, dst))
    h = _bn(params['bn1'], h)
    h = jax.nn.relu(_gin(params['x_nn2'], h, src, dst))
    h = _bn(params['bn2'], h)
    e = jax.nn.relu(_dense(params['e_lin'][0], ea))
    e = jax.nn.relu(_dense(params['e_lin'][1], e))
    e = _dense(params['e_lin'][2], e)        # [E, 40]
    # x[edge_index].transpose(0,1).reshape(-1, 2*dim) == concat(x[src], x[dst])
    xx = jnp.concatenate([h[src], h[dst]], axis=1)  # [E, 216]
    xe = jnp.concatenate([xx, e], axis=1)           # [E, 256]
    z = jax.nn.relu(_dense(params['head'][0], xe))
    z = jax.nn.relu(_dense(params['head'][1], z))
    z = jax.nn.relu(_dense(params['head'][2], z))
    z = _dense(params['head'][3], z)                # [E, 1]
    out = jax.ops.segment_sum(z, edge_batch, num_segments=G)  # global_add_pool over edges
    return out


def reference(x, edge_index, edge_attr, edge_batch, pos, params):
    return _forward(x, edge_attr, pos, params, edge_index, edge_batch)

if __name__ == "__main__":
    import jax
    _d = setup_inputs()
    print(jax.jit(kernel)(*tuple(_d.values())))

</pallas_src>

<mosaic_0001>
#map = affine_map<(d0, d1) -> (0, 0)>
module attributes {stable_mosaic.version = 14 : i64} {
  func.func @k(%arg0: i32, %arg1: i32, %arg2: memref<640x128xf32, #tpu.memory_space<hbm>>, %arg3: memref<10240x128xf32, #tpu.memory_space<hbm>>, %arg4: memref<1280x128xi32, #tpu.memory_space<hbm>>, %arg5: memref<1280x128xi32, #tpu.memory_space<hbm>>, %arg6: memref<20480x128xf32, #tpu.memory_space<hbm>>, %arg7: memref<40x128xi32, #tpu.memory_space<vmem>>, %arg8: memref<40x128xi32, #tpu.memory_space<vmem>>, %arg9: memref<128x128xf32, #tpu.memory_space<vmem>>, %arg10: memref<128x128xf32, #tpu.memory_space<vmem>>, %arg11: memref<10240x128xf32, #tpu.memory_space<vmem_shared>>, %arg12: memref<!tpu.dma_semaphore, #tpu.memory_space<semaphore_mem>>, %arg13: memref<!tpu.dma_semaphore, #tpu.memory_space<semaphore_mem>>) attributes {dimension_semantics = [#tpu.dimension_semantics<core_parallel>, #tpu.dimension_semantics<subcore_parallel>], iteration_bounds = array<i64: 2, 16>, scalar_prefetch = 0 : i64, scratch_operands = 7 : i64, tpu.core_type = #tpu.core_type<sc_vector_subcore>, window_params = [{transform_indices = #map}, {transform_indices = #map}, {transform_indices = #map}, {transform_indices = #map}, {transform_indices = #map}]} {
    %mul3A = arith.constant 16 : i32
    %mul3A_0 = arith.muli %arg0, %mul3A : i32
    %add3A = arith.addi %mul3A_0, %arg1 : i32
    %mul3A_1 = arith.constant 40 : i32
    %mul3A_2 = arith.muli %add3A, %mul3A_1 : i32
    %mul3A_3 = arith.constant 640 : i32
    %mul3A_4 = arith.muli %arg1, %mul3A_3 : i32
    "tpu.region"() ({
      %run_scoped3A = tpu.sem_alloc : memref<!tpu.dma_semaphore, #tpu.memory_space<semaphore_mem>>
      %dma_start3A_27 = arith.constant 0 : i32
      %dma_start3A_28 = tpu.memref_slice %arg4[%mul3A_2, %dma_start3A_27] : memref<1280x128xi32, #tpu.memory_space<hbm>> -> memref<40x128xi32, #tpu.memory_space<hbm>>
      %dma_start3A_29 = arith.constant 0 : i32
      %dma_start3A_30 = tpu.memref_slice %arg4[%mul3A_2, %dma_start3A_29] : memref<1280x128xi32, #tpu.memory_space<hbm>> -> memref<40x128xi32, #tpu.memory_space<hbm>>
      tpu.enqueue_dma source(%dma_start3A_30 : memref<40x128xi32, #tpu.memory_space<hbm>>) target(%arg7 : memref<40x128xi32, #tpu.memory_space<vmem>>) target_semaphore(%run_scoped3A : memref<!tpu.dma_semaphore, #tpu.memory_space<semaphore_mem>>)
      %dma_wait3A = arith.constant 0 : i32
      %dma_wait3A_31 = tpu.memref_slice %arg4[%mul3A_2, %dma_wait3A] : memref<1280x128xi32, #tpu.memory_space<hbm>> -> memref<40x128xi32, #tpu.memory_space<hbm>>
      %dma_wait3A_32 = arith.constant 0 : i32
      %dma_wait3A_33 = tpu.memref_slice %arg4[%mul3A_2, %dma_wait3A_32] : memref<1280x128xi32, #tpu.memory_space<hbm>> -> memref<40x128xi32, #tpu.memory_space<hbm>>
      tpu.wait_dma2 semaphore(%run_scoped3A : memref<!tpu.dma_semaphore, #tpu.memory_space<semaphore_mem>>) src(%dma_wait3A_33 : memref<40x128xi32, #tpu.memory_space<hbm>>) dst(%arg7 : memref<40x128xi32, #tpu.memory_space<vmem>>)
      tpu.yield
    }) : () -> ()
    "tpu.region"() ({
      %run_scoped3A = tpu.sem_alloc : memref<!tpu.dma_semaphore, #tpu.memory_space<semaphore_mem>>
      %dma_start3A_27 = arith.constant 0 : i32
      %dma_start3A_28 = tpu.memref_slice %arg5[%mul3A_2, %dma_start3A_27] : memref<1280x128xi32, #tpu.memory_space<hbm>> -> memref<40x128xi32, #tpu.memory_space<hbm>>
      %dma_start3A_29 = arith.constant 0 : i32
      %dma_start3A_30 = tpu.memref_slice %arg5[%mul3A_2, %dma_start3A_29] : memref<1280x128xi32, #tpu.memory_space<hbm>> -> memref<40x128xi32, #tpu.memory_space<hbm>>
      tpu.enqueue_dma source(%dma_start3A_30 : memref<40x128xi32, #tpu.memory_space<hbm>>) target(%arg8 : memref<40x128xi32, #tpu.memory_space<vmem>>) target_semaphore(%run_scoped3A : memref<!tpu.dma_semaphore, #tpu.memory_space<semaphore_mem>>)
      %dma_wait3A = arith.constant 0 : i32
      %dma_wait3A_31 = tpu.memref_slice %arg5[%mul3A_2, %dma_wait3A] : memref<1280x128xi32, #tpu.memory_space<hbm>> -> memref<40x128xi32, #tpu.memory_space<hbm>>
      %dma_wait3A_32 = arith.constant 0 : i32
      %dma_wait3A_33 = tpu.memref_slice %arg5[%mul3A_2, %dma_wait3A_32] : memref<1280x128xi32, #tpu.memory_space<hbm>> -> memref<40x128xi32, #tpu.memory_space<hbm>>
      tpu.wait_dma2 semaphore(%run_scoped3A : memref<!tpu.dma_semaphore, #tpu.memory_space<semaphore_mem>>) src(%dma_wait3A_33 : memref<40x128xi32, #tpu.memory_space<hbm>>) dst(%arg8 : memref<40x128xi32, #tpu.memory_space<vmem>>)
      tpu.yield
    }) : () -> ()
    "tpu.region"() ({
      %run_scoped3A = tpu.sem_alloc : memref<!tpu.dma_semaphore, #tpu.memory_space<semaphore_mem>>
      %dma_start3A_27 = arith.constant 0 : i32
      %dma_start3A_28 = tpu.memref_slice %arg11[%mul3A_4, %dma_start3A_27] : memref<10240x128xf32, #tpu.memory_space<vmem_shared>> -> memref<640x128xf32, #tpu.memory_space<vmem_shared>>
      tpu.enqueue_dma source(%arg2 : memref<640x128xf32, #tpu.memory_space<hbm>>) target(%dma_start3A_28 : memref<640x128xf32, #tpu.memory_space<vmem_shared>>) target_semaphore(%run_scoped3A : memref<!tpu.dma_semaphore, #tpu.memory_space<semaphore_mem>>)
      %dma_wait3A = arith.constant 0 : i32
      %dma_wait3A_29 = tpu.memref_slice %arg11[%mul3A_4, %dma_wait3A] : memref<10240x128xf32, #tpu.memory_space<vmem_shared>> -> memref<640x128xf32, #tpu.memory_space<vmem_shared>>
      tpu.wait_dma2 semaphore(%run_scoped3A : memref<!tpu.dma_semaphore, #tpu.memory_space<semaphore_mem>>) src(%arg2 : memref<640x128xf32, #tpu.memory_space<hbm>>) dst(%dma_wait3A_29 : memref<640x128xf32, #tpu.memory_space<vmem_shared>>)
      tpu.yield
    }) : () -> ()
    %barrier3A = arith.constant 0 : index
    tpu.barrier barrier_id(%barrier3A)
    %dma_start3A = arith.constant 0 : i32
    %dma_start3A_5 = arith.constant 0 : i32
    %dma_start3A_6 = tpu.memref_slice %arg7[%dma_start3A, %dma_start3A_5] : memref<40x128xi32, #tpu.memory_space<vmem>> -> memref<1x128xi32, #tpu.memory_space<vmem>>
    %dma_start3A_7 = tpu.memref_squeeze %dma_start3A_6 : memref<1x128xi32, #tpu.memory_space<vmem>> -> memref<128xi32, #tpu.memory_space<vmem>>
    %dma_start3A_8 = arith.constant 0 : i32
    %dma_start3A_9 = arith.constant 0 : i32
    %dma_start3A_10 = tpu.memref_slice %arg3[%dma_start3A_8, %dma_start3A_9] : memref<10240x128xf32, #tpu.memory_space<hbm>> -> memref<10240x128xf32, #tpu.memory_space<hbm>>
    tpu.enqueue_indirect_dma source(%dma_start3A_10 : memref<10240x128xf32, #tpu.memory_space<hbm>>) target(%arg9 : memref<128x128xf32, #tpu.memory_space<vmem>>) offsets(%dma_start3A_7 : memref<128xi32, #tpu.memory_space<vmem>>) semaphore(%arg12 : memref<!tpu.dma_semaphore, #tpu.memory_space<semaphore_mem>>)
    %dma_start3A_11 = arith.constant 1 : i32
    %dma_start3A_12 = arith.constant 0 : i32
    %dma_start3A_13 = tpu.memref_slice %arg7[%dma_start3A_11, %dma_start3A_12] : memref<40x128xi32, #tpu.memory_space<vmem>> -> memref<1x128xi32, #tpu.memory_space<vmem>>
    %dma_start3A_14 = tpu.memref_squeeze %dma_start3A_13 : memref<1x128xi32, #tpu.memory_space<vmem>> -> memref<128xi32, #tpu.memory_space<vmem>>
    %dma_start3A_15 = arith.constant 0 : i32
    %dma_start3A_16 = arith.constant 0 : i32
    %dma_start3A_17 = tpu.memref_slice %arg3[%dma_start3A_15, %dma_start3A_16] : memref<10240x128xf32, #tpu.memory_space<hbm>> -> memref<10240x128xf32, #tpu.memory_space<hbm>>
    tpu.enqueue_indirect_dma source(%dma_start3A_17 : memref<10240x128xf32, #tpu.memory_space<hbm>>) target(%arg10 : memref<128x128xf32, #tpu.memory_space<vmem>>) offsets(%dma_start3A_14 : memref<128xi32, #tpu.memory_space<vmem>>) semaphore(%arg13 : memref<!tpu.dma_semaphore, #tpu.memory_space<semaphore_mem>>)
    %scan3A = arith.constant 0 : i32
    %scan3A_18 = arith.constant 0 : i32
    %scan3A_19 = arith.constant 20 : i32
    %scan3A_20 = arith.addi %scan3A_18, %scan3A_19 : i32
    %scan3A_21 = arith.constant 1 : i32
    scf.for %scan3A_27 = %scan3A_18 to %scan3A_20 step %scan3A_21  : i32 {
      %mul3A_28 = arith.constant 2 : i32
      %mul3A_29 = arith.muli %mul3A_28, %scan3A_27 : i32
      %add3A_30 = arith.constant 0 : i32
      %add3A_31 = arith.addi %mul3A_29, %add3A_30 : i32
      %dma_wait3A = arith.constant 0 : i32
      %dma_wait3A_32 = tpu.memref_slice %arg7[%add3A_31, %dma_wait3A] : memref<40x128xi32, #tpu.memory_space<vmem>> -> memref<1x128xi32, #tpu.memory_space<vmem>>
      %dma_wait3A_33 = tpu.memref_squeeze %dma_wait3A_32 : memref<1x128xi32, #tpu.memory_space<vmem>> -> memref<128xi32, #tpu.memory_space<vmem>>
      %dma_wait3A_34 = arith.constant 0 : i32
      %dma_wait3A_35 = arith.constant 0 : i32
      %dma_wait3A_36 = tpu.memref_slice %arg3[%dma_wait3A_34, %dma_wait3A_35] : memref<10240x128xf32, #tpu.memory_space<hbm>> -> memref<10240x128xf32, #tpu.memory_space<hbm>>
      tpu.wait_indirect_dma semaphore(%arg12 : memref<!tpu.dma_semaphore, #tpu.memory_space<semaphore_mem>>) src(%dma_wait3A_36 : memref<10240x128xf32, #tpu.memory_space<hbm>>) dst(%arg9 : memref<128x128xf32, #tpu.memory_space<vmem>>)
      "tpu.region"() ({
        %run_scoped3A = tpu.sem_alloc : memref<!tpu.dma_semaphore, #tpu.memory_space<semaphore_mem>>
        %dma_start3A_58 = arith.constant 0 : i32
        %dma_start3A_59 = tpu.memref_slice %arg8[%add3A_31, %dma_start3A_58] : memref<40x128xi32, #tpu.memory_space<vmem>> -> memref<1x128xi32, #tpu.memory_space<vmem>>
        %dma_start3A_60 = tpu.memref_squeeze %dma_start3A_59 : memref<1x128xi32, #tpu.memory_space<vmem>> -> memref<128xi32, #tpu.memory_space<vmem>>
        %dma_start3A_61 = arith.constant 0 : i32
        %dma_start3A_62 = arith.constant 0 : i32
        %dma_start3A_63 = tpu.memref_slice %arg11[%dma_start3A_61, %dma_start3A_62] : memref<10240x128xf32, #tpu.memory_space<vmem_shared>> -> memref<10240x128xf32, #tpu.memory_space<vmem_shared>>
        tpu.enqueue_indirect_dma source(%arg9 : memref<128x128xf32, #tpu.memory_space<vmem>>) target(%dma_start3A_63 : memref<10240x128xf32, #tpu.memory_space<vmem_shared>>) offsets(%dma_start3A_60 : memref<128xi32, #tpu.memory_space<vmem>>) semaphore(%run_scoped3A : memref<!tpu.dma_semaphore, #tpu.memory_space<semaphore_mem>>) {add = true}
        %dma_wait3A_64 = arith.constant 0 : i32
        %dma_wait3A_65 = tpu.memref_slice %arg8[%add3A_31, %dma_wait3A_64] : memref<40x128xi32, #tpu.memory_space<vmem>> -> memref<1x128xi32, #tpu.memory_space<vmem>>
        %dma_wait3A_66 = tpu.memref_squeeze %dma_wait3A_65 : memref<1x128xi32, #tpu.memory_space<vmem>> -> memref<128xi32, #tpu.memory_space<vmem>>
        %dma_wait3A_67 = arith.constant 0 : i32
        %dma_wait3A_68 = arith.constant 0 : i32
        %dma_wait3A_69 = tpu.memref_slice %arg11[%dma_wait3A_67, %dma_wait3A_68] : memref<10240x128xf32, #tpu.memory_space<vmem_shared>> -> memref<10240x128xf32, #tpu.memory_space<vmem_shared>>
        tpu.wait_indirect_dma semaphore(%run_scoped3A : memref<!tpu.dma_semaphore, #tpu.memory_space<semaphore_mem>>) src(%arg9 : memref<128x128xf32, #tpu.memory_space<vmem>>) dst(%dma_wait3A_69 : memref<10240x128xf32, #tpu.memory_space<vmem_shared>>)
        tpu.yield
      }) : () -> ()
      %add3A_37 = arith.constant 2 : i32
      %add3A_38 = arith.addi %add3A_31, %add3A_37 : i32
      %lt3A = arith.constant 40 : i32
      %lt3A_39 = arith.cmpi slt, %add3A_38, %lt3A : i32
      %convert_element_type3A = arith.extui %lt3A_39 : i1 to i32
      %cond3A = arith.constant 0 : i32
      %cond3A_40 = arith.cmpi ne, %convert_element_type3A, %cond3A : i32
      scf.if %cond3A_40 {
        %add3A_58 = arith.constant 2 : i32
        %add3A_59 = arith.addi %add3A_31, %add3A_58 : i32
        %dma_start3A_60 = arith.constant 0 : i32
        %dma_start3A_61 = tpu.memref_slice %arg7[%add3A_59, %dma_start3A_60] : memref<40x128xi32, #tpu.memory_space<vmem>> -> memref<1x128xi32, #tpu.memory_space<vmem>>
        %dma_start3A_62 = tpu.memref_squeeze %dma_start3A_61 : memref<1x128xi32, #tpu.memory_space<vmem>> -> memref<128xi32, #tpu.memory_space<vmem>>
        %dma_start3A_63 = arith.constant 0 : i32
        %dma_start3A_64 = arith.constant 0 : i32
        %dma_start3A_65 = tpu.memref_slice %arg3[%dma_start3A_63, %dma_start3A_64] : memref<10240x128xf32, #tpu.memory_space<hbm>> -> memref<10240x128xf32, #tpu.memory_space<hbm>>
        tpu.enqueue_indirect_dma source(%dma_start3A_65 : memref<10240x128xf32, #tpu.memory_space<hbm>>) target(%arg9 : memref<128x128xf32, #tpu.memory_space<vmem>>) offsets(%dma_start3A_62 : memref<128xi32, #tpu.memory_space<vmem>>) semaphore(%arg12 : memref<!tpu.dma_semaphore, #tpu.memory_space<semaphore_mem>>)
      } else {
      }
      %mul3A_41 = arith.constant 2 : i32
      %mul3A_42 = arith.muli %mul3A_41, %scan3A_27 : i32
      %add3A_43 = arith.constant 1 : i32
      %add3A_44 = arith.addi %mul3A_42, %add3A_43 : i32
      %dma_wait3A_45 = arith.constant 0 : i32
      %dma_wait3A_46 = tpu.memref_slice %arg7[%add3A_44, %dma_wait3A_45] : memref<40x128xi32, #tpu.memory_space<vmem>> -> memref<1x128xi32, #tpu.memory_space<vmem>>
      %dma_wait3A_47 = tpu.memref_squeeze %dma_wait3A_46 : memref<1x128xi32, #tpu.memory_space<vmem>> -> memref<128xi32, #tpu.memory_space<vmem>>
      %dma_wait3A_48 = arith.constant 0 : i32
      %dma_wait3A_49 = arith.constant 0 : i32
      %dma_wait3A_50 = tpu.memref_slice %arg3[%dma_wait3A_48, %dma_wait3A_49] : memref<10240x128xf32, #tpu.memory_space<hbm>> -> memref<10240x128xf32, #tpu.memory_space<hbm>>
      tpu.wait_indirect_dma semaphore(%arg13 : memref<!tpu.dma_semaphore, #tpu.memory_space<semaphore_mem>>) src(%dma_wait3A_50 : memref<10240x128xf32, #tpu.memory_space<hbm>>) dst(%arg10 : memref<128x128xf32, #tpu.memory_space<vmem>>)
      "tpu.region"() ({
        %run_scoped3A = tpu.sem_alloc : memref<!tpu.dma_semaphore, #tpu.memory_space<semaphore_mem>>
        %dma_start3A_58 = arith.constant 0 : i32
        %dma_start3A_59 = tpu.memref_slice %arg8[%add3A_44, %dma_start3A_58] : memref<40x128xi32, #tpu.memory_space<vmem>> -> memref<1x128xi32, #tpu.memory_space<vmem>>
        %dma_start3A_60 = tpu.memref_squeeze %dma_start3A_59 : memref<1x128xi32, #tpu.memory_space<vmem>> -> memref<128xi32, #tpu.memory_space<vmem>>
        %dma_start3A_61 = arith.constant 0 : i32
        %dma_start3A_62 = arith.constant 0 : i32
        %dma_start3A_63 = tpu.memref_slice %arg11[%dma_start3A_61, %dma_start3A_62] : memref<10240x128xf32, #tpu.memory_space<vmem_shared>> -> memref<10240x128xf32, #tpu.memory_space<vmem_shared>>
        tpu.enqueue_indirect_dma source(%arg10 : memref<128x128xf32, #tpu.memory_space<vmem>>) target(%dma_start3A_63 : memref<10240x128xf32, #tpu.memory_space<vmem_shared>>) offsets(%dma_start3A_60 : memref<128xi32, #tpu.memory_space<vmem>>) semaphore(%run_scoped3A : memref<!tpu.dma_semaphore, #tpu.memory_space<semaphore_mem>>) {add = true}
        %dma_wait3A_64 = arith.constant 0 : i32
        %dma_wait3A_65 = tpu.memref_slice %arg8[%add3A_44, %dma_wait3A_64] : memref<40x128xi32, #tpu.memory_space<vmem>> -> memref<1x128xi32, #tpu.memory_space<vmem>>
        %dma_wait3A_66 = tpu.memref_squeeze %dma_wait3A_65 : memref<1x128xi32, #tpu.memory_space<vmem>> -> memref<128xi32, #tpu.memory_space<vmem>>
        %dma_wait3A_67 = arith.constant 0 : i32
        %dma_wait3A_68 = arith.constant 0 : i32
        %dma_wait3A_69 = tpu.memref_slice %arg11[%dma_wait3A_67, %dma_wait3A_68] : memref<10240x128xf32, #tpu.memory_space<vmem_shared>> -> memref<10240x128xf32, #tpu.memory_space<vmem_shared>>
        tpu.wait_indirect_dma semaphore(%run_scoped3A : memref<!tpu.dma_semaphore, #tpu.memory_space<semaphore_mem>>) src(%arg10 : memref<128x128xf32, #tpu.memory_space<vmem>>) dst(%dma_wait3A_69 : memref<10240x128xf32, #tpu.memory_space<vmem_shared>>)
        tpu.yield
      }) : () -> ()
      %add3A_51 = arith.constant 2 : i32
      %add3A_52 = arith.addi %add3A_44, %add3A_51 : i32
      %lt3A_53 = arith.constant 40 : i32
      %lt3A_54 = arith.cmpi slt, %add3A_52, %lt3A_53 : i32
      %convert_element_type3A_55 = arith.extui %lt3A_54 : i1 to i32
      %cond3A_56 = arith.constant 0 : i32
      %cond3A_57 = arith.cmpi ne, %convert_element_type3A_55, %cond3A_56 : i32
      scf.if %cond3A_57 {
        %add3A_58 = arith.constant 2 : i32
        %add3A_59 = arith.addi %add3A_44, %add3A_58 : i32
        %dma_start3A_60 = arith.constant 0 : i32
        %dma_start3A_61 = tpu.memref_slice %arg7[%add3A_59, %dma_start3A_60] : memref<40x128xi32, #tpu.memory_space<vmem>> -> memref<1x128xi32, #tpu.memory_space<vmem>>
        %dma_start3A_62 = tpu.memref_squeeze %dma_start3A_61 : memref<1x128xi32, #tpu.memory_space<vmem>> -> memref<128xi32, #tpu.memory_space<vmem>>
        %dma_start3A_63 = arith.constant 0 : i32
        %dma_start3A_64 = arith.constant 0 : i32
        %dma_start3A_65 = tpu.memref_slice %arg3[%dma_start3A_63, %dma_start3A_64] : memref<10240x128xf32, #tpu.memory_space<hbm>> -> memref<10240x128xf32, #tpu.memory_space<hbm>>
        tpu.enqueue_indirect_dma source(%dma_start3A_65 : memref<10240x128xf32, #tpu.memory_space<hbm>>) target(%arg10 : memref<128x128xf32, #tpu.memory_space<vmem>>) offsets(%dma_start3A_62 : memref<128xi32, #tpu.memory_space<vmem>>) semaphore(%arg13 : memref<!tpu.dma_semaphore, #tpu.memory_space<semaphore_mem>>)
      } else {
      }
    }
    %scan3A_22 = arith.constant 20 : i32
    %barrier3A_23 = arith.constant 0 : index
    tpu.barrier barrier_id(%barrier3A_23)
    %mul3A_24 = arith.constant 10240 : i32
    %mul3A_25 = arith.muli %arg0, %mul3A_24 : i32
    %add3A_26 = arith.addi %mul3A_25, %mul3A_4 : i32
    "tpu.region"() ({
      %run_scoped3A = tpu.sem_alloc : memref<!tpu.dma_semaphore, #tpu.memory_space<semaphore_mem>>
      %dma_start3A_27 = arith.constant 0 : i32
      %dma_start3A_28 = tpu.memref_slice %arg6[%add3A_26, %dma_start3A_27] : memref<20480x128xf32, #tpu.memory_space<hbm>> -> memref<640x128xf32, #tpu.memory_space<hbm>>
      %dma_start3A_29 = arith.constant 0 : i32
      %dma_start3A_30 = tpu.memref_slice %arg11[%mul3A_4, %dma_start3A_29] : memref<10240x128xf32, #tpu.memory_space<vmem_shared>> -> memref<640x128xf32, #tpu.memory_space<vmem_shared>>
      tpu.enqueue_dma source(%dma_start3A_30 : memref<640x128xf32, #tpu.memory_space<vmem_shared>>) target(%dma_start3A_28 : memref<640x128xf32, #tpu.memory_space<hbm>>) target_semaphore(%run_scoped3A : memref<!tpu.dma_semaphore, #tpu.memory_space<semaphore_mem>>)
      %dma_wait3A = arith.constant 0 : i32
      %dma_wait3A_31 = tpu.memref_slice %arg6[%add3A_26, %dma_wait3A] : memref<20480x128xf32, #tpu.memory_space<hbm>> -> memref<640x128xf32, #tpu.memory_space<hbm>>
      %dma_wait3A_32 = arith.constant 0 : i32
      %dma_wait3A_33 = tpu.memref_slice %arg11[%mul3A_4, %dma_wait3A_32] : memref<10240x128xf32, #tpu.memory_space<vmem_shared>> -> memref<640x128xf32, #tpu.memory_space<vmem_shared>>
      tpu.wait_dma2 semaphore(%run_scoped3A : memref<!tpu.dma_semaphore, #tpu.memory_space<semaphore_mem>>) src(%dma_wait3A_33 : memref<640x128xf32, #tpu.memory_space<vmem_shared>>) dst(%dma_wait3A_31 : memref<640x128xf32, #tpu.memory_space<hbm>>)
      tpu.yield
    }) : () -> ()
    return
  }
}

#map = affine_map<(d0, d1) -> (0, 0)>
module attributes {stable_mosaic.version = 14 : i64} {
  func.func @k(%arg0: i32, %arg1: i32, %arg2: memref<640x128xf32, #tpu.memory_space<hbm>>, %arg3: memref<10240x128xf32, #tpu.memory_space<hbm>>, %arg4: memref<1280x128xi32, #tpu.memory_space<hbm>>, %arg5: memref<1280x128xi32, #tpu.memory_space<hbm>>, %arg6: memref<20480x128xf32, #tpu.memory_space<hbm>>, %arg7: memref<40x128xi32, #tpu.memory_space<vmem>>, %arg8: memref<40x128xi32, #tpu.memory_space<vmem>>, %arg9: memref<128x128xf32, #tpu.memory_space<vmem>>, %arg10: memref<128x128xf32, #tpu.memory_space<vmem>>, %arg11: memref<10240x128xf32, #tpu.memory_space<vmem_shared>>, %arg12: memref<!tpu.dma_semaphore, #tpu.memory_space<semaphore_mem>>, %arg13: memref<!tpu.dma_semaphore, #tpu.memory_space<semaphore_mem>>) attributes {dimension_semantics = [#tpu.dimension_semantics<core_parallel>, #tpu.dimension_semantics<subcore_parallel>], iteration_bounds = array<i64: 2, 16>, scalar_prefetch = 0 : i64, scratch_operands = 7 : i64, tpu.core_type = #tpu.core_type<sc_vector_subcore>, window_params = [{transform_indices = #map}, {transform_indices = #map}, {transform_indices = #map}, {transform_indices = #map}, {transform_indices = #map}]} {
    %mul3A = arith.constant 16 : i32
    %mul3A_0 = arith.muli %arg0, %mul3A : i32
    %add3A = arith.addi %mul3A_0, %arg1 : i32
    %mul3A_1 = arith.constant 40 : i32
    %mul3A_2 = arith.muli %add3A, %mul3A_1 : i32
    %mul3A_3 = arith.constant 640 : i32
    %mul3A_4 = arith.muli %arg1, %mul3A_3 : i32
    "tpu.region"() ({
      %run_scoped3A = tpu.sem_alloc : memref<!tpu.dma_semaphore, #tpu.memory_space<semaphore_mem>>
      %dma_start3A_27 = arith.constant 0 : i32
      %dma_start3A_28 = tpu.memref_slice %arg4[%mul3A_2, %dma_start3A_27] : memref<1280x128xi32, #tpu.memory_space<hbm>> -> memref<40x128xi32, #tpu.memory_space<hbm>>
      %dma_start3A_29 = arith.constant 0 : i32
      %dma_start3A_30 = tpu.memref_slice %arg4[%mul3A_2, %dma_start3A_29] : memref<1280x128xi32, #tpu.memory_space<hbm>> -> memref<40x128xi32, #tpu.memory_space<hbm>>
      tpu.enqueue_dma source(%dma_start3A_30 : memref<40x128xi32, #tpu.memory_space<hbm>>) target(%arg7 : memref<40x128xi32, #tpu.memory_space<vmem>>) target_semaphore(%run_scoped3A : memref<!tpu.dma_semaphore, #tpu.memory_space<semaphore_mem>>)
      %dma_wait3A = arith.constant 0 : i32
      %dma_wait3A_31 = tpu.memref_slice %arg4[%mul3A_2, %dma_wait3A] : memref<1280x128xi32, #tpu.memory_space<hbm>> -> memref<40x128xi32, #tpu.memory_space<hbm>>
      %dma_wait3A_32 = arith.constant 0 : i32
      %dma_wait3A_33 = tpu.memref_slice %arg4[%mul3A_2, %dma_wait3A_32] : memref<1280x128xi32, #tpu.memory_space<hbm>> -> memref<40x128xi32, #tpu.memory_space<hbm>>
      tpu.wait_dma2 semaphore(%run_scoped3A : memref<!tpu.dma_semaphore, #tpu.memory_space<semaphore_mem>>) src(%dma_wait3A_33 : memref<40x128xi32, #tpu.memory_space<hbm>>) dst(%arg7 : memref<40x128xi32, #tpu.memory_space<vmem>>)
      tpu.yield
    }) : () -> ()
    "tpu.region"() ({
      %run_scoped3A = tpu.sem_alloc : memref<!tpu.dma_semaphore, #tpu.memory_space<semaphore_mem>>
      %dma_start3A_27 = arith.constant 0 : i32
      %dma_start3A_28 = tpu.memref_slice %arg5[%mul3A_2, %dma_start3A_27] : memref<1280x128xi32, #tpu.memory_space<hbm>> -> memref<40x128xi32, #tpu.memory_space<hbm>>
      %dma_start3A_29 = arith.constant 0 : i32
      %dma_start3A_30 = tpu.memref_slice %arg5[%mul3A_2, %dma_start3A_29] : memref<1280x128xi32, #tpu.memory_space<hbm>> -> memref<40x128xi32, #tpu.memory_space<hbm>>
      tpu.enqueue_dma source(%dma_start3A_30 : memref<40x128xi32, #tpu.memory_space<hbm>>) target(%arg8 : memref<40x128xi32, #tpu.memory_space<vmem>>) target_semaphore(%run_scoped3A : memref<!tpu.dma_semaphore, #tpu.memory_space<semaphore_mem>>)
      %dma_wait3A = arith.constant 0 : i32
      %dma_wait3A_31 = tpu.memref_slice %arg5[%mul3A_2, %dma_wait3A] : memref<1280x128xi32, #tpu.memory_space<hbm>> -> memref<40x128xi32, #tpu.memory_space<hbm>>
      %dma_wait3A_32 = arith.constant 0 : i32
      %dma_wait3A_33 = tpu.memref_slice %arg5[%mul3A_2, %dma_wait3A_32] : memref<1280x128xi32, #tpu.memory_space<hbm>> -> memref<40x128xi32, #tpu.memory_space<hbm>>
      tpu.wait_dma2 semaphore(%run_scoped3A : memref<!tpu.dma_semaphore, #tpu.memory_space<semaphore_mem>>) src(%dma_wait3A_33 : memref<40x128xi32, #tpu.memory_space<hbm>>) dst(%arg8 : memref<40x128xi32, #tpu.memory_space<vmem>>)
      tpu.yield
    }) : () -> ()
    "tpu.region"() ({
      %run_scoped3A = tpu.sem_alloc : memref<!tpu.dma_semaphore, #tpu.memory_space<semaphore_mem>>
      %dma_start3A_27 = arith.constant 0 : i32
      %dma_start3A_28 = tpu.memref_slice %arg11[%mul3A_4, %dma_start3A_27] : memref<10240x128xf32, #tpu.memory_space<vmem_shared>> -> memref<640x128xf32, #tpu.memory_space<vmem_shared>>
      tpu.enqueue_dma source(%arg2 : memref<640x128xf32, #tpu.memory_space<hbm>>) target(%dma_start3A_28 : memref<640x128xf32, #tpu.memory_space<vmem_shared>>) target_semaphore(%run_scoped3A : memref<!tpu.dma_semaphore, #tpu.memory_space<semaphore_mem>>)
      %dma_wait3A = arith.constant 0 : i32
      %dma_wait3A_29 = tpu.memref_slice %arg11[%mul3A_4, %dma_wait3A] : memref<10240x128xf32, #tpu.memory_space<vmem_shared>> -> memref<640x128xf32, #tpu.memory_space<vmem_shared>>
      tpu.wait_dma2 semaphore(%run_scoped3A : memref<!tpu.dma_semaphore, #tpu.memory_space<semaphore_mem>>) src(%arg2 : memref<640x128xf32, #tpu.memory_space<hbm>>) dst(%dma_wait3A_29 : memref<640x128xf32, #tpu.memory_space<vmem_shared>>)
      tpu.yield
    }) : () -> ()
    %barrier3A = arith.constant 0 : index
    tpu.barrier barrier_id(%barrier3A)
    %dma_start3A = arith.constant 0 : i32
    %dma_start3A_5 = arith.constant 0 : i32
    %dma_start3A_6 = tpu.memref_slice %arg7[%dma_start3A, %dma_start3A_5] : memref<40x128xi32, #tpu.memory_space<vmem>> -> memref<1x128xi32, #tpu.memory_space<vmem>>
    %dma_start3A_7 = tpu.memref_squeeze %dma_start3A_6 : memref<1x128xi32, #tpu.memory_space<vmem>> -> memref<128xi32, #tpu.memory_space<vmem>>
    %dma_start3A_8 = arith.constant 0 : i32
    %dma_start3A_9 = arith.constant 0 : i32
    %dma_start3A_10 = tpu.memref_slice %arg3[%dma_start3A_8, %dma_start3A_9] : memref<10240x128xf32, #tpu.memory_space<hbm>> -> memref<10240x128xf32, #tpu.memory_space<hbm>>
    tpu.enqueue_indirect_dma source(%dma_start3A_10 : memref<10240x128xf32, #tpu.memory_space<hbm>>) target(%arg9 : memref<128x128xf32, #tpu.memory_space<vmem>>) offsets(%dma_start3A_7 : memref<128xi32, #tpu.memory_space<vmem>>) semaphore(%arg12 : memref<!tpu.dma_semaphore, #tpu.memory_space<semaphore_mem>>)
    %dma_start3A_11 = arith.constant 1 : i32
    %dma_start3A_12 = arith.constant 0 : i32
    %dma_start3A_13 = tpu.memref_slice %arg7[%dma_start3A_11, %dma_start3A_12] : memref<40x128xi32, #tpu.memory_space<vmem>> -> memref<1x128xi32, #tpu.memory_space<vmem>>
    %dma_start3A_14 = tpu.memref_squeeze %dma_start3A_13 : memref<1x128xi32, #tpu.memory_space<vmem>> -> memref<128xi32, #tpu.memory_space<vmem>>
    %dma_start3A_15 = arith.constant 0 : i32
    %dma_start3A_16 = arith.constant 0 : i32
    %dma_start3A_17 = tpu.memref_slice %arg3[%dma_start3A_15, %dma_start3A_16] : memref<10240x128xf32, #tpu.memory_space<hbm>> -> memref<10240x128xf32, #tpu.memory_space<hbm>>
    tpu.enqueue_indirect_dma source(%dma_start3A_17 : memref<10240x128xf32, #tpu.memory_space<hbm>>) target(%arg10 : memref<128x128xf32, #tpu.memory_space<vmem>>) offsets(%dma_start3A_14 : memref<128xi32, #tpu.memory_space<vmem>>) semaphore(%arg13 : memref<!tpu.dma_semaphore, #tpu.memory_space<semaphore_mem>>)
    %scan3A = arith.constant 0 : i32
    %scan3A_18 = arith.constant 0 : i32
    %scan3A_19 = arith.constant 20 : i32
    %scan3A_20 = arith.addi %scan3A_18, %scan3A_19 : i32
    %scan3A_21 = arith.constant 1 : i32
    scf.for %scan3A_27 = %scan3A_18 to %scan3A_20 step %scan3A_21  : i32 {
      %mul3A_28 = arith.constant 2 : i32
      %mul3A_29 = arith.muli %mul3A_28, %scan3A_27 : i32
      %add3A_30 = arith.constant 0 : i32
      %add3A_31 = arith.addi %mul3A_29, %add3A_30 : i32
      %dma_wait3A = arith.constant 0 : i32
      %dma_wait3A_32 = tpu.memref_slice %arg7[%add3A_31, %dma_wait3A] : memref<40x128xi32, #tpu.memory_space<vmem>> -> memref<1x128xi32, #tpu.memory_space<vmem>>
      %dma_wait3A_33 = tpu.memref_squeeze %dma_wait3A_32 : memref<1x128xi32, #tpu.memory_space<vmem>> -> memref<128xi32, #tpu.memory_space<vmem>>
      %dma_wait3A_34 = arith.constant 0 : i32
      %dma_wait3A_35 = arith.constant 0 : i32
      %dma_wait3A_36 = tpu.memref_slice %arg3[%dma_wait3A_34, %dma_wait3A_35] : memref<10240x128xf32, #tpu.memory_space<hbm>> -> memref<10240x128xf32, #tpu.memory_space<hbm>>
      tpu.wait_indirect_dma semaphore(%arg12 : memref<!tpu.dma_semaphore, #tpu.memory_space<semaphore_mem>>) src(%dma_wait3A_36 : memref<10240x128xf32, #tpu.memory_space<hbm>>) dst(%arg9 : memref<128x128xf32, #tpu.memory_space<vmem>>)
      "tpu.region"() ({
        %run_scoped3A = tpu.sem_alloc : memref<!tpu.dma_semaphore, #tpu.memory_space<semaphore_mem>>
        %dma_start3A_58 = arith.constant 0 : i32
        %dma_start3A_59 = tpu.memref_slice %arg8[%add3A_31, %dma_start3A_58] : memref<40x128xi32, #tpu.memory_space<vmem>> -> memref<1x128xi32, #tpu.memory_space<vmem>>
        %dma_start3A_60 = tpu.memref_squeeze %dma_start3A_59 : memref<1x128xi32, #tpu.memory_space<vmem>> -> memref<128xi32, #tpu.memory_space<vmem>>
        %dma_start3A_61 = arith.constant 0 : i32
        %dma_start3A_62 = arith.constant 0 : i32
        %dma_start3A_63 = tpu.memref_slice %arg11[%dma_start3A_61, %dma_start3A_62] : memref<10240x128xf32, #tpu.memory_space<vmem_shared>> -> memref<10240x128xf32, #tpu.memory_space<vmem_shared>>
        tpu.enqueue_indirect_dma source(%arg9 : memref<128x128xf32, #tpu.memory_space<vmem>>) target(%dma_start3A_63 : memref<10240x128xf32, #tpu.memory_space<vmem_shared>>) offsets(%dma_start3A_60 : memref<128xi32, #tpu.memory_space<vmem>>) semaphore(%run_scoped3A : memref<!tpu.dma_semaphore, #tpu.memory_space<semaphore_mem>>) {add = true}
        %dma_wait3A_64 = arith.constant 0 : i32
        %dma_wait3A_65 = tpu.memref_slice %arg8[%add3A_31, %dma_wait3A_64] : memref<40x128xi32, #tpu.memory_space<vmem>> -> memref<1x128xi32, #tpu.memory_space<vmem>>
        %dma_wait3A_66 = tpu.memref_squeeze %dma_wait3A_65 : memref<1x128xi32, #tpu.memory_space<vmem>> -> memref<128xi32, #tpu.memory_space<vmem>>
        %dma_wait3A_67 = arith.constant 0 : i32
        %dma_wait3A_68 = arith.constant 0 : i32
        %dma_wait3A_69 = tpu.memref_slice %arg11[%dma_wait3A_67, %dma_wait3A_68] : memref<10240x128xf32, #tpu.memory_space<vmem_shared>> -> memref<10240x128xf32, #tpu.memory_space<vmem_shared>>
        tpu.wait_indirect_dma semaphore(%run_scoped3A : memref<!tpu.dma_semaphore, #tpu.memory_space<semaphore_mem>>) src(%arg9 : memref<128x128xf32, #tpu.memory_space<vmem>>) dst(%dma_wait3A_69 : memref<10240x128xf32, #tpu.memory_space<vmem_shared>>)
        tpu.yield
      }) : () -> ()
      %add3A_37 = arith.constant 2 : i32
      %add3A_38 = arith.addi %add3A_31, %add3A_37 : i32
      %lt3A = arith.constant 40 : i32
      %lt3A_39 = arith.cmpi slt, %add3A_38, %lt3A : i32
      %convert_element_type3A = arith.extui %lt3A_39 : i1 to i32
      %cond3A = arith.constant 0 : i32
      %cond3A_40 = arith.cmpi ne, %convert_element_type3A, %cond3A : i32
      scf.if %cond3A_40 {
        %add3A_58 = arith.constant 2 : i32
        %add3A_59 = arith.addi %add3A_31, %add3A_58 : i32
        %dma_start3A_60 = arith.constant 0 : i32
        %dma_start3A_61 = tpu.memref_slice %arg7[%add3A_59, %dma_start3A_60] : memref<40x128xi32, #tpu.memory_space<vmem>> -> memref<1x128xi32, #tpu.memory_space<vmem>>
        %dma_start3A_62 = tpu.memref_squeeze %dma_start3A_61 : memref<1x128xi32, #tpu.memory_space<vmem>> -> memref<128xi32, #tpu.memory_space<vmem>>
        %dma_start3A_63 = arith.constant 0 : i32
        %dma_start3A_64 = arith.constant 0 : i32
        %dma_start3A_65 = tpu.memref_slice %arg3[%dma_start3A_63, %dma_start3A_64] : memref<10240x128xf32, #tpu.memory_space<hbm>> -> memref<10240x128xf32, #tpu.memory_space<hbm>>
        tpu.enqueue_indirect_dma source(%dma_start3A_65 : memref<10240x128xf32, #tpu.memory_space<hbm>>) target(%arg9 : memref<128x128xf32, #tpu.memory_space<vmem>>) offsets(%dma_start3A_62 : memref<128xi32, #tpu.memory_space<vmem>>) semaphore(%arg12 : memref<!tpu.dma_semaphore, #tpu.memory_space<semaphore_mem>>)
      } else {
      }
      %mul3A_41 = arith.constant 2 : i32
      %mul3A_42 = arith.muli %mul3A_41, %scan3A_27 : i32
      %add3A_43 = arith.constant 1 : i32
      %add3A_44 = arith.addi %mul3A_42, %add3A_43 : i32
      %dma_wait3A_45 = arith.constant 0 : i32
      %dma_wait3A_46 = tpu.memref_slice %arg7[%add3A_44, %dma_wait3A_45] : memref<40x128xi32, #tpu.memory_space<vmem>> -> memref<1x128xi32, #tpu.memory_space<vmem>>
      %dma_wait3A_47 = tpu.memref_squeeze %dma_wait3A_46 : memref<1x128xi32, #tpu.memory_space<vmem>> -> memref<128xi32, #tpu.memory_space<vmem>>
      %dma_wait3A_48 = arith.constant 0 : i32
      %dma_wait3A_49 = arith.constant 0 : i32
      %dma_wait3A_50 = tpu.memref_slice %arg3[%dma_wait3A_48, %dma_wait3A_49] : memref<10240x128xf32, #tpu.memory_space<hbm>> -> memref<10240x128xf32, #tpu.memory_space<hbm>>
      tpu.wait_indirect_dma semaphore(%arg13 : memref<!tpu.dma_semaphore, #tpu.memory_space<semaphore_mem>>) src(%dma_wait3A_50 : memref<10240x128xf32, #tpu.memory_space<hbm>>) dst(%arg10 : memref<128x128xf32, #tpu.memory_space<vmem>>)
      "tpu.region"() ({
        %run_scoped3A = tpu.sem_alloc : memref<!tpu.dma_semaphore, #tpu.memory_space<semaphore_mem>>
        %dma_start3A_58 = arith.constant 0 : i32
        %dma_start3A_59 = tpu.memref_slice %arg8[%add3A_44, %dma_start3A_58] : memref<40x128xi32, #tpu.memory_space<vmem>> -> memref<1x128xi32, #tpu.memory_space<vmem>>
        %dma_start3A_60 = tpu.memref_squeeze %dma_start3A_59 : memref<1x128xi32, #tpu.memory_space<vmem>> -> memref<128xi32, #tpu.memory_space<vmem>>
        %dma_start3A_61 = arith.constant 0 : i32
        %dma_start3A_62 = arith.constant 0 : i32
        %dma_start3A_63 = tpu.memref_slice %arg11[%dma_start3A_61, %dma_start3A_62] : memref<10240x128xf32, #tpu.memory_space<vmem_shared>> -> memref<10240x128xf32, #tpu.memory_space<vmem_shared>>
        tpu.enqueue_indirect_dma source(%arg10 : memref<128x128xf32, #tpu.memory_space<vmem>>) target(%dma_start3A_63 : memref<10240x128xf32, #tpu.memory_space<vmem_shared>>) offsets(%dma_start3A_60 : memref<128xi32, #tpu.memory_space<vmem>>) semaphore(%run_scoped3A : memref<!tpu.dma_semaphore, #tpu.memory_space<semaphore_mem>>) {add = true}
        %dma_wait3A_64 = arith.constant 0 : i32
        %dma_wait3A_65 = tpu.memref_slice %arg8[%add3A_44, %dma_wait3A_64] : memref<40x128xi32, #tpu.memory_space<vmem>> -> memref<1x128xi32, #tpu.memory_space<vmem>>
        %dma_wait3A_66 = tpu.memref_squeeze %dma_wait3A_65 : memref<1x128xi32, #tpu.memory_space<vmem>> -> memref<128xi32, #tpu.memory_space<vmem>>
        %dma_wait3A_67 = arith.constant 0 : i32
        %dma_wait3A_68 = arith.constant 0 : i32
        %dma_wait3A_69 = tpu.memref_slice %arg11[%dma_wait3A_67, %dma_wait3A_68] : memref<10240x128xf32, #tpu.memory_space<vmem_shared>> -> memref<10240x128xf32, #tpu.memory_space<vmem_shared>>
        tpu.wait_indirect_dma semaphore(%run_scoped3A : memref<!tpu.dma_semaphore, #tpu.memory_space<semaphore_mem>>) src(%arg10 : memref<128x128xf32, #tpu.memory_space<vmem>>) dst(%dma_wait3A_69 : memref<10240x128xf32, #tpu.memory_space<vmem_shared>>)
        tpu.yield
      }) : () -> ()
      %add3A_51 = arith.constant 2 : i32
      %add3A_52 = arith.addi %add3A_44, %add3A_51 : i32
      %lt3A_53 = arith.constant 40 : i32
      %lt3A_54 = arith.cmpi slt, %add3A_52, %lt3A_53 : i32
      %convert_element_type3A_55 = arith.extui %lt3A_54 : i1 to i32
      %cond3A_56 = arith.constant 0 : i32
      %cond3A_57 = arith.cmpi ne, %convert_element_type3A_55, %cond3A_56 : i32
      scf.if %cond3A_57 {
        %add3A_58 = arith.constant 2 : i32
        %add3A_59 = arith.addi %add3A_44, %add3A_58 : i32
        %dma_start3A_60 = arith.constant 0 : i32
        %dma_start3A_61 = tpu.memref_slice %arg7[%add3A_59, %dma_start3A_60] : memref<40x128xi32, #tpu.memory_space<vmem>> -> memref<1x128xi32, #tpu.memory_space<vmem>>
        %dma_start3A_62 = tpu.memref_squeeze %dma_start3A_61 : memref<1x128xi32, #tpu.memory_space<vmem>> -> memref<128xi32, #tpu.memory_space<vmem>>
        %dma_start3A_63 = arith.constant 0 : i32
        %dma_start3A_64 = arith.constant 0 : i32
        %dma_start3A_65 = tpu.memref_slice %arg3[%dma_start3A_63, %dma_start3A_64] : memref<10240x128xf32, #tpu.memory_space<hbm>> -> memref<10240x128xf32, #tpu.memory_space<hbm>>
        tpu.enqueue_indirect_dma source(%dma_start3A_65 : memref<10240x128xf32, #tpu.memory_space<hbm>>) target(%arg10 : memref<128x128xf32, #tpu.memory_space<vmem>>) offsets(%dma_start3A_62 : memref<128xi32, #tpu.memory_space<vmem>>) semaphore(%arg13 : memref<!tpu.dma_semaphore, #tpu.memory_space<semaphore_mem>>)
      } else {
      }
    }
    %scan3A_22 = arith.constant 20 : i32
    %barrier3A_23 = arith.constant 0 : index
    tpu.barrier barrier_id(%barrier3A_23)
    %mul3A_24 = arith.constant 10240 : i32
    %mul3A_25 = arith.muli %arg0, %mul3A_24 : i32
    %add3A_26 = arith.addi %mul3A_25, %mul3A_4 : i32
    "tpu.region"() ({
      %run_scoped3A = tpu.sem_alloc : memref<!tpu.dma_semaphore, #tpu.memory_space<semaphore_mem>>
      %dma_start3A_27 = arith.constant 0 : i32
      %dma_start3A_28 = tpu.memref_slice %arg6[%add3A_26, %dma_start3A_27] : memref<20480x128xf32, #tpu.memory_space<hbm>> -> memref<640x128xf32, #tpu.memory_space<hbm>>
      %dma_start3A_29 = arith.constant 0 : i32
      %dma_start3A_30 = tpu.memref_slice %arg11[%mul3A_4, %dma_start3A_29] : memref<10240x128xf32, #tpu.memory_space<vmem_shared>> -> memref<640x128xf32, #tpu.memory_space<vmem_shared>>
      tpu.enqueue_dma source(%dma_start3A_30 : memref<640x128xf32, #tpu.memory_space<vmem_shared>>) target(%dma_start3A_28 : memref<640x128xf32, #tpu.memory_space<hbm>>) target_semaphore(%run_scoped3A : memref<!tpu.dma_semaphore, #tpu.memory_space<semaphore_mem>>)
      %dma_wait3A = arith.constant 0 : i32
      %dma_wait3A_31 = tpu.memref_slice %arg6[%add3A_26, %dma_wait3A] : memref<20480x128xf32, #tpu.memory_space<hbm>> -> memref<640x128xf32, #tpu.memory_space<hbm>>
      %dma_wait3A_32 = arith.constant 0 : i32
      %dma_wait3A_33 = tpu.memref_slice %arg11[%mul3A_4, %dma_wait3A_32] : memref<10240x128xf32, #tpu.memory_space<vmem_shared>> -> memref<640x128xf32, #tpu.memory_space<vmem_shared>>
      tpu.wait_dma2 semaphore(%run_scoped3A : memref<!tpu.dma_semaphore, #tpu.memory_space<semaphore_mem>>) src(%dma_wait3A_33 : memref<640x128xf32, #tpu.memory_space<vmem_shared>>) dst(%dma_wait3A_31 : memref<640x128xf32, #tpu.memory_space<hbm>>)
      tpu.yield
    }) : () -> ()
    return
  }
}

#map = affine_map<(d0, d1) -> (0, 0)>
module attributes {stable_mosaic.version = 14 : i64} {
  func.func @k(%arg0: i32, %arg1: i32, %arg2: memref<10240x128xf32, #tpu.memory_space<hbm>>, %arg3: memref<2560x64xi32, #tpu.memory_space<hbm>>, %arg4: memref<2560x64xi32, #tpu.memory_space<hbm>>, %arg5: memref<163840x128xf32, #tpu.memory_space<hbm>>, %arg6: memref<163840x128xf32, #tpu.memory_space<hbm>>, %arg7: memref<80x64xi32, #tpu.memory_space<vmem>>, %arg8: memref<80x64xi32, #tpu.memory_space<vmem>>, %arg9: memref<64x128xf32, #tpu.memory_space<vmem>>, %arg10: memref<64x128xf32, #tpu.memory_space<vmem>>, %arg11: memref<64x128xf32, #tpu.memory_space<vmem>>, %arg12: memref<64x128xf32, #tpu.memory_space<vmem>>, %arg13: memref<64x128xf32, #tpu.memory_space<vmem>>, %arg14: memref<64x128xf32, #tpu.memory_space<vmem>>, %arg15: memref<64x128xf32, #tpu.memory_space<vmem>>, %arg16: memref<64x128xf32, #tpu.memory_space<vmem>>, %arg17: memref<!tpu.dma_semaphore, #tpu.memory_space<semaphore_mem>>, %arg18: memref<!tpu.dma_semaphore, #tpu.memory_space<semaphore_mem>>, %arg19: memref<!tpu.dma_semaphore, #tpu.memory_space<semaphore_mem>>, %arg20: memref<!tpu.dma_semaphore, #tpu.memory_space<semaphore_mem>>, %arg21: memref<!tpu.dma_semaphore, #tpu.memory_space<semaphore_mem>>, %arg22: memref<!tpu.dma_semaphore, #tpu.memory_space<semaphore_mem>>, %arg23: memref<!tpu.dma_semaphore, #tpu.memory_space<semaphore_mem>>, %arg24: memref<!tpu.dma_semaphore, #tpu.memory_space<semaphore_mem>>, %arg25: memref<!tpu.dma_semaphore, #tpu.memory_space<semaphore_mem>>, %arg26: memref<!tpu.dma_semaphore, #tpu.memory_space<semaphore_mem>>, %arg27: memref<!tpu.dma_semaphore, #tpu.memory_space<semaphore_mem>>, %arg28: memref<!tpu.dma_semaphore, #tpu.memory_space<semaphore_mem>>, %arg29: memref<!tpu.dma_semaphore, #tpu.memory_space<semaphore_mem>>, %arg30: memref<!tpu.dma_semaphore, #tpu.memory_space<semaphore_mem>>, %arg31: memref<!tpu.dma_semaphore, #tpu.memory_space<semaphore_mem>>, %arg32: memref<!tpu.dma_semaphore, #tpu.memory_space<semaphore_mem>>) attributes {dimension_semantics = [#tpu.dimension_semantics<core_parallel>, #tpu.dimension_semantics<subcore_parallel>], iteration_bounds = array<i64: 2, 16>, scalar_prefetch = 0 : i64, scratch_operands = 26 : i64, tpu.core_type = #tpu.core_type<sc_vector_subcore>, window_params = [{transform_indices = #map}, {transform_indices = #map}, {transform_indices = #map}, {transform_indices = #map}, {transform_indices = #map}]} {
    %mul3A = arith.constant 16 : i32
    %mul3A_0 = arith.muli %arg0, %mul3A : i32
    %add3A = arith.addi %mul3A_0, %arg1 : i32
    %mul3A_1 = arith.constant 80 : i32
    %mul3A_2 = arith.muli %add3A, %mul3A_1 : i32
    %mul3A_3 = arith.constant 64 : i32
    %mul3A_4 = arith.muli %mul3A_2, %mul3A_3 : i32
    "tpu.region"() ({
      %run_scoped3A = tpu.sem_alloc : memref<!tpu.dma_semaphore, #tpu.memory_space<semaphore_mem>>
      %dma_start3A_112 = arith.constant 0 : i32
      %dma_start3A_113 = tpu.memref_slice %arg3[%mul3A_2, %dma_start3A_112] : memref<2560x64xi32, #tpu.memory_space<hbm>> -> memref<80x64xi32, #tpu.memory_space<hbm>>
      %dma_start3A_114 = arith.constant 0 : i32
      %dma_start3A_115 = tpu.memref_slice %arg3[%mul3A_2, %dma_start3A_114] : memref<2560x64xi32, #tpu.memory_space<hbm>> -> memref<80x64xi32, #tpu.memory_space<hbm>>
      tpu.enqueue_dma source(%dma_start3A_115 : memref<80x64xi32, #tpu.memory_space<hbm>>) target(%arg7 : memref<80x64xi32, #tpu.memory_space<vmem>>) target_semaphore(%run_scoped3A : memref<!tpu.dma_semaphore, #tpu.memory_space<semaphore_mem>>)
      %dma_wait3A_116 = arith.constant 0 : i32
      %dma_wait3A_117 = tpu.memref_slice %arg3[%mul3A_2, %dma_wait3A_116] : memref<2560x64xi32, #tpu.memory_space<hbm>> -> memref<80x64xi32, #tpu.memory_space<hbm>>
      %dma_wait3A_118 = arith.constant 0 : i32
      %dma_wait3A_119 = tpu.memref_slice %arg3[%mul3A_2, %dma_wait3A_118] : memref<2560x64xi32, #tpu.memory_space<hbm>> -> memref<80x64xi32, #tpu.memory_space<hbm>>
      tpu.wait_dma2 semaphore(%run_scoped3A : memref<!tpu.dma_semaphore, #tpu.memory_space<semaphore_mem>>) src(%dma_wait3A_119 : memref<80x64xi32, #tpu.memory_space<hbm>>) dst(%arg7 : memref<80x64xi32, #tpu.memory_space<vmem>>)
      tpu.yield
    }) : () -> ()
    "tpu.region"() ({
      %run_scoped3A = tpu.sem_alloc : memref<!tpu.dma_semaphore, #tpu.memory_space<semaphore_mem>>
      %dma_start3A_112 = arith.constant 0 : i32
      %dma_start3A_113 = tpu.memref_slice %arg4[%mul3A_2, %dma_start3A_112] : memref<2560x64xi32, #tpu.memory_space<hbm>> -> memref<80x64xi32, #tpu.memory_space<hbm>>
      %dma_start3A_114 = arith.constant 0 : i32
      %dma_start3A_115 = tpu.memref_slice %arg4[%mul3A_2, %dma_start3A_114] : memref<2560x64xi32, #tpu.memory_space<hbm>> -> memref<80x64xi32, #tpu.memory_space<hbm>>
      tpu.enqueue_dma source(%dma_start3A_115 : memref<80x64xi32, #tpu.memory_space<hbm>>) target(%arg8 : memref<80x64xi32, #tpu.memory_space<vmem>>) target_semaphore(%run_scoped3A : memref<!tpu.dma_semaphore, #tpu.memory_space<semaphore_mem>>)
      %dma_wait3A_116 = arith.constant 0 : i32
      %dma_wait3A_117 = tpu.memref_slice %arg4[%mul3A_2, %dma_wait3A_116] : memref<2560x64xi32, #tpu.memory_space<hbm>> -> memref<80x64xi32, #tpu.memory_space<hbm>>
      %dma_wait3A_118 = arith.constant 0 : i32
      %dma_wait3A_119 = tpu.memref_slice %arg4[%mul3A_2, %dma_wait3A_118] : memref<2560x64xi32, #tpu.memory_space<hbm>> -> memref<80x64xi32, #tpu.memory_space<hbm>>
      tpu.wait_dma2 semaphore(%run_scoped3A : memref<!tpu.dma_semaphore, #tpu.memory_space<semaphore_mem>>) src(%dma_wait3A_119 : memref<80x64xi32, #tpu.memory_space<hbm>>) dst(%arg8 : memref<80x64xi32, #tpu.memory_space<vmem>>)
      tpu.yield
    }) : () -> ()
    %dma_start3A = arith.constant 0 : i32
    %dma_start3A_5 = arith.constant 0 : i32
    %dma_start3A_6 = tpu.memref_slice %arg7[%dma_start3A, %dma_start3A_5] : memref<80x64xi32, #tpu.memory_space<vmem>> -> memref<1x64xi32, #tpu.memory_space<vmem>>
    %dma_start3A_7 = tpu.memref_squeeze %dma_start3A_6 : memref<1x64xi32, #tpu.memory_space<vmem>> -> memref<64xi32, #tpu.memory_space<vmem>>
    %dma_start3A_8 = arith.constant 0 : i32
    %dma_start3A_9 = arith.constant 0 : i32
    %dma_start3A_10 = tpu.memref_slice %arg2[%dma_start3A_8, %dma_start3A_9] : memref<10240x128xf32, #tpu.memory_space<hbm>> -> memref<10240x128xf32, #tpu.memory_space<hbm>>
    tpu.enqueue_indirect_dma source(%dma_start3A_10 : memref<10240x128xf32, #tpu.memory_space<hbm>>) target(%arg9 : memref<64x128xf32, #tpu.memory_space<vmem>>) offsets(%dma_start3A_7 : memref<64xi32, #tpu.memory_space<vmem>>) semaphore(%arg17 : memref<!tpu.dma_semaphore, #tpu.memory_space<semaphore_mem>>)
    %dma_start3A_11 = arith.constant 1 : i32
    %dma_start3A_12 = arith.constant 0 : i32
    %dma_start3A_13 = tpu.memref_slice %arg7[%dma_start3A_11, %dma_start3A_12] : memref<80x64xi32, #tpu.memory_space<vmem>> -> memref<1x64xi32, #tpu.memory_space<vmem>>
    %dma_start3A_14 = tpu.memref_squeeze %dma_start3A_13 : memref<1x64xi32, #tpu.memory_space<vmem>> -> memref<64xi32, #tpu.memory_space<vmem>>
    %dma_start3A_15 = arith.constant 0 : i32
    %dma_start3A_16 = arith.constant 0 : i32
    %dma_start3A_17 = tpu.memref_slice %arg2[%dma_start3A_15, %dma_start3A_16] : memref<10240x128xf32, #tpu.memory_space<hbm>> -> memref<10240x128xf32, #tpu.memory_space<hbm>>
    tpu.enqueue_indirect_dma source(%dma_start3A_17 : memref<10240x128xf32, #tpu.memory_space<hbm>>) target(%arg10 : memref<64x128xf32, #tpu.memory_space<vmem>>) offsets(%dma_start3A_14 : memref<64xi32, #tpu.memory_space<vmem>>) semaphore(%arg18 : memref<!tpu.dma_semaphore, #tpu.memory_space<semaphore_mem>>)
    %dma_start3A_18 = arith.constant 2 : i32
    %dma_start3A_19 = arith.constant 0 : i32
    %dma_start3A_20 = tpu.memref_slice %arg7[%dma_start3A_18, %dma_start3A_19] : memref<80x64xi32, #tpu.memory_space<vmem>> -> memref<1x64xi32, #tpu.memory_space<vmem>>
    %dma_start3A_21 = tpu.memref_squeeze %dma_start3A_20 : memref<1x64xi32, #tpu.memory_space<vmem>> -> memref<64xi32, #tpu.memory_space<vmem>>
    %dma_start3A_22 = arith.constant 0 : i32
    %dma_start3A_23 = arith.constant 0 : i32
    %dma_start3A_24 = tpu.memref_slice %arg2[%dma_start3A_22, %dma_start3A_23] : memref<10240x128xf32, #tpu.memory_space<hbm>> -> memref<10240x128xf32, #tpu.memory_space<hbm>>
    tpu.enqueue_indirect_dma source(%dma_start3A_24 : memref<10240x128xf32, #tpu.memory_space<hbm>>) target(%arg11 : memref<64x128xf32, #tpu.memory_space<vmem>>) offsets(%dma_start3A_21 : memref<64xi32, #tpu.memory_space<vmem>>) semaphore(%arg19 : memref<!tpu.dma_semaphore, #tpu.memory_space<semaphore_mem>>)
    %dma_start3A_25 = arith.constant 3 : i32
    %dma_start3A_26 = arith.constant 0 : i32
    %dma_start3A_27 = tpu.memref_slice %arg7[%dma_start3A_25, %dma_start3A_26] : memref<80x64xi32, #tpu.memory_space<vmem>> -> memref<1x64xi32, #tpu.memory_space<vmem>>
    %dma_start3A_28 = tpu.memref_squeeze %dma_start3A_27 : memref<1x64xi32, #tpu.memory_space<vmem>> -> memref<64xi32, #tpu.memory_space<vmem>>
    %dma_start3A_29 = arith.constant 0 : i32
    %dma_start3A_30 = arith.constant 0 : i32
    %dma_start3A_31 = tpu.memref_slice %arg2[%dma_start3A_29, %dma_start3A_30] : memref<10240x128xf32, #tpu.memory_space<hbm>> -> memref<10240x128xf32, #tpu.memory_space<hbm>>
    tpu.enqueue_indirect_dma source(%dma_start3A_31 : memref<10240x128xf32, #tpu.memory_space<hbm>>) target(%arg12 : memref<64x128xf32, #tpu.memory_space<vmem>>) offsets(%dma_start3A_28 : memref<64xi32, #tpu.memory_space<vmem>>) semaphore(%arg20 : memref<!tpu.dma_semaphore, #tpu.memory_space<semaphore_mem>>)
    %dma_start3A_32 = arith.constant 0 : i32
    %dma_start3A_33 = arith.constant 0 : i32
    %dma_start3A_34 = tpu.memref_slice %arg8[%dma_start3A_32, %dma_start3A_33] : memref<80x64xi32, #tpu.memory_space<vmem>> -> memref<1x64xi32, #tpu.memory_space<vmem>>
    %dma_start3A_35 = tpu.memref_squeeze %dma_start3A_34 : memref<1x64xi32, #tpu.memory_space<vmem>> -> memref<64xi32, #tpu.memory_space<vmem>>
    %dma_start3A_36 = arith.constant 0 : i32
    %dma_start3A_37 = arith.constant 0 : i32
    %dma_start3A_38 = tpu.memref_slice %arg2[%dma_start3A_36, %dma_start3A_37] : memref<10240x128xf32, #tpu.memory_space<hbm>> -> memref<10240x128xf32, #tpu.memory_space<hbm>>
    tpu.enqueue_indirect_dma source(%dma_start3A_38 : memref<10240x128xf32, #tpu.memory_space<hbm>>) target(%arg13 : memref<64x128xf32, #tpu.memory_space<vmem>>) offsets(%dma_start3A_35 : memref<64xi32, #tpu.memory_space<vmem>>) semaphore(%arg21 : memref<!tpu.dma_semaphore, #tpu.memory_space<semaphore_mem>>)
    %dma_start3A_39 = arith.constant 1 : i32
    %dma_start3A_40 = arith.constant 0 : i32
    %dma_start3A_41 = tpu.memref_slice %arg8[%dma_start3A_39, %dma_start3A_40] : memref<80x64xi32, #tpu.memory_space<vmem>> -> memref<1x64xi32, #tpu.memory_space<vmem>>
    %dma_start3A_42 = tpu.memref_squeeze %dma_start3A_41 : memref<1x64xi32, #tpu.memory_space<vmem>> -> memref<64xi32, #tpu.memory_space<vmem>>
    %dma_start3A_43 = arith.constant 0 : i32
    %dma_start3A_44 = arith.constant 0 : i32
    %dma_start3A_45 = tpu.memref_slice %arg2[%dma_start3A_43, %dma_start3A_44] : memref<10240x128xf32, #tpu.memory_space<hbm>> -> memref<10240x128xf32, #tpu.memory_space<hbm>>
    tpu.enqueue_indirect_dma source(%dma_start3A_45 : memref<10240x128xf32, #tpu.memory_space<hbm>>) target(%arg14 : memref<64x128xf32, #tpu.memory_space<vmem>>) offsets(%dma_start3A_42 : memref<64xi32, #tpu.memory_space<vmem>>) semaphore(%arg22 : memref<!tpu.dma_semaphore, #tpu.memory_space<semaphore_mem>>)
    %dma_start3A_46 = arith.constant 2 : i32
    %dma_start3A_47 = arith.constant 0 : i32
    %dma_start3A_48 = tpu.memref_slice %arg8[%dma_start3A_46, %dma_start3A_47] : memref<80x64xi32, #tpu.memory_space<vmem>> -> memref<1x64xi32, #tpu.memory_space<vmem>>
    %dma_start3A_49 = tpu.memref_squeeze %dma_start3A_48 : memref<1x64xi32, #tpu.memory_space<vmem>> -> memref<64xi32, #tpu.memory_space<vmem>>
    %dma_start3A_50 = arith.constant 0 : i32
    %dma_start3A_51 = arith.constant 0 : i32
    %dma_start3A_52 = tpu.memref_slice %arg2[%dma_start3A_50, %dma_start3A_51] : memref<10240x128xf32, #tpu.memory_space<hbm>> -> memref<10240x128xf32, #tpu.memory_space<hbm>>
    tpu.enqueue_indirect_dma source(%dma_start3A_52 : memref<10240x128xf32, #tpu.memory_space<hbm>>) target(%arg15 : memref<64x128xf32, #tpu.memory_space<vmem>>) offsets(%dma_start3A_49 : memref<64xi32, #tpu.memory_space<vmem>>) semaphore(%arg23 : memref<!tpu.dma_semaphore, #tpu.memory_space<semaphore_mem>>)
    %dma_start3A_53 = arith.constant 3 : i32
    %dma_start3A_54 = arith.constant 0 : i32
    %dma_start3A_55 = tpu.memref_slice %arg8[%dma_start3A_53, %dma_start3A_54] : memref<80x64xi32, #tpu.memory_space<vmem>> -> memref<1x64xi32, #tpu.memory_space<vmem>>
    %dma_start3A_56 = tpu.memref_squeeze %dma_start3A_55 : memref<1x64xi32, #tpu.memory_space<vmem>> -> memref<64xi32, #tpu.memory_space<vmem>>
    %dma_start3A_57 = arith.constant 0 : i32
    %dma_start3A_58 = arith.constant 0 : i32
    %dma_start3A_59 = tpu.memref_slice %arg2[%dma_start3A_57, %dma_start3A_58] : memref<10240x128xf32, #tpu.memory_space<hbm>> -> memref<10240x128xf32, #tpu.memory_space<hbm>>
    tpu.enqueue_indirect_dma source(%dma_start3A_59 : memref<10240x128xf32, #tpu.memory_space<hbm>>) target(%arg16 : memref<64x128xf32, #tpu.memory_space<vmem>>) offsets(%dma_start3A_56 : memref<64xi32, #tpu.memory_space<vmem>>) semaphore(%arg24 : memref<!tpu.dma_semaphore, #tpu.memory_space<semaphore_mem>>)
    %scan3A = arith.constant 0 : i32
    %scan3A_60 = arith.constant 0 : i32
    %scan3A_61 = arith.constant 20 : i32
    %scan3A_62 = arith.addi %scan3A_60, %scan3A_61 : i32
    %scan3A_63 = arith.constant 1 : i32
    scf.for %scan3A_112 = %scan3A_60 to %scan3A_62 step %scan3A_63  : i32 {
      %mul3A_113 = arith.constant 4 : i32
      %mul3A_114 = arith.muli %scan3A_112, %mul3A_113 : i32
      %add3A_115 = arith.constant 0 : i32
      %add3A_116 = arith.addi %mul3A_114, %add3A_115 : i32
      %dma_wait3A_117 = arith.constant 0 : i32
      %dma_wait3A_118 = tpu.memref_slice %arg7[%add3A_116, %dma_wait3A_117] : memref<80x64xi32, #tpu.memory_space<vmem>> -> memref<1x64xi32, #tpu.memory_space<vmem>>
      %dma_wait3A_119 = tpu.memref_squeeze %dma_wait3A_118 : memref<1x64xi32, #tpu.memory_space<vmem>> -> memref<64xi32, #tpu.memory_space<vmem>>
      %dma_wait3A_120 = arith.constant 0 : i32
      %dma_wait3A_121 = arith.constant 0 : i32
      %dma_wait3A_122 = tpu.memref_slice %arg2[%dma_wait3A_120, %dma_wait3A_121] : memref<10240x128xf32, #tpu.memory_space<hbm>> -> memref<10240x128xf32, #tpu.memory_space<hbm>>
      tpu.wait_indirect_dma semaphore(%arg17 : memref<!tpu.dma_semaphore, #tpu.memory_space<semaphore_mem>>) src(%dma_wait3A_122 : memref<10240x128xf32, #tpu.memory_space<hbm>>) dst(%arg9 : memref<64x128xf32, #tpu.memory_space<vmem>>)
      %mul3A_123 = arith.constant 64 : i32
      %mul3A_124 = arith.muli %add3A_116, %mul3A_123 : i32
      %add3A_125 = arith.addi %mul3A_4, %mul3A_124 : i32
      %dma_start3A_126 = arith.constant 0 : i32
      %dma_start3A_127 = tpu.memref_slice %arg5[%add3A_125, %dma_start3A_126] : memref<163840x128xf32, #tpu.memory_space<hbm>> -> memref<64x128xf32, #tpu.memory_space<hbm>>
      %dma_start3A_128 = arith.constant 0 : i32
      %dma_start3A_129 = tpu.memref_slice %arg5[%add3A_125, %dma_start3A_128] : memref<163840x128xf32, #tpu.memory_space<hbm>> -> memref<64x128xf32, #tpu.memory_space<hbm>>
      tpu.enqueue_dma source(%arg9 : memref<64x128xf32, #tpu.memory_space<vmem>>) target(%dma_start3A_129 : memref<64x128xf32, #tpu.memory_space<hbm>>) target_semaphore(%arg25 : memref<!tpu.dma_semaphore, #tpu.memory_space<semaphore_mem>>)
      %add3A_130 = arith.constant 4 : i32
      %add3A_131 = arith.addi %add3A_116, %add3A_130 : i32
      %lt3A = arith.constant 80 : i32
      %lt3A_132 = arith.cmpi slt, %add3A_131, %lt3A : i32
      %convert_element_type3A = arith.extui %lt3A_132 : i1 to i32
      %cond3A = arith.constant 0 : i32
      %cond3A_133 = arith.cmpi ne, %convert_element_type3A, %cond3A : i32
      scf.if %cond3A_133 {
        %mul3A_302 = arith.constant 64 : i32
        %mul3A_303 = arith.muli %add3A_116, %mul3A_302 : i32
        %add3A_304 = arith.addi %mul3A_4, %mul3A_303 : i32
        %dma_wait3A_305 = arith.constant 0 : i32
        %dma_wait3A_306 = tpu.memref_slice %arg5[%add3A_304, %dma_wait3A_305] : memref<163840x128xf32, #tpu.memory_space<hbm>> -> memref<64x128xf32, #tpu.memory_space<hbm>>
        %dma_wait3A_307 = arith.constant 0 : i32
        %dma_wait3A_308 = tpu.memref_slice %arg5[%add3A_304, %dma_wait3A_307] : memref<163840x128xf32, #tpu.memory_space<hbm>> -> memref<64x128xf32, #tpu.memory_space<hbm>>
        tpu.wait_dma2 semaphore(%arg25 : memref<!tpu.dma_semaphore, #tpu.memory_space<semaphore_mem>>) src(%arg9 : memref<64x128xf32, #tpu.memory_space<vmem>>) dst(%dma_wait3A_308 : memref<64x128xf32, #tpu.memory_space<hbm>>)
        %add3A_309 = arith.constant 4 : i32
        %add3A_310 = arith.addi %add3A_116, %add3A_309 : i32
        %dma_start3A_311 = arith.constant 0 : i32
        %dma_start3A_312 = tpu.memref_slice %arg7[%add3A_310, %dma_start3A_311] : memref<80x64xi32, #tpu.memory_space<vmem>> -> memref<1x64xi32, #tpu.memory_space<vmem>>
        %dma_start3A_313 = tpu.memref_squeeze %dma_start3A_312 : memref<1x64xi32, #tpu.memory_space<vmem>> -> memref<64xi32, #tpu.memory_space<vmem>>
        %dma_start3A_314 = arith.constant 0 : i32
        %dma_start3A_315 = arith.constant 0 : i32
        %dma_start3A_316 = tpu.memref_slice %arg2[%dma_start3A_314, %dma_start3A_315] : memref<10240x128xf32, #tpu.memory_space<hbm>> -> memref<10240x128xf32, #tpu.memory_space<hbm>>
        tpu.enqueue_indirect_dma source(%dma_start3A_316 : memref<10240x128xf32, #tpu.memory_space<hbm>>) target(%arg9 : memref<64x128xf32, #tpu.memory_space<vmem>>) offsets(%dma_start3A_313 : memref<64xi32, #tpu.memory_space<vmem>>) semaphore(%arg17 : memref<!tpu.dma_semaphore, #tpu.memory_space<semaphore_mem>>)
      } else {
      }
      %mul3A_134 = arith.constant 4 : i32
      %mul3A_135 = arith.muli %scan3A_112, %mul3A_134 : i32
      %add3A_136 = arith.constant 1 : i32
      %add3A_137 = arith.addi %mul3A_135, %add3A_136 : i32
      %dma_wait3A_138 = arith.constant 0 : i32
      %dma_wait3A_139 = tpu.memref_slice %arg7[%add3A_137, %dma_wait3A_138] : memref<80x64xi32, #tpu.memory_space<vmem>> -> memref<1x64xi32, #tpu.memory_space<vmem>>
      %dma_wait3A_140 = tpu.memref_squeeze %dma_wait3A_139 : memref<1x64xi32, #tpu.memory_space<vmem>> -> memref<64xi32, #tpu.memory_space<vmem>>
      %dma_wait3A_141 = arith.constant 0 : i32
      %dma_wait3A_142 = arith.constant 0 : i32
      %dma_wait3A_143 = tpu.memref_slice %arg2[%dma_wait3A_141, %dma_wait3A_142] : memref<10240x128xf32, #tpu.memory_space<hbm>> -> memref<10240x128xf32, #tpu.memory_space<hbm>>
      tpu.wait_indirect_dma semaphore(%arg18 : memref<!tpu.dma_semaphore, #tpu.memory_space<semaphore_mem>>) src(%dma_wait3A_143 : memref<10240x128xf32, #tpu.memory_space<hbm>>) dst(%arg10 : memref<64x128xf32, #tpu.memory_space<vmem>>)
      %mul3A_144 = arith.constant 64 : i32
      %mul3A_145 = arith.muli %add3A_137, %mul3A_144 : i32
      %add3A_146 = arith.addi %mul3A_4, %mul3A_145 : i32
      %dma_start3A_147 = arith.constant 0 : i32
      %dma_start3A_148 = tpu.memref_slice %arg5[%add3A_146, %dma_start3A_147] : memref<163840x128xf32, #tpu.memory_space<hbm>> -> memref<64x128xf32, #tpu.memory_space<hbm>>
      %dma_start3A_149 = arith.constant 0 : i32
      %dma_start3A_150 = tpu.memref_slice %arg5[%add3A_146, %dma_start3A_149] : memref<163840x128xf32, #tpu.memory_space<hbm>> -> memref<64x128xf32, #tpu.memory_space<hbm>>
      tpu.enqueue_dma source(%arg10 : memref<64x128xf32, #tpu.memory_space<vmem>>) target(%dma_start3A_150 : memref<64x128xf32, #tpu.memory_space<hbm>>) target_semaphore(%arg26 : memref<!tpu.dma_semaphore, #tpu.memory_space<semaphore_mem>>)
      %add3A_151 = arith.constant 4 : i32
      %add3A_152 = arith.addi %add3A_137, %add3A_151 : i32
      %lt3A_153 = arith.constant 80 : i32
      %lt3A_154 = arith.cmpi slt, %add3A_152, %lt3A_153 : i32
      %convert_element_type3A_155 = arith.extui %lt3A_154 : i1 to i32
      %cond3A_156 = arith.constant 0 : i32
      %cond3A_157 = arith.cmpi ne, %convert_element_type3A_155, %cond3A_156 : i32
      scf.if %cond3A_157 {
        %mul3A_302 = arith.constant 64 : i32
        %mul3A_303 = arith.muli %add3A_137, %mul3A_302 : i32
        %add3A_304 = arith.addi %mul3A_4, %mul3A_303 : i32
        %dma_wait3A_305 = arith.constant 0 : i32
        %dma_wait3A_306 = tpu.memref_slice %arg5[%add3A_304, %dma_wait3A_305] : memref<163840x128xf32, #tpu.memory_space<hbm>> -> memref<64x128xf32, #tpu.memory_space<hbm>>
        %dma_wait3A_307 = arith.constant 0 : i32
        %dma_wait3A_308 = tpu.memref_slice %arg5[%add3A_304, %dma_wait3A_307] : memref<163840x128xf32, #tpu.memory_space<hbm>> -> memref<64x128xf32, #tpu.memory_space<hbm>>
        tpu.wait_dma2 semaphore(%arg26 : memref<!tpu.dma_semaphore, #tpu.memory_space<semaphore_mem>>) src(%arg10 : memref<64x128xf32, #tpu.memory_space<vmem>>) dst(%dma_wait3A_308 : memref<64x128xf32, #tpu.memory_space<hbm>>)
        %add3A_309 = arith.constant 4 : i32
        %add3A_310 = arith.addi %add3A_137, %add3A_309 : i32
        %dma_start3A_311 = arith.constant 0 : i32
        %dma_start3A_312 = tpu.memref_slice %arg7[%add3A_310, %dma_start3A_311] : memref<80x64xi32, #tpu.memory_space<vmem>> -> memref<1x64xi32, #tpu.memory_space<vmem>>
        %dma_start3A_313 = tpu.memref_squeeze %dma_start3A_312 : memref<1x64xi32, #tpu.memory_space<vmem>> -> memref<64xi32, #tpu.memory_space<vmem>>
        %dma_start3A_314 = arith.constant 0 : i32
        %dma_start3A_315 = arith.constant 0 : i32
        %dma_start3A_316 = tpu.memref_slice %arg2[%dma_start3A_314, %dma_start3A_315] : memref<10240x128xf32, #tpu.memory_space<hbm>> -> memref<10240x128xf32, #tpu.memory_space<hbm>>
        tpu.enqueue_indirect_dma source(%dma_start3A_316 : memref<10240x128xf32, #tpu.memory_space<hbm>>) target(%arg10 : memref<64x128xf32, #tpu.memory_space<vmem>>) offsets(%dma_start3A_313 : memref<64xi32, #tpu.memory_space<vmem>>) semaphore(%arg18 : memref<!tpu.dma_semaphore, #tpu.memory_space<semaphore_mem>>)
      } else {
      }
      %mul3A_158 = arith.constant 4 : i32
      %mul3A_159 = arith.muli %scan3A_112, %mul3A_158 : i32
      %add3A_160 = arith.constant 2 : i32
      %add3A_161 = arith.addi %mul3A_159, %add3A_160 : i32
      %dma_wait3A_162 = arith.constant 0 : i32
      %dma_wait3A_163 = tpu.memref_slice %arg7[%add3A_161, %dma_wait3A_162] : memref<80x64xi32, #tpu.memory_space<vmem>> -> memref<1x64xi32, #tpu.memory_space<vmem>>
      %dma_wait3A_164 = tpu.memref_squeeze %dma_wait3A_163 : memref<1x64xi32, #tpu.memory_space<vmem>> -> memref<64xi32, #tpu.memory_space<vmem>>
      %dma_wait3A_165 = arith.constant 0 : i32
      %dma_wait3A_166 = arith.constant 0 : i32
      %dma_wait3A_167 = tpu.memref_slice %arg2[%dma_wait3A_165, %dma_wait3A_166] : memref<10240x128xf32, #tpu.memory_space<hbm>> -> memref<10240x128xf32, #tpu.memory_space<hbm>>
      tpu.wait_indirect_dma semaphore(%arg19 : memref<!tpu.dma_semaphore, #tpu.memory_space<semaphore_mem>>) src(%dma_wait3A_167 : memref<10240x128xf32, #tpu.memory_space<hbm>>) dst(%arg11 : memref<64x128xf32, #tpu.memory_space<vmem>>)
      %mul3A_168 = arith.constant 64 : i32
      %mul3A_169 = arith.muli %add3A_161, %mul3A_168 : i32
      %add3A_170 = arith.addi %mul3A_4, %mul3A_169 : i32
      %dma_start3A_171 = arith.constant 0 : i32
      %dma_start3A_172 = tpu.memref_slice %arg5[%add3A_170, %dma_start3A_171] : memref<163840x128xf32, #tpu.memory_space<hbm>> -> memref<64x128xf32, #tpu.memory_space<hbm>>
      %dma_start3A_173 = arith.constant 0 : i32
      %dma_start3A_174 = tpu.memref_slice %arg5[%add3A_170, %dma_start3A_173] : memref<163840x128xf32, #tpu.memory_space<hbm>> -> memref<64x128xf32, #tpu.memory_space<hbm>>
      tpu.enqueue_dma source(%arg11 : memref<64x128xf32, #tpu.memory_space<vmem>>) target(%dma_start3A_174 : memref<64x128xf32, #tpu.memory_space<hbm>>) target_semaphore(%arg27 : memref<!tpu.dma_semaphore, #tpu.memory_space<semaphore_mem>>)
      %add3A_175 = arith.constant 4 : i32
      %add3A_176 = arith.addi %add3A_161, %add3A_175 : i32
      %lt3A_177 = arith.constant 80 : i32
      %lt3A_178 = arith.cmpi slt, %add3A_176, %lt3A_177 : i32
      %convert_element_type3A_179 = arith.extui %lt3A_178 : i1 to i32
      %cond3A_180 = arith.constant 0 : i32
      %cond3A_181 = arith.cmpi ne, %convert_element_type3A_179, %cond3A_180 : i32
      scf.if %cond3A_181 {
        %mul3A_302 = arith.constant 64 : i32
        %mul3A_303 = arith.muli %add3A_161, %mul3A_302 : i32
        %add3A_304 = arith.addi %mul3A_4, %mul3A_303 : i32
        %dma_wait3A_305 = arith.constant 0 : i32
        %dma_wait3A_306 = tpu.memref_slice %arg5[%add3A_304, %dma_wait3A_305] : memref<163840x128xf32, #tpu.memory_space<hbm>> -> memref<64x128xf32, #tpu.memory_space<hbm>>
        %dma_wait3A_307 = arith.constant 0 : i32
        %dma_wait3A_308 = tpu.memref_slice %arg5[%add3A_304, %dma_wait3A_307] : memref<163840x128xf32, #tpu.memory_space<hbm>> -> memref<64x128xf32, #tpu.memory_space<hbm>>
        tpu.wait_dma2 semaphore(%arg27 : memref<!tpu.dma_semaphore, #tpu.memory_space<semaphore_mem>>) src(%arg11 : memref<64x128xf32, #tpu.memory_space<vmem>>) dst(%dma_wait3A_308 : memref<64x128xf32, #tpu.memory_space<hbm>>)
        %add3A_309 = arith.constant 4 : i32
        %add3A_310 = arith.addi %add3A_161, %add3A_309 : i32
        %dma_start3A_311 = arith.constant 0 : i32
        %dma_start3A_312 = tpu.memref_slice %arg7[%add3A_310, %dma_start3A_311] : memref<80x64xi32, #tpu.memory_space<vmem>> -> memref<1x64xi32, #tpu.memory_space<vmem>>
        %dma_start3A_313 = tpu.memref_squeeze %dma_start3A_312 : memref<1x64xi32, #tpu.memory_space<vmem>> -> memref<64xi32, #tpu.memory_space<vmem>>
        %dma_start3A_314 = arith.constant 0 : i32
        %dma_start3A_315 = arith.constant 0 : i32
        %dma_start3A_316 = tpu.memref_slice %arg2[%dma_start3A_314, %dma_start3A_315] : memref<10240x128xf32, #tpu.memory_space<hbm>> -> memref<10240x128xf32, #tpu.memory_space<hbm>>
        tpu.enqueue_indirect_dma source(%dma_start3A_316 : memref<10240x128xf32, #tpu.memory_space<hbm>>) target(%arg11 : memref<64x128xf32, #tpu.memory_space<vmem>>) offsets(%dma_start3A_313 : memref<64xi32, #tpu.memory_space<vmem>>) semaphore(%arg19 : memref<!tpu.dma_semaphore, #tpu.memory_space<semaphore_mem>>)
      } else {
      }
      %mul3A_182 = arith.constant 4 : i32
      %mul3A_183 = arith.muli %scan3A_112, %mul3A_182 : i32
      %add3A_184 = arith.constant 3 : i32
      %add3A_185 = arith.addi %mul3A_183, %add3A_184 : i32
      %dma_wait3A_186 = arith.constant 0 : i32
      %dma_wait3A_187 = tpu.memref_slice %arg7[%add3A_185, %dma_wait3A_186] : memref<80x64xi32, #tpu.memory_space<vmem>> -> memref<1x64xi32, #tpu.memory_space<vmem>>
      %dma_wait3A_188 = tpu.memref_squeeze %dma_wait3A_187 : memref<1x64xi32, #tpu.memory_space<vmem>> -> memref<64xi32, #tpu.memory_space<vmem>>
      %dma_wait3A_189 = arith.constant 0 : i32
      %dma_wait3A_190 = arith.constant 0 : i32
      %dma_wait3A_191 = tpu.memref_slice %arg2[%dma_wait3A_189, %dma_wait3A_190] : memref<10240x128xf32, #tpu.memory_space<hbm>> -> memref<10240x128xf32, #tpu.memory_space<hbm>>
      tpu.wait_indirect_dma semaphore(%arg20 : memref<!tpu.dma_semaphore, #tpu.memory_space<semaphore_mem>>) src(%dma_wait3A_191 : memref<10240x128xf32, #tpu.memory_space<hbm>>) dst(%arg12 : memref<64x128xf32, #tpu.memory_space<vmem>>)
      %mul3A_192 = arith.constant 64 : i32
      %mul3A_193 = arith.muli %add3A_185, %mul3A_192 : i32
      %add3A_194 = arith.addi %mul3A_4, %mul3A_193 : i32
      %dma_start3A_195 = arith.constant 0 : i32
      %dma_start3A_196 = tpu.memref_slice %arg5[%add3A_194, %dma_start3A_195] : memref<163840x128xf32, #tpu.memory_space<hbm>> -> memref<64x128xf32, #tpu.memory_space<hbm>>
      %dma_start3A_197 = arith.constant 0 : i32
      %dma_start3A_198 = tpu.memref_slice %arg5[%add3A_194, %dma_start3A_197] : memref<163840x128xf32, #tpu.memory_space<hbm>> -> memref<64x128xf32, #tpu.memory_space<hbm>>
      tpu.enqueue_dma source(%arg12 : memref<64x128xf32, #tpu.memory_space<vmem>>) target(%dma_start3A_198 : memref<64x128xf32, #tpu.memory_space<hbm>>) target_semaphore(%arg28 : memref<!tpu.dma_semaphore, #tpu.memory_space<semaphore_mem>>)
      %add3A_199 = arith.constant 4 : i32
      %add3A_200 = arith.addi %add3A_185, %add3A_199 : i32
      %lt3A_201 = arith.constant 80 : i32
      %lt3A_202 = arith.cmpi slt, %add3A_200, %lt3A_201 : i32
      %convert_element_type3A_203 = arith.extui %lt3A_202 : i1 to i32
      %cond3A_204 = arith.constant 0 : i32
      %cond3A_205 = arith.cmpi ne, %convert_element_type3A_203, %cond3A_204 : i32
      scf.if %cond3A_205 {
        %mul3A_302 = arith.constant 64 : i32
        %mul3A_303 = arith.muli %add3A_185, %mul3A_302 : i32
        %add3A_304 = arith.addi %mul3A_4, %mul3A_303 : i32
        %dma_wait3A_305 = arith.constant 0 : i32
        %dma_wait3A_306 = tpu.memref_slice %arg5[%add3A_304, %dma_wait3A_305] : memref<163840x128xf32, #tpu.memory_space<hbm>> -> memref<64x128xf32, #tpu.memory_space<hbm>>
        %dma_wait3A_307 = arith.constant 0 : i32
        %dma_wait3A_308 = tpu.memref_slice %arg5[%add3A_304, %dma_wait3A_307] : memref<163840x128xf32, #tpu.memory_space<hbm>> -> memref<64x128xf32, #tpu.memory_space<hbm>>
        tpu.wait_dma2 semaphore(%arg28 : memref<!tpu.dma_semaphore, #tpu.memory_space<semaphore_mem>>) src(%arg12 : memref<64x128xf32, #tpu.memory_space<vmem>>) dst(%dma_wait3A_308 : memref<64x128xf32, #tpu.memory_space<hbm>>)
        %add3A_309 = arith.constant 4 : i32
        %add3A_310 = arith.addi %add3A_185, %add3A_309 : i32
        %dma_start3A_311 = arith.constant 0 : i32
        %dma_start3A_312 = tpu.memref_slice %arg7[%add3A_310, %dma_start3A_311] : memref<80x64xi32, #tpu.memory_space<vmem>> -> memref<1x64xi32, #tpu.memory_space<vmem>>
        %dma_start3A_313 = tpu.memref_squeeze %dma_start3A_312 : memref<1x64xi32, #tpu.memory_space<vmem>> -> memref<64xi32, #tpu.memory_space<vmem>>
        %dma_start3A_314 = arith.constant 0 : i32
        %dma_start3A_315 = arith.constant 0 : i32
        %dma_start3A_316 = tpu.memref_slice %arg2[%dma_start3A_314, %dma_start3A_315] : memref<10240x128xf32, #tpu.memory_space<hbm>> -> memref<10240x128xf32, #tpu.memory_space<hbm>>
        tpu.enqueue_indirect_dma source(%dma_start3A_316 : memref<10240x128xf32, #tpu.memory_space<hbm>>) target(%arg12 : memref<64x128xf32, #tpu.memory_space<vmem>>) offsets(%dma_start3A_313 : memref<64xi32, #tpu.memory_space<vmem>>) semaphore(%arg20 : memref<!tpu.dma_semaphore, #tpu.memory_space<semaphore_mem>>)
      } else {
      }
      %mul3A_206 = arith.constant 4 : i32
      %mul3A_207 = arith.muli %scan3A_112, %mul3A_206 : i32
      %add3A_208 = arith.constant 0 : i32
      %add3A_209 = arith.addi %mul3A_207, %add3A_208 : i32
      %dma_wait3A_210 = arith.constant 0 : i32
      %dma_wait3A_211 = tpu.memref_slice %arg8[%add3A_209, %dma_wait3A_210] : memref<80x64xi32, #tpu.memory_space<vmem>> -> memref<1x64xi32, #tpu.memory_space<vmem>>
      %dma_wait3A_212 = tpu.memref_squeeze %dma_wait3A_211 : memref<1x64xi32, #tpu.memory_space<vmem>> -> memref<64xi32, #tpu.memory_space<vmem>>
      %dma_wait3A_213 = arith.constant 0 : i32
      %dma_wait3A_214 = arith.constant 0 : i32
      %dma_wait3A_215 = tpu.memref_slice %arg2[%dma_wait3A_213, %dma_wait3A_214] : memref<10240x128xf32, #tpu.memory_space<hbm>> -> memref<10240x128xf32, #tpu.memory_space<hbm>>
      tpu.wait_indirect_dma semaphore(%arg21 : memref<!tpu.dma_semaphore, #tpu.memory_space<semaphore_mem>>) src(%dma_wait3A_215 : memref<10240x128xf32, #tpu.memory_space<hbm>>) dst(%arg13 : memref<64x128xf32, #tpu.memory_space<vmem>>)
      %mul3A_216 = arith.constant 64 : i32
      %mul3A_217 = arith.muli %add3A_209, %mul3A_216 : i32
      %add3A_218 = arith.addi %mul3A_4, %mul3A_217 : i32
      %dma_start3A_219 = arith.constant 0 : i32
      %dma_start3A_220 = tpu.memref_slice %arg6[%add3A_218, %dma_start3A_219] : memref<163840x128xf32, #tpu.memory_space<hbm>> -> memref<64x128xf32, #tpu.memory_space<hbm>>
      %dma_start3A_221 = arith.constant 0 : i32
      %dma_start3A_222 = tpu.memref_slice %arg6[%add3A_218, %dma_start3A_221] : memref<163840x128xf32, #tpu.memory_space<hbm>> -> memref<64x128xf32, #tpu.memory_space<hbm>>
      tpu.enqueue_dma source(%arg13 : memref<64x128xf32, #tpu.memory_space<vmem>>) target(%dma_start3A_222 : memref<64x128xf32, #tpu.memory_space<hbm>>) target_semaphore(%arg29 : memref<!tpu.dma_semaphore, #tpu.memory_space<semaphore_mem>>)
      %add3A_223 = arith.constant 4 : i32
      %add3A_224 = arith.addi %add3A_209, %add3A_223 : i32
      %lt3A_225 = arith.constant 80 : i32
      %lt3A_226 = arith.cmpi slt, %add3A_224, %lt3A_225 : i32
      %convert_element_type3A_227 = arith.extui %lt3A_226 : i1 to i32
      %cond3A_228 = arith.constant 0 : i32
      %cond3A_229 = arith.cmpi ne, %convert_element_type3A_227, %cond3A_228 : i32
      scf.if %cond3A_229 {
        %mul3A_302 = arith.constant 64 : i32
        %mul3A_303 = arith.muli %add3A_209, %mul3A_302 : i32
        %add3A_304 = arith.addi %mul3A_4, %mul3A_303 : i32
        %dma_wait3A_305 = arith.constant 0 : i32
        %dma_wait3A_306 = tpu.memref_slice %arg6[%add3A_304, %dma_wait3A_305] : memref<163840x128xf32, #tpu.memory_space<hbm>> -> memref<64x128xf32, #tpu.memory_space<hbm>>
        %dma_wait3A_307 = arith.constant 0 : i32
        %dma_wait3A_308 = tpu.memref_slice %arg6[%add3A_304, %dma_wait3A_307] : memref<163840x128xf32, #tpu.memory_space<hbm>> -> memref<64x128xf32, #tpu.memory_space<hbm>>
        tpu.wait_dma2 semaphore(%arg29 : memref<!tpu.dma_semaphore, #tpu.memory_space<semaphore_mem>>) src(%arg13 : memref<64x128xf32, #tpu.memory_space<vmem>>) dst(%dma_wait3A_308 : memref<64x128xf32, #tpu.memory_space<hbm>>)
        %add3A_309 = arith.constant 4 : i32
        %add3A_310 = arith.addi %add3A_209, %add3A_309 : i32
        %dma_start3A_311 = arith.constant 0 : i32
        %dma_start3A_312 = tpu.memref_slice %arg8[%add3A_310, %dma_start3A_311] : memref<80x64xi32, #tpu.memory_space<vmem>> -> memref<1x64xi32, #tpu.memory_space<vmem>>
        %dma_start3A_313 = tpu.memref_squeeze %dma_start3A_312 : memref<1x64xi32, #tpu.memory_space<vmem>> -> memref<64xi32, #tpu.memory_space<vmem>>
        %dma_start3A_314 = arith.constant 0 : i32
        %dma_start3A_315 = arith.constant 0 : i32
        %dma_start3A_316 = tpu.memref_slice %arg2[%dma_start3A_314, %dma_start3A_315] : memref<10240x128xf32, #tpu.memory_space<hbm>> -> memref<10240x128xf32, #tpu.memory_space<hbm>>
        tpu.enqueue_indirect_dma source(%dma_start3A_316 : memref<10240x128xf32, #tpu.memory_space<hbm>>) target(%arg13 : memref<64x128xf32, #tpu.memory_space<vmem>>) offsets(%dma_start3A_313 : memref<64xi32, #tpu.memory_space<vmem>>) semaphore(%arg21 : memref<!tpu.dma_semaphore, #tpu.memory_space<semaphore_mem>>)
      } else {
      }
      %mul3A_230 = arith.constant 4 : i32
      %mul3A_231 = arith.muli %scan3A_112, %mul3A_230 : i32
      %add3A_232 = arith.constant 1 : i32
      %add3A_233 = arith.addi %mul3A_231, %add3A_232 : i32
      %dma_wait3A_234 = arith.constant 0 : i32
      %dma_wait3A_235 = tpu.memref_slice %arg8[%add3A_233, %dma_wait3A_234] : memref<80x64xi32, #tpu.memory_space<vmem>> -> memref<1x64xi32, #tpu.memory_space<vmem>>
      %dma_wait3A_236 = tpu.memref_squeeze %dma_wait3A_235 : memref<1x64xi32, #tpu.memory_space<vmem>> -> memref<64xi32, #tpu.memory_space<vmem>>
      %dma_wait3A_237 = arith.constant 0 : i32
      %dma_wait3A_238 = arith.constant 0 : i32
      %dma_wait3A_239 = tpu.memref_slice %arg2[%dma_wait3A_237, %dma_wait3A_238] : memref<10240x128xf32, #tpu.memory_space<hbm>> -> memref<10240x128xf32, #tpu.memory_space<hbm>>
      tpu.wait_indirect_dma semaphore(%arg22 : memref<!tpu.dma_semaphore, #tpu.memory_space<semaphore_mem>>) src(%dma_wait3A_239 : memref<10240x128xf32, #tpu.memory_space<hbm>>) dst(%arg14 : memref<64x128xf32, #tpu.memory_space<vmem>>)
      %mul3A_240 = arith.constant 64 : i32
      %mul3A_241 = arith.muli %add3A_233, %mul3A_240 : i32
      %add3A_242 = arith.addi %mul3A_4, %mul3A_241 : i32
      %dma_start3A_243 = arith.constant 0 : i32
      %dma_start3A_244 = tpu.memref_slice %arg6[%add3A_242, %dma_start3A_243] : memref<163840x128xf32, #tpu.memory_space<hbm>> -> memref<64x128xf32, #tpu.memory_space<hbm>>
      %dma_start3A_245 = arith.constant 0 : i32
      %dma_start3A_246 = tpu.memref_slice %arg6[%add3A_242, %dma_start3A_245] : memref<163840x128xf32, #tpu.memory_space<hbm>> -> memref<64x128xf32, #tpu.memory_space<hbm>>
      tpu.enqueue_dma source(%arg14 : memref<64x128xf32, #tpu.memory_space<vmem>>) target(%dma_start3A_246 : memref<64x128xf32, #tpu.memory_space<hbm>>) target_semaphore(%arg30 : memref<!tpu.dma_semaphore, #tpu.memory_space<semaphore_mem>>)
      %add3A_247 = arith.constant 4 : i32
      %add3A_248 = arith.addi %add3A_233, %add3A_247 : i32
      %lt3A_249 = arith.constant 80 : i32
      %lt3A_250 = arith.cmpi slt, %add3A_248, %lt3A_249 : i32
      %convert_element_type3A_251 = arith.extui %lt3A_250 : i1 to i32
      %cond3A_252 = arith.constant 0 : i32
      %cond3A_253 = arith.cmpi ne, %convert_element_type3A_251, %cond3A_252 : i32
      scf.if %cond3A_253 {
        %mul3A_302 = arith.constant 64 : i32
        %mul3A_303 = arith.muli %add3A_233, %mul3A_302 : i32
        %add3A_304 = arith.addi %mul3A_4, %mul3A_303 : i32
        %dma_wait3A_305 = arith.constant 0 : i32
        %dma_wait3A_306 = tpu.memref_slice %arg6[%add3A_304, %dma_wait3A_305] : memref<163840x128xf32, #tpu.memory_space<hbm>> -> memref<64x128xf32, #tpu.memory_space<hbm>>
        %dma_wait3A_307 = arith.constant 0 : i32
        %dma_wait3A_308 = tpu.memref_slice %arg6[%add3A_304, %dma_wait3A_307] : memref<163840x128xf32, #tpu.memory_space<hbm>> -> memref<64x128xf32, #tpu.memory_space<hbm>>
        tpu.wait_dma2 semaphore(%arg30 : memref<!tpu.dma_semaphore, #tpu.memory_space<semaphore_mem>>) src(%arg14 : memref<64x128xf32, #tpu.memory_space<vmem>>) dst(%dma_wait3A_308 : memref<64x128xf32, #tpu.memory_space<hbm>>)
        %add3A_309 = arith.constant 4 : i32
        %add3A_310 = arith.addi %add3A_233, %add3A_309 : i32
        %dma_start3A_311 = arith.constant 0 : i32
        %dma_start3A_312 = tpu.memref_slice %arg8[%add3A_310, %dma_start3A_311] : memref<80x64xi32, #tpu.memory_space<vmem>> -> memref<1x64xi32, #tpu.memory_space<vmem>>
        %dma_start3A_313 = tpu.memref_squeeze %dma_start3A_312 : memref<1x64xi32, #tpu.memory_space<vmem>> -> memref<64xi32, #tpu.memory_space<vmem>>
        %dma_start3A_314 = arith.constant 0 : i32
        %dma_start3A_315 = arith.constant 0 : i32
        %dma_start3A_316 = tpu.memref_slice %arg2[%dma_start3A_314, %dma_start3A_315] : memref<10240x128xf32, #tpu.memory_space<hbm>> -> memref<10240x128xf32, #tpu.memory_space<hbm>>
        tpu.enqueue_indirect_dma source(%dma_start3A_316 : memref<10240x128xf32, #tpu.memory_space<hbm>>) target(%arg14 : memref<64x128xf32, #tpu.memory_space<vmem>>) offsets(%dma_start3A_313 : memref<64xi32, #tpu.memory_space<vmem>>) semaphore(%arg22 : memref<!tpu.dma_semaphore, #tpu.memory_space<semaphore_mem>>)
      } else {
      }
      %mul3A_254 = arith.constant 4 : i32
      %mul3A_255 = arith.muli %scan3A_112, %mul3A_254 : i32
      %add3A_256 = arith.constant 2 : i32
      %add3A_257 = arith.addi %mul3A_255, %add3A_256 : i32
      %dma_wait3A_258 = arith.constant 0 : i32
      %dma_wait3A_259 = tpu.memref_slice %arg8[%add3A_257, %dma_wait3A_258] : memref<80x64xi32, #tpu.memory_space<vmem>> -> memref<1x64xi32, #tpu.memory_space<vmem>>
      %dma_wait3A_260 = tpu.memref_squeeze %dma_wait3A_259 : memref<1x64xi32, #tpu.memory_space<vmem>> -> memref<64xi32, #tpu.memory_space<vmem>>
      %dma_wait3A_261 = arith.constant 0 : i32
      %dma_wait3A_262 = arith.constant 0 : i32
      %dma_wait3A_263 = tpu.memref_slice %arg2[%dma_wait3A_261, %dma_wait3A_262] : memref<10240x128xf32, #tpu.memory_space<hbm>> -> memref<10240x128xf32, #tpu.memory_space<hbm>>
      tpu.wait_indirect_dma semaphore(%arg23 : memref<!tpu.dma_semaphore, #tpu.memory_space<semaphore_mem>>) src(%dma_wait3A_263 : memref<10240x128xf32, #tpu.memory_space<hbm>>) dst(%arg15 : memref<64x128xf32, #tpu.memory_space<vmem>>)
      %mul3A_264 = arith.constant 64 : i32
      %mul3A_265 = arith.muli %add3A_257, %mul3A_264 : i32
      %add3A_266 = arith.addi %mul3A_4, %mul3A_265 : i32
      %dma_start3A_267 = arith.constant 0 : i32
      %dma_start3A_268 = tpu.memref_slice %arg6[%add3A_266, %dma_start3A_267] : memref<163840x128xf32, #tpu.memory_space<hbm>> -> memref<64x128xf32, #tpu.memory_space<hbm>>
      %dma_start3A_269 = arith.constant 0 : i32
      %dma_start3A_270 = tpu.memref_slice %arg6[%add3A_266, %dma_start3A_269] : memref<163840x128xf32, #tpu.memory_space<hbm>> -> memref<64x128xf32, #tpu.memory_space<hbm>>
      tpu.enqueue_dma source(%arg15 : memref<64x128xf32, #tpu.memory_space<vmem>>) target(%dma_start3A_270 : memref<64x128xf32, #tpu.memory_space<hbm>>) target_semaphore(%arg31 : memref<!tpu.dma_semaphore, #tpu.memory_space<semaphore_mem>>)
      %add3A_271 = arith.constant 4 : i32
      %add3A_272 = arith.addi %add3A_257, %add3A_271 : i32
      %lt3A_273 = arith.constant 80 : i32
      %lt3A_274 = arith.cmpi slt, %add3A_272, %lt3A_273 : i32
      %convert_element_type3A_275 = arith.extui %lt3A_274 : i1 to i32
      %cond3A_276 = arith.constant 0 : i32
      %cond3A_277 = arith.cmpi ne, %convert_element_type3A_275, %cond3A_276 : i32
      scf.if %cond3A_277 {
        %mul3A_302 = arith.constant 64 : i32
        %mul3A_303 = arith.muli %add3A_257, %mul3A_302 : i32
        %add3A_304 = arith.addi %mul3A_4, %mul3A_303 : i32
        %dma_wait3A_305 = arith.constant 0 : i32
        %dma_wait3A_306 = tpu.memref_slice %arg6[%add3A_304, %dma_wait3A_305] : memref<163840x128xf32, #tpu.memory_space<hbm>> -> memref<64x128xf32, #tpu.memory_space<hbm>>
        %dma_wait3A_307 = arith.constant 0 : i32
        %dma_wait3A_308 = tpu.memref_slice %arg6[%add3A_304, %dma_wait3A_307] : memref<163840x128xf32, #tpu.memory_space<hbm>> -> memref<64x128xf32, #tpu.memory_space<hbm>>
        tpu.wait_dma2 semaphore(%arg31 : memref<!tpu.dma_semaphore, #tpu.memory_space<semaphore_mem>>) src(%arg15 : memref<64x128xf32, #tpu.memory_space<vmem>>) dst(%dma_wait3A_308 : memref<64x128xf32, #tpu.memory_space<hbm>>)
        %add3A_309 = arith.constant 4 : i32
        %add3A_310 = arith.addi %add3A_257, %add3A_309 : i32
        %dma_start3A_311 = arith.constant 0 : i32
        %dma_start3A_312 = tpu.memref_slice %arg8[%add3A_310, %dma_start3A_311] : memref<80x64xi32, #tpu.memory_space<vmem>> -> memref<1x64xi32, #tpu.memory_space<vmem>>
        %dma_start3A_313 = tpu.memref_squeeze %dma_start3A_312 : memref<1x64xi32, #tpu.memory_space<vmem>> -> memref<64xi32, #tpu.memory_space<vmem>>
        %dma_start3A_314 = arith.constant 0 : i32
        %dma_start3A_315 = arith.constant 0 : i32
        %dma_start3A_316 = tpu.memref_slice %arg2[%dma_start3A_314, %dma_start3A_315] : memref<10240x128xf32, #tpu.memory_space<hbm>> -> memref<10240x128xf32, #tpu.memory_space<hbm>>
        tpu.enqueue_indirect_dma source(%dma_start3A_316 : memref<10240x128xf32, #tpu.memory_space<hbm>>) target(%arg15 : memref<64x128xf32, #tpu.memory_space<vmem>>) offsets(%dma_start3A_313 : memref<64xi32, #tpu.memory_space<vmem>>) semaphore(%arg23 : memref<!tpu.dma_semaphore, #tpu.memory_space<semaphore_mem>>)
      } else {
      }
      %mul3A_278 = arith.constant 4 : i32
      %mul3A_279 = arith.muli %scan3A_112, %mul3A_278 : i32
      %add3A_280 = arith.constant 3 : i32
      %add3A_281 = arith.addi %mul3A_279, %add3A_280 : i32
      %dma_wait3A_282 = arith.constant 0 : i32
      %dma_wait3A_283 = tpu.memref_slice %arg8[%add3A_281, %dma_wait3A_282] : memref<80x64xi32, #tpu.memory_space<vmem>> -> memref<1x64xi32, #tpu.memory_space<vmem>>
      %dma_wait3A_284 = tpu.memref_squeeze %dma_wait3A_283 : memref<1x64xi32, #tpu.memory_space<vmem>> -> memref<64xi32, #tpu.memory_space<vmem>>
      %dma_wait3A_285 = arith.constant 0 : i32
      %dma_wait3A_286 = arith.constant 0 : i32
      %dma_wait3A_287 = tpu.memref_slice %arg2[%dma_wait3A_285, %dma_wait3A_286] : memref<10240x128xf32, #tpu.memory_space<hbm>> -> memref<10240x128xf32, #tpu.memory_space<hbm>>
      tpu.wait_indirect_dma semaphore(%arg24 : memref<!tpu.dma_semaphore, #tpu.memory_space<semaphore_mem>>) src(%dma_wait3A_287 : memref<10240x128xf32, #tpu.memory_space<hbm>>) dst(%arg16 : memref<64x128xf32, #tpu.memory_space<vmem>>)
      %mul3A_288 = arith.constant 64 : i32
      %mul3A_289 = arith.muli %add3A_281, %mul3A_288 : i32
      %add3A_290 = arith.addi %mul3A_4, %mul3A_289 : i32
      %dma_start3A_291 = arith.constant 0 : i32
      %dma_start3A_292 = tpu.memref_slice %arg6[%add3A_290, %dma_start3A_291] : memref<163840x128xf32, #tpu.memory_space<hbm>> -> memref<64x128xf32, #tpu.memory_space<hbm>>
      %dma_start3A_293 = arith.constant 0 : i32
      %dma_start3A_294 = tpu.memref_slice %arg6[%add3A_290, %dma_start3A_293] : memref<163840x128xf32, #tpu.memory_space<hbm>> -> memref<64x128xf32, #tpu.memory_space<hbm>>
      tpu.enqueue_dma source(%arg16 : memref<64x128xf32, #tpu.memory_space<vmem>>) target(%dma_start3A_294 : memref<64x128xf32, #tpu.memory_space<hbm>>) target_semaphore(%arg32 : memref<!tpu.dma_semaphore, #tpu.memory_space<semaphore_mem>>)
      %add3A_295 = arith.constant 4 : i32
      %add3A_296 = arith.addi %add3A_281, %add3A_295 : i32
      %lt3A_297 = arith.constant 80 : i32
      %lt3A_298 = arith.cmpi slt, %add3A_296, %lt3A_297 : i32
      %convert_element_type3A_299 = arith.extui %lt3A_298 : i1 to i32
      %cond3A_300 = arith.constant 0 : i32
      %cond3A_301 = arith.cmpi ne, %convert_element_type3A_299, %cond3A_300 : i32
      scf.if %cond3A_301 {
        %mul3A_302 = arith.constant 64 : i32
        %mul3A_303 = arith.muli %add3A_281, %mul3A_302 : i32
        %add3A_304 = arith.addi %mul3A_4, %mul3A_303 : i32
        %dma_wait3A_305 = arith.constant 0 : i32
        %dma_wait3A_306 = tpu.memref_slice %arg6[%add3A_304, %dma_wait3A_305] : memref<163840x128xf32, #tpu.memory_space<hbm>> -> memref<64x128xf32, #tpu.memory_space<hbm>>
        %dma_wait3A_307 = arith.constant 0 : i32
        %dma_wait3A_308 = tpu.memref_slice %arg6[%add3A_304, %dma_wait3A_307] : memref<163840x128xf32, #tpu.memory_space<hbm>> -> memref<64x128xf32, #tpu.memory_space<hbm>>
        tpu.wait_dma2 semaphore(%arg32 : memref<!tpu.dma_semaphore, #tpu.memory_space<semaphore_mem>>) src(%arg16 : memref<64x128xf32, #tpu.memory_space<vmem>>) dst(%dma_wait3A_308 : memref<64x128xf32, #tpu.memory_space<hbm>>)
        %add3A_309 = arith.constant 4 : i32
        %add3A_310 = arith.addi %add3A_281, %add3A_309 : i32
        %dma_start3A_311 = arith.constant 0 : i32
        %dma_start3A_312 = tpu.memref_slice %arg8[%add3A_310, %dma_start3A_311] : memref<80x64xi32, #tpu.memory_space<vmem>> -> memref<1x64xi32, #tpu.memory_space<vmem>>
        %dma_start3A_313 = tpu.memref_squeeze %dma_start3A_312 : memref<1x64xi32, #tpu.memory_space<vmem>> -> memref<64xi32, #tpu.memory_space<vmem>>
        %dma_start3A_314 = arith.constant 0 : i32
        %dma_start3A_315 = arith.constant 0 : i32
        %dma_start3A_316 = tpu.memref_slice %arg2[%dma_start3A_314, %dma_start3A_315] : memref<10240x128xf32, #tpu.memory_space<hbm>> -> memref<10240x128xf32, #tpu.memory_space<hbm>>
        tpu.enqueue_indirect_dma source(%dma_start3A_316 : memref<10240x128xf32, #tpu.memory_space<hbm>>) target(%arg16 : memref<64x128xf32, #tpu.memory_space<vmem>>) offsets(%dma_start3A_313 : memref<64xi32, #tpu.memory_space<vmem>>) semaphore(%arg24 : memref<!tpu.dma_semaphore, #tpu.memory_space<semaphore_mem>>)
      } else {
      }
    }
    %scan3A_64 = arith.constant 20 : i32
    %add3A_65 = arith.constant 4864 : i32
    %add3A_66 = arith.addi %mul3A_4, %add3A_65 : i32
    %dma_wait3A = arith.constant 0 : i32
    %dma_wait3A_67 = tpu.memref_slice %arg5[%add3A_66, %dma_wait3A] : memref<163840x128xf32, #tpu.memory_space<hbm>> -> memref<64x128xf32, #tpu.memory_space<hbm>>
    %dma_wait3A_68 = arith.constant 0 : i32
    %dma_wait3A_69 = tpu.memref_slice %arg5[%add3A_66, %dma_wait3A_68] : memref<163840x128xf32, #tpu.memory_space<hbm>> -> memref<64x128xf32, #tpu.memory_space<hbm>>
    tpu.wait_dma2 semaphore(%arg25 : memref<!tpu.dma_semaphore, #tpu.memory_space<semaphore_mem>>) src(%arg9 : memref<64x128xf32, #tpu.memory_space<vmem>>) dst(%dma_wait3A_69 : memref<64x128xf32, #tpu.memory_space<hbm>>)
    %add3A_70 = arith.constant 4928 : i32
    %add3A_71 = arith.addi %mul3A_4, %add3A_70 : i32
    %dma_wait3A_72 = arith.constant 0 : i32
    %dma_wait3A_73 = tpu.memref_slice %arg5[%add3A_71, %dma_wait3A_72] : memref<163840x128xf32, #tpu.memory_space<hbm>> -> memref<64x128xf32, #tpu.memory_space<hbm>>
    %dma_wait3A_74 = arith.constant 0 : i32
    %dma_wait3A_75 = tpu.memref_slice %arg5[%add3A_71, %dma_wait3A_74] : memref<163840x128xf32, #tpu.memory_space<hbm>> -> memref<64x128xf32, #tpu.memory_space<hbm>>
    tpu.wait_dma2 semaphore(%arg26 : memref<!tpu.dma_semaphore, #tpu.memory_space<semaphore_mem>>) src(%arg10 : memref<64x128xf32, #tpu.memory_space<vmem>>) dst(%dma_wait3A_75 : memref<64x128xf32, #tpu.memory_space<hbm>>)
    %add3A_76 = arith.constant 4992 : i32
    %add3A_77 = arith.addi %mul3A_4, %add3A_76 : i32
    %dma_wait3A_78 = arith.constant 0 : i32
    %dma_wait3A_79 = tpu.memref_slice %arg5[%add3A_77, %dma_wait3A_78] : memref<163840x128xf32, #tpu.memory_space<hbm>> -> memref<64x128xf32, #tpu.memory_space<hbm>>
    %dma_wait3A_80 = arith.constant 0 : i32
    %dma_wait3A_81 = tpu.memref_slice %arg5[%add3A_77, %dma_wait3A_80] : memref<163840x128xf32, #tpu.memory_space<hbm>> -> memref<64x128xf32, #tpu.memory_space<hbm>>
    tpu.wait_dma2 semaphore(%arg27 : memref<!tpu.dma_semaphore, #tpu.memory_space<semaphore_mem>>) src(%arg11 : memref<64x128xf32, #tpu.memory_space<vmem>>) dst(%dma_wait3A_81 : memref<64x128xf32, #tpu.memory_space<hbm>>)
    %add3A_82 = arith.constant 5056 : i32
    %add3A_83 = arith.addi %mul3A_4, %add3A_82 : i32
    %dma_wait3A_84 = arith.constant 0 : i32
    %dma_wait3A_85 = tpu.memref_slice %arg5[%add3A_83, %dma_wait3A_84] : memref<163840x128xf32, #tpu.memory_space<hbm>> -> memref<64x128xf32, #tpu.memory_space<hbm>>
    %dma_wait3A_86 = arith.constant 0 : i32
    %dma_wait3A_87 = tpu.memref_slice %arg5[%add3A_83, %dma_wait3A_86] : memref<163840x128xf32, #tpu.memory_space<hbm>> -> memref<64x128xf32, #tpu.memory_space<hbm>>
    tpu.wait_dma2 semaphore(%arg28 : memref<!tpu.dma_semaphore, #tpu.memory_space<semaphore_mem>>) src(%arg12 : memref<64x128xf32, #tpu.memory_space<vmem>>) dst(%dma_wait3A_87 : memref<64x128xf32, #tpu.memory_space<hbm>>)
    %add3A_88 = arith.constant 4864 : i32
    %add3A_89 = arith.addi %mul3A_4, %add3A_88 : i32
    %dma_wait3A_90 = arith.constant 0 : i32
    %dma_wait3A_91 = tpu.memref_slice %arg6[%add3A_89, %dma_wait3A_90] : memref<163840x128xf32, #tpu.memory_space<hbm>> -> memref<64x128xf32, #tpu.memory_space<hbm>>
    %dma_wait3A_92 = arith.constant 0 : i32
    %dma_wait3A_93 = tpu.memref_slice %arg6[%add3A_89, %dma_wait3A_92] : memref<163840x128xf32, #tpu.memory_space<hbm>> -> memref<64x128xf32, #tpu.memory_space<hbm>>
    tpu.wait_dma2 semaphore(%arg29 : memref<!tpu.dma_semaphore, #tpu.memory_space<semaphore_mem>>) src(%arg13 : memref<64x128xf32, #tpu.memory_space<vmem>>) dst(%dma_wait3A_93 : memref<64x128xf32, #tpu.memory_space<hbm>>)
    %add3A_94 = arith.constant 4928 : i32
    %add3A_95 = arith.addi %mul3A_4, %add3A_94 : i32
    %dma_wait3A_96 = arith.constant 0 : i32
    %dma_wait3A_97 = tpu.memref_slice %arg6[%add3A_95, %dma_wait3A_96] : memref<163840x128xf32, #tpu.memory_space<hbm>> -> memref<64x128xf32, #tpu.memory_space<hbm>>
    %dma_wait3A_98 = arith.constant 0 : i32
    %dma_wait3A_99 = tpu.memref_slice %arg6[%add3A_95, %dma_wait3A_98] : memref<163840x128xf32, #tpu.memory_space<hbm>> -> memref<64x128xf32, #tpu.memory_space<hbm>>
    tpu.wait_dma2 semaphore(%arg30 : memref<!tpu.dma_semaphore, #tpu.memory_space<semaphore_mem>>) src(%arg14 : memref<64x128xf32, #tpu.memory_space<vmem>>) dst(%dma_wait3A_99 : memref<64x128xf32, #tpu.memory_space<hbm>>)
    %add3A_100 = arith.constant 4992 : i32
    %add3A_101 = arith.addi %mul3A_4, %add3A_100 : i32
    %dma_wait3A_102 = arith.constant 0 : i32
    %dma_wait3A_103 = tpu.memref_slice %arg6[%add3A_101, %dma_wait3A_102] : memref<163840x128xf32, #tpu.memory_space<hbm>> -> memref<64x128xf32, #tpu.memory_space<hbm>>
    %dma_wait3A_104 = arith.constant 0 : i32
    %dma_wait3A_105 = tpu.memref_slice %arg6[%add3A_101, %dma_wait3A_104] : memref<163840x128xf32, #tpu.memory_space<hbm>> -> memref<64x128xf32, #tpu.memory_space<hbm>>
    tpu.wait_dma2 semaphore(%arg31 : memref<!tpu.dma_semaphore, #tpu.memory_space<semaphore_mem>>) src(%arg15 : memref<64x128xf32, #tpu.memory_space<vmem>>) dst(%dma_wait3A_105 : memref<64x128xf32, #tpu.memory_space<hbm>>)
    %add3A_106 = arith.constant 5056 : i32
    %add3A_107 = arith.addi %mul3A_4, %add3A_106 : i32
    %dma_wait3A_108 = arith.constant 0 : i32
    %dma_wait3A_109 = tpu.memref_slice %arg6[%add3A_107, %dma_wait3A_108] : memref<163840x128xf32, #tpu.memory_space<hbm>> -> memref<64x128xf32, #tpu.memory_space<hbm>>
    %dma_wait3A_110 = arith.constant 0 : i32
    %dma_wait3A_111 = tpu.memref_slice %arg6[%add3A_107, %dma_wait3A_110] : memref<163840x128xf32, #tpu.memory_space<hbm>> -> memref<64x128xf32, #tpu.memory_space<hbm>>
    tpu.wait_dma2 semaphore(%arg32 : memref<!tpu.dma_semaphore, #tpu.memory_space<semaphore_mem>>) src(%arg16 : memref<64x128xf32, #tpu.memory_space<vmem>>) dst(%dma_wait3A_111 : memref<64x128xf32, #tpu.memory_space<hbm>>)
    return
  }
}

module attributes {stable_mosaic.version = 14 : i64} {
  func.func @body(%arg0: i32, %arg1: memref<1024x13xf32, #tpu.memory_space<vmem>>, %arg2: memref<1024x3xf32, #tpu.memory_space<vmem>>, %arg3: memref<72x128xf32, #tpu.memory_space<vmem>>, %arg4: memref<1024x128xf32, #tpu.memory_space<vmem>>) attributes {dimension_semantics = [#tpu.dimension_semantics<arbitrary>], iteration_bounds = array<i64: 10>, scalar_prefetch = 0 : i64, scratch_operands = 0 : i64, tpu.core_type = #tpu.core_type<tc>, window_params = [{transform_indices = @transform_0, window_bounds = array<i64: 1024, 13>}, {transform_indices = @transform_1, window_bounds = array<i64: 1024, 3>}, {pipeline_mode = #tpu.pipeline_mode<synchronous>, transform_indices = @transform_2, window_bounds = array<i64: 72, 128>}, {transform_indices = @transform_3, window_bounds = array<i64: 1024, 128>}]} {
    %get3A = arith.constant 0 : index
    %get3A_0 = arith.constant 0 : index
    %get3A_1 = vector.load %arg1[%get3A, %get3A_0] : memref<1024x13xf32, #tpu.memory_space<vmem>>, vector<1024x13xf32>
    %iota3A = tpu.iota {dimensions = array<i32: 1>} : vector<1x72xi32>
    %broadcast_in_dim3A = arith.constant 0.000000e+00 : f32
    %broadcast_in_dim3A_2 = vector.broadcast %broadcast_in_dim3A : f32 to vector<1024x72xf32>
    %slice3A = vector.extract_strided_slice %get3A_1 {offsets = [0, 0], sizes = [1024, 1], strides = [1, 1]} : vector<1024x13xf32> to vector<1024x1xf32>
    %convert_element_type3A = arith.fptosi %slice3A : vector<1024x1xf32> to vector<1024x1xi32>
    %add3A = arith.constant 0 : i32
    %add3A_3 = vector.broadcast %add3A : i32 to vector<1024x1xi32>
    %add3A_4 = arith.addi %convert_element_type3A, %add3A_3 : vector<1024x1xi32>
    %eq3A = vector.broadcast %add3A_4 : vector<1024x1xi32> to vector<1024x72xi32>
    %eq3A_5 = vector.broadcast %iota3A : vector<1x72xi32> to vector<1024x72xi32>
    %eq3A_6 = arith.cmpi eq, %eq3A, %eq3A_5 : vector<1024x72xi32>
    %convert_element_type3A_7 = arith.extui %eq3A_6 : vector<1024x72xi1> to vector<1024x72xi32>
    %convert_element_type3A_8 = arith.sitofp %convert_element_type3A_7 : vector<1024x72xi32> to vector<1024x72xf32>
    %add3A_9 = arith.addf %broadcast_in_dim3A_2, %convert_element_type3A_8 : vector<1024x72xf32>
    %slice3A_10 = vector.extract_strided_slice %get3A_1 {offsets = [0, 1], sizes = [1024, 1], strides = [1, 1]} : vector<1024x13xf32> to vector<1024x1xf32>
    %convert_element_type3A_11 = arith.fptosi %slice3A_10 : vector<1024x1xf32> to vector<1024x1xi32>
    %add3A_12 = arith.constant 10 : i32
    %add3A_13 = vector.broadcast %add3A_12 : i32 to vector<1024x1xi32>
    %add3A_14 = arith.addi %convert_element_type3A_11, %add3A_13 : vector<1024x1xi32>
    %eq3A_15 = vector.broadcast %add3A_14 : vector<1024x1xi32> to vector<1024x72xi32>
    %eq3A_16 = vector.broadcast %iota3A : vector<1x72xi32> to vector<1024x72xi32>
    %eq3A_17 = arith.cmpi eq, %eq3A_15, %eq3A_16 : vector<1024x72xi32>
    %convert_element_type3A_18 = arith.extui %eq3A_17 : vector<1024x72xi1> to vector<1024x72xi32>
    %convert_element_type3A_19 = arith.sitofp %convert_element_type3A_18 : vector<1024x72xi32> to vector<1024x72xf32>
    %add3A_20 = arith.addf %add3A_9, %convert_element_type3A_19 : vector<1024x72xf32>
    %slice3A_21 = vector.extract_strided_slice %get3A_1 {offsets = [0, 2], sizes = [1024, 1], strides = [1, 1]} : vector<1024x13xf32> to vector<1024x1xf32>
    %convert_element_type3A_22 = arith.fptosi %slice3A_21 : vector<1024x1xf32> to vector<1024x1xi32>
    %add3A_23 = arith.constant 14 : i32
    %add3A_24 = vector.broadcast %add3A_23 : i32 to vector<1024x1xi32>
    %add3A_25 = arith.addi %convert_element_type3A_22, %add3A_24 : vector<1024x1xi32>
    %eq3A_26 = vector.broadcast %add3A_25 : vector<1024x1xi32> to vector<1024x72xi32>
    %eq3A_27 = vector.broadcast %iota3A : vector<1x72xi32> to vector<1024x72xi32>
    %eq3A_28 = arith.cmpi eq, %eq3A_26, %eq3A_27 : vector<1024x72xi32>
    %convert_element_type3A_29 = arith.extui %eq3A_28 : vector<1024x72xi1> to vector<1024x72xi32>
    %convert_element_type3A_30 = arith.sitofp %convert_element_type3A_29 : vector<1024x72xi32> to vector<1024x72xf32>
    %add3A_31 = arith.addf %add3A_20, %convert_element_type3A_30 : vector<1024x72xf32>
    %slice3A_32 = vector.extract_strided_slice %get3A_1 {offsets = [0, 3], sizes = [1024, 1], strides = [1, 1]} : vector<1024x13xf32> to vector<1024x1xf32>
    %convert_element_type3A_33 = arith.fptosi %slice3A_32 : vector<1024x1xf32> to vector<1024x1xi32>
    %add3A_34 = arith.constant 26 : i32
    %add3A_35 = vector.broadcast %add3A_34 : i32 to vector<1024x1xi32>
    %add3A_36 = arith.addi %convert_element_type3A_33, %add3A_35 : vector<1024x1xi32>
    %eq3A_37 = vector.broadcast %add3A_36 : vector<1024x1xi32> to vector<1024x72xi32>
    %eq3A_38 = vector.broadcast %iota3A : vector<1x72xi32> to vector<1024x72xi32>
    %eq3A_39 = arith.cmpi eq, %eq3A_37, %eq3A_38 : vector<1024x72xi32>
    %convert_element_type3A_40 = arith.extui %eq3A_39 : vector<1024x72xi1> to vector<1024x72xi32>
    %convert_element_type3A_41 = arith.sitofp %convert_element_type3A_40 : vector<1024x72xi32> to vector<1024x72xf32>
    %add3A_42 = arith.addf %add3A_31, %convert_element_type3A_41 : vector<1024x72xf32>
    %slice3A_43 = vector.extract_strided_slice %get3A_1 {offsets = [0, 4], sizes = [1024, 1], strides = [1, 1]} : vector<1024x13xf32> to vector<1024x1xf32>
    %convert_element_type3A_44 = arith.fptosi %slice3A_43 : vector<1024x1xf32> to vector<1024x1xi32>
    %add3A_45 = arith.constant 33 : i32
    %add3A_46 = vector.broadcast %add3A_45 : i32 to vector<1024x1xi32>
    %add3A_47 = arith.addi %convert_element_type3A_44, %add3A_46 : vector<1024x1xi32>
    %eq3A_48 = vector.broadcast %add3A_47 : vector<1024x1xi32> to vector<1024x72xi32>
    %eq3A_49 = vector.broadcast %iota3A : vector<1x72xi32> to vector<1024x72xi32>
    %eq3A_50 = arith.cmpi eq, %eq3A_48, %eq3A_49 : vector<1024x72xi32>
    %convert_element_type3A_51 = arith.extui %eq3A_50 : vector<1024x72xi1> to vector<1024x72xi32>
    %convert_element_type3A_52 = arith.sitofp %convert_element_type3A_51 : vector<1024x72xi32> to vector<1024x72xf32>
    %add3A_53 = arith.addf %add3A_42, %convert_element_type3A_52 : vector<1024x72xf32>
    %slice3A_54 = vector.extract_strided_slice %get3A_1 {offsets = [0, 5], sizes = [1024, 1], strides = [1, 1]} : vector<1024x13xf32> to vector<1024x1xf32>
    %convert_element_type3A_55 = arith.fptosi %slice3A_54 : vector<1024x1xf32> to vector<1024x1xi32>
    %add3A_56 = arith.constant 43 : i32
    %add3A_57 = vector.broadcast %add3A_56 : i32 to vector<1024x1xi32>
    %add3A_58 = arith.addi %convert_element_type3A_55, %add3A_57 : vector<1024x1xi32>
    %eq3A_59 = vector.broadcast %add3A_58 : vector<1024x1xi32> to vector<1024x72xi32>
    %eq3A_60 = vector.broadcast %iota3A : vector<1x72xi32> to vector<1024x72xi32>
    %eq3A_61 = arith.cmpi eq, %eq3A_59, %eq3A_60 : vector<1024x72xi32>
    %convert_element_type3A_62 = arith.extui %eq3A_61 : vector<1024x72xi1> to vector<1024x72xi32>
    %convert_element_type3A_63 = arith.sitofp %convert_element_type3A_62 : vector<1024x72xi32> to vector<1024x72xf32>
    %add3A_64 = arith.addf %add3A_53, %convert_element_type3A_63 : vector<1024x72xf32>
    %slice3A_65 = vector.extract_strided_slice %get3A_1 {offsets = [0, 6], sizes = [1024, 1], strides = [1, 1]} : vector<1024x13xf32> to vector<1024x1xf32>
    %convert_element_type3A_66 = arith.fptosi %slice3A_65 : vector<1024x1xf32> to vector<1024x1xi32>
    %add3A_67 = arith.constant 52 : i32
    %add3A_68 = vector.broadcast %add3A_67 : i32 to vector<1024x1xi32>
    %add3A_69 = arith.addi %convert_element_type3A_66, %add3A_68 : vector<1024x1xi32>
    %eq3A_70 = vector.broadcast %add3A_69 : vector<1024x1xi32> to vector<1024x72xi32>
    %eq3A_71 = vector.broadcast %iota3A : vector<1x72xi32> to vector<1024x72xi32>
    %eq3A_72 = arith.cmpi eq, %eq3A_70, %eq3A_71 : vector<1024x72xi32>
    %convert_element_type3A_73 = arith.extui %eq3A_72 : vector<1024x72xi1> to vector<1024x72xi32>
    %convert_element_type3A_74 = arith.sitofp %convert_element_type3A_73 : vector<1024x72xi32> to vector<1024x72xf32>
    %add3A_75 = arith.addf %add3A_64, %convert_element_type3A_74 : vector<1024x72xf32>
    %slice3A_76 = vector.extract_strided_slice %get3A_1 {offsets = [0, 7], sizes = [1024, 1], strides = [1, 1]} : vector<1024x13xf32> to vector<1024x1xf32>
    %convert_element_type3A_77 = arith.fptosi %slice3A_76 : vector<1024x1xf32> to vector<1024x1xi32>
    %add3A_78 = arith.constant 64 : i32
    %add3A_79 = vector.broadcast %add3A_78 : i32 to vector<1024x1xi32>
    %add3A_80 = arith.addi %convert_element_type3A_77, %add3A_79 : vector<1024x1xi32>
    %eq3A_81 = vector.broadcast %add3A_80 : vector<1024x1xi32> to vector<1024x72xi32>
    %eq3A_82 = vector.broadcast %iota3A : vector<1x72xi32> to vector<1024x72xi32>
    %eq3A_83 = arith.cmpi eq, %eq3A_81, %eq3A_82 : vector<1024x72xi32>
    %convert_element_type3A_84 = arith.extui %eq3A_83 : vector<1024x72xi1> to vector<1024x72xi32>
    %convert_element_type3A_85 = arith.sitofp %convert_element_type3A_84 : vector<1024x72xi32> to vector<1024x72xf32>
    %add3A_86 = arith.addf %add3A_75, %convert_element_type3A_85 : vector<1024x72xf32>
    %slice3A_87 = vector.extract_strided_slice %get3A_1 {offsets = [0, 8], sizes = [1024, 1], strides = [1, 1]} : vector<1024x13xf32> to vector<1024x1xf32>
    %convert_element_type3A_88 = arith.fptosi %slice3A_87 : vector<1024x1xf32> to vector<1024x1xi32>
    %add3A_89 = arith.constant 66 : i32
    %add3A_90 = vector.broadcast %add3A_89 : i32 to vector<1024x1xi32>
    %add3A_91 = arith.addi %convert_element_type3A_88, %add3A_90 : vector<1024x1xi32>
    %eq3A_92 = vector.broadcast %add3A_91 : vector<1024x1xi32> to vector<1024x72xi32>
    %eq3A_93 = vector.broadcast %iota3A : vector<1x72xi32> to vector<1024x72xi32>
    %eq3A_94 = arith.cmpi eq, %eq3A_92, %eq3A_93 : vector<1024x72xi32>
    %convert_element_type3A_95 = arith.extui %eq3A_94 : vector<1024x72xi1> to vector<1024x72xi32>
    %convert_element_type3A_96 = arith.sitofp %convert_element_type3A_95 : vector<1024x72xi32> to vector<1024x72xf32>
    %add3A_97 = arith.addf %add3A_86, %convert_element_type3A_96 : vector<1024x72xf32>
    %slice3A_98 = vector.extract_strided_slice %get3A_1 {offsets = [0, 9], sizes = [1024, 1], strides = [1, 1]} : vector<1024x13xf32> to vector<1024x1xf32>
    %eq3A_99 = arith.constant 68 : i32
    %eq3A_100 = vector.broadcast %eq3A_99 : i32 to vector<1x72xi32>
    %eq3A_101 = arith.cmpi eq, %iota3A, %eq3A_100 : vector<1x72xi32>
    %convert_element_type3A_102 = arith.extui %eq3A_101 : vector<1x72xi1> to vector<1x72xi32>
    %convert_element_type3A_103 = arith.sitofp %convert_element_type3A_102 : vector<1x72xi32> to vector<1x72xf32>
    %mul3A = vector.broadcast %slice3A_98 : vector<1024x1xf32> to vector<1024x72xf32>
    %mul3A_104 = vector.broadcast %convert_element_type3A_103 : vector<1x72xf32> to vector<1024x72xf32>
    %mul3A_105 = arith.mulf %mul3A, %mul3A_104 : vector<1024x72xf32>
    %add3A_106 = arith.addf %add3A_97, %mul3A_105 : vector<1024x72xf32>
    %get3A_107 = arith.constant 0 : index
    %get3A_108 = arith.constant 0 : index
    %get3A_109 = vector.load %arg2[%get3A_107, %get3A_108] : memref<1024x3xf32, #tpu.memory_space<vmem>>, vector<1024x3xf32>
    %slice3A_110 = vector.extract_strided_slice %get3A_109 {offsets = [0, 0], sizes = [1024, 1], strides = [1, 1]} : vector<1024x3xf32> to vector<1024x1xf32>
    %eq3A_111 = arith.constant 69 : i32
    %eq3A_112 = vector.broadcast %eq3A_111 : i32 to vector<1x72xi32>
    %eq3A_113 = arith.cmpi eq, %iota3A, %eq3A_112 : vector<1x72xi32>
    %convert_element_type3A_114 = arith.extui %eq3A_113 : vector<1x72xi1> to vector<1x72xi32>
    %convert_element_type3A_115 = arith.sitofp %convert_element_type3A_114 : vector<1x72xi32> to vector<1x72xf32>
    %mul3A_116 = vector.broadcast %slice3A_110 : vector<1024x1xf32> to vector<1024x72xf32>
    %mul3A_117 = vector.broadcast %convert_element_type3A_115 : vector<1x72xf32> to vector<1024x72xf32>
    %mul3A_118 = arith.mulf %mul3A_116, %mul3A_117 : vector<1024x72xf32>
    %add3A_119 = arith.addf %add3A_106, %mul3A_118 : vector<1024x72xf32>
    %slice3A_120 = vector.extract_strided_slice %get3A_109 {offsets = [0, 1], sizes = [1024, 1], strides = [1, 1]} : vector<1024x3xf32> to vector<1024x1xf32>
    %eq3A_121 = arith.constant 70 : i32
    %eq3A_122 = vector.broadcast %eq3A_121 : i32 to vector<1x72xi32>
    %eq3A_123 = arith.cmpi eq, %iota3A, %eq3A_122 : vector<1x72xi32>
    %convert_element_type3A_124 = arith.extui %eq3A_123 : vector<1x72xi1> to vector<1x72xi32>
    %convert_element_type3A_125 = arith.sitofp %convert_element_type3A_124 : vector<1x72xi32> to vector<1x72xf32>
    %mul3A_126 = vector.broadcast %slice3A_120 : vector<1024x1xf32> to vector<1024x72xf32>
    %mul3A_127 = vector.broadcast %convert_element_type3A_125 : vector<1x72xf32> to vector<1024x72xf32>
    %mul3A_128 = arith.mulf %mul3A_126, %mul3A_127 : vector<1024x72xf32>
    %add3A_129 = arith.addf %add3A_119, %mul3A_128 : vector<1024x72xf32>
    %slice3A_130 = vector.extract_strided_slice %get3A_109 {offsets = [0, 2], sizes = [1024, 1], strides = [1, 1]} : vector<1024x3xf32> to vector<1024x1xf32>
    %eq3A_131 = arith.constant 71 : i32
    %eq3A_132 = vector.broadcast %eq3A_131 : i32 to vector<1x72xi32>
    %eq3A_133 = arith.cmpi eq, %iota3A, %eq3A_132 : vector<1x72xi32>
    %convert_element_type3A_134 = arith.extui %eq3A_133 : vector<1x72xi1> to vector<1x72xi32>
    %convert_element_type3A_135 = arith.sitofp %convert_element_type3A_134 : vector<1x72xi32> to vector<1x72xf32>
    %mul3A_136 = vector.broadcast %slice3A_130 : vector<1024x1xf32> to vector<1024x72xf32>
    %mul3A_137 = vector.broadcast %convert_element_type3A_135 : vector<1x72xf32> to vector<1024x72xf32>
    %mul3A_138 = arith.mulf %mul3A_136, %mul3A_137 : vector<1024x72xf32>
    %add3A_139 = arith.addf %add3A_129, %mul3A_138 : vector<1024x72xf32>
    %get3A_140 = arith.constant 0 : index
    %get3A_141 = arith.constant 0 : index
    %get3A_142 = vector.load %arg3[%get3A_140, %get3A_141] : memref<72x128xf32, #tpu.memory_space<vmem>>, vector<72x128xf32>
    %dot_general3A = arith.constant dense<0.000000e+00> : vector<1024x128xf32>
    %dot_general3A_143 = tpu.matmul %add3A_139, %get3A_142, %dot_general3A {dimension_numbers = #tpu.dot_dimension_numbers<[1], [0], [0], [1], [0, 0, 1, 1], [], []>, precision = #tpu.contract_precision<fp32>, transpose_lhs_hint = false} : vector<1024x72xf32>, vector<72x128xf32>, vector<1024x128xf32> -> vector<1024x128xf32>
    %swap3A = arith.constant 0 : index
    %swap3A_144 = arith.constant 0 : index
    %swap3A_145 = vector.load %arg4[%swap3A, %swap3A_144] : memref<1024x128xf32, #tpu.memory_space<vmem>>, vector<1024x128xf32>
    tpu.vector_store %arg4[%swap3A, %swap3A_144], %dot_general3A_143 {strides = array<i32>} : memref<1024x128xf32, #tpu.memory_space<vmem>>, vector<1024x128xf32>,
    return
  }
  func.func @transform_0(%arg0: i32) -> (i32, i32) {
    %c0_i32 = arith.constant 0 : i32
    %c0_i32_0 = arith.constant 0 : i32
    return %arg0, %c0_i32 : i32, i32
  }
  func.func @transform_1(%arg0: i32) -> (i32, i32) {
    %c0_i32 = arith.constant 0 : i32
    %c0_i32_0 = arith.constant 0 : i32
    return %arg0, %c0_i32 : i32, i32
  }
  func.func @transform_2(%arg0: i32) -> (i32, i32) {
    %c0_i32 = arith.constant 0 : i32
    %c0_i32_0 = arith.constant 0 : i32
    %c0_i32_1 = arith.constant 0 : i32
    return %c0_i32, %c0_i32_0 : i32, i32
  }
  func.func @transform_3(%arg0: i32) -> (i32, i32) {
    %c0_i32 = arith.constant 0 : i32
    %c0_i32_0 = arith.constant 0 : i32
    return %arg0, %c0_i32 : i32, i32
  }
}

module attributes {stable_mosaic.version = 14 : i64} {
  func.func @body(%arg0: i32, %arg1: memref<1024x128xf32, #tpu.memory_space<vmem>>, %arg2: memref<1024x128xf32, #tpu.memory_space<vmem>>, %arg3: memref<1024x128xf32, #tpu.memory_space<vmem>>, %arg4: memref<128x108xf32, #tpu.memory_space<vmem>>, %arg5: memref<8x108xf32, #tpu.memory_space<vmem>>, %arg6: memref<108x128xf32, #tpu.memory_space<vmem>>, %arg7: memref<8x128xf32, #tpu.memory_space<vmem>>, %arg8: memref<8x128xf32, #tpu.memory_space<vmem>>, %arg9: memref<1024x128xf32, #tpu.memory_space<vmem>>, %arg10: memref<8x128xf32, #tpu.memory_space<vmem>>) attributes {dimension_semantics = [#tpu.dimension_semantics<arbitrary>], iteration_bounds = array<i64: 10>, scalar_prefetch = 0 : i64, scratch_operands = 0 : i64, tpu.core_type = #tpu.core_type<tc>, window_params = [{transform_indices = @transform_0, window_bounds = array<i64: 1024, 128>}, {transform_indices = @transform_1, window_bounds = array<i64: 1024, 128>}, {transform_indices = @transform_2, window_bounds = array<i64: 1024, 128>}, {pipeline_mode = #tpu.pipeline_mode<synchronous>, transform_indices = @transform_3, window_bounds = array<i64: 128, 108>}, {pipeline_mode = #tpu.pipeline_mode<synchronous>, transform_indices = @transform_4, window_bounds = array<i64: 8, 108>}, {pipeline_mode = #tpu.pipeline_mode<synchronous>, transform_indices = @transform_5, window_bounds = array<i64: 108, 128>}, {pipeline_mode = #tpu.pipeline_mode<synchronous>, transform_indices = @transform_6, window_bounds = array<i64: 8, 128>}, {pipeline_mode = #tpu.pipeline_mode<synchronous>, transform_indices = @transform_7, window_bounds = array<i64: 8, 128>}, {transform_indices = @transform_8, window_bounds = array<i64: 1024, 128>}, {pipeline_mode = #tpu.pipeline_mode<synchronous>, transform_indices = @transform_9, window_bounds = array<i64: 8, 128>}]} {
    %get3A = arith.constant 0 : index
    %get3A_0 = arith.constant 0 : index
    %get3A_1 = vector.load %arg1[%get3A, %get3A_0] : memref<1024x128xf32, #tpu.memory_space<vmem>>, vector<1024x128xf32>
    %get3A_2 = arith.constant 0 : index
    %get3A_3 = arith.constant 0 : index
    %get3A_4 = vector.load %arg2[%get3A_2, %get3A_3] : memref<1024x128xf32, #tpu.memory_space<vmem>>, vector<1024x128xf32>
    %get3A_5 = arith.constant 0 : index
    %get3A_6 = arith.constant 0 : index
    %get3A_7 = vector.load %arg3[%get3A_5, %get3A_6] : memref<1024x128xf32, #tpu.memory_space<vmem>>, vector<1024x128xf32>
    %add3A = arith.addf %get3A_4, %get3A_7 : vector<1024x128xf32>
    %add3A_8 = arith.addf %get3A_1, %add3A : vector<1024x128xf32>
    %get3A_9 = arith.constant 0 : index
    %get3A_10 = arith.constant 0 : index
    %get3A_11 = vector.load %arg4[%get3A_9, %get3A_10] : memref<128x108xf32, #tpu.memory_space<vmem>>, vector<128x108xf32>
    %dot_general3A = arith.constant dense<0.000000e+00> : vector<1024x108xf32>
    %dot_general3A_12 = tpu.matmul %add3A_8, %get3A_11, %dot_general3A {dimension_numbers = #tpu.dot_dimension_numbers<[1], [0], [0], [1], [0, 0, 1, 1], [], []>, precision = #tpu.contract_precision<fp32>, transpose_lhs_hint = false} : vector<1024x128xf32>, vector<128x108xf32>, vector<1024x108xf32> -> vector<1024x108xf32>
    %get3A_13 = arith.constant 0 : index
    %get3A_14 = arith.constant 0 : index
    %get3A_15 = vector.load %arg5[%get3A_13, %get3A_14] : memref<8x108xf32, #tpu.memory_space<vmem>>, vector<1x108xf32>
    %add3A_16 = vector.broadcast %get3A_15 : vector<1x108xf32> to vector<1024x108xf32>
    %add3A_17 = arith.addf %dot_general3A_12, %add3A_16 : vector<1024x108xf32>
    %max3A = arith.constant 0.000000e+00 : f32
    %max3A_18 = vector.broadcast %max3A : f32 to vector<1024x108xf32>
    %max3A_19 = arith.maximumf %add3A_17, %max3A_18 : vector<1024x108xf32>
    %get3A_20 = arith.constant 0 : index
    %get3A_21 = arith.constant 0 : index
    %get3A_22 = vector.load %arg6[%get3A_20, %get3A_21] : memref<108x128xf32, #tpu.memory_space<vmem>>, vector<108x128xf32>
    %dot_general3A_23 = arith.constant dense<0.000000e+00> : vector<1024x128xf32>
    %dot_general3A_24 = tpu.matmul %max3A_19, %get3A_22, %dot_general3A_23 {dimension_numbers = #tpu.dot_dimension_numbers<[1], [0], [0], [1], [0, 0, 1, 1], [], []>, precision = #tpu.contract_precision<fp32>, transpose_lhs_hint = false} : vector<1024x108xf32>, vector<108x128xf32>, vector<1024x128xf32> -> vector<1024x128xf32>
    %get3A_25 = arith.constant 0 : index
    %get3A_26 = arith.constant 0 : index
    %get3A_27 = vector.load %arg7[%get3A_25, %get3A_26] : memref<8x128xf32, #tpu.memory_space<vmem>>, vector<1x128xf32>
    %add3A_28 = vector.broadcast %get3A_27 : vector<1x128xf32> to vector<1024x128xf32>
    %add3A_29 = arith.addf %dot_general3A_24, %add3A_28 : vector<1024x128xf32>
    %max3A_30 = arith.constant 0.000000e+00 : f32
    %max3A_31 = vector.broadcast %max3A_30 : f32 to vector<1024x128xf32>
    %max3A_32 = arith.maximumf %add3A_29, %max3A_31 : vector<1024x128xf32>
    %swap3A = arith.constant 0 : index
    %swap3A_33 = arith.constant 0 : index
    %swap3A_34 = vector.load %arg9[%swap3A, %swap3A_33] : memref<1024x128xf32, #tpu.memory_space<vmem>>, vector<1024x128xf32>
    tpu.vector_store %arg9[%swap3A, %swap3A_33], %max3A_32 {strides = array<i32>} : memref<1024x128xf32, #tpu.memory_space<vmem>>, vector<1024x128xf32>,
    %iota3A = tpu.iota {dimensions = array<i32: 0>} : vector<1024x1xi32>
    %mul3A = arith.constant 1024 : i32
    %mul3A_35 = arith.muli %arg0, %mul3A : i32
    %add3A_36 = vector.broadcast %mul3A_35 : i32 to vector<1024x1xi32>
    %add3A_37 = arith.addi %iota3A, %add3A_36 : vector<1024x1xi32>
    %lt3A = arith.constant 10000 : i32
    %lt3A_38 = vector.broadcast %lt3A : i32 to vector<1024x1xi32>
    %lt3A_39 = arith.cmpi slt, %add3A_37, %lt3A_38 : vector<1024x1xi32>
    %jit3A = arith.constant 0.000000e+00 : f32
    %broadcast_in_dim3A = vector.shape_cast %lt3A_39 : vector<1024x1xi1> to vector<1024x1xi1>
    %broadcast_in_dim3A_40 = vector.broadcast %broadcast_in_dim3A : vector<1024x1xi1> to vector<1024x128xi1>
    %broadcast_in_dim3A_41 = vector.broadcast %jit3A : f32 to vector<1024x128xf32>
    %select_n3A = arith.select %broadcast_in_dim3A_40, %max3A_32, %broadcast_in_dim3A_41 : vector<1024x128xi1>, vector<1024x128xf32>
    %reduce_sum3A = arith.constant dense<0.000000e+00> : vector<128xf32>
    %reduce_sum3A_42 = vector.multi_reduction <add>, %select_n3A, %reduce_sum3A [0] : vector<1024x128xf32> to vector<128xf32>
    %broadcast_in_dim3A_43 = vector.shape_cast %reduce_sum3A_42 : vector<128xf32> to vector<1x128xf32>
    %mul3A_44 = arith.mulf %select_n3A, %select_n3A : vector<1024x128xf32>
    %reduce_sum3A_45 = arith.constant dense<0.000000e+00> : vector<128xf32>
    %reduce_sum3A_46 = vector.multi_reduction <add>, %mul3A_44, %reduce_sum3A_45 [0] : vector<1024x128xf32> to vector<128xf32>
    %broadcast_in_dim3A_47 = vector.shape_cast %reduce_sum3A_46 : vector<128xf32> to vector<1x128xf32>
    %eq3A = arith.constant 0 : i32
    %eq3A_48 = arith.cmpi eq, %arg0, %eq3A : i32
    %convert_element_type3A = arith.extui %eq3A_48 : i1 to i32
    %cond3A = arith.constant 0 : i32
    %cond3A_49 = arith.cmpi ne, %convert_element_type3A, %cond3A : i32
    scf.if %cond3A_49 {
      %broadcast_in_dim3A_59 = arith.constant 0.000000e+00 : f32
      %broadcast_in_dim3A_60 = vector.broadcast %broadcast_in_dim3A_59 : f32 to vector<8x128xf32>
      %swap3A_61 = arith.constant 0 : index
      %swap3A_62 = arith.constant 0 : index
      %swap3A_63 = vector.load %arg10[%swap3A_61, %swap3A_62] : memref<8x128xf32, #tpu.memory_space<vmem>>, vector<8x128xf32>
      tpu.vector_store %arg10[%swap3A_61, %swap3A_62], %broadcast_in_dim3A_60 {strides = array<i32>} : memref<8x128xf32, #tpu.memory_space<vmem>>, vector<8x128xf32>,
    } else {
    }
    %broadcast_in_dim3A_50 = arith.constant 0.000000e+00 : f32
    %broadcast_in_dim3A_51 = vector.broadcast %broadcast_in_dim3A_50 : f32 to vector<6x128xf32>
    %concatenate3A = tpu.concatenate %broadcast_in_dim3A_43, %broadcast_in_dim3A_47, %broadcast_in_dim3A_51 in 0 : vector<1x128xf32>, vector<1x128xf32>, vector<6x128xf32> -> vector<8x128xf32>
    %get3A_52 = arith.constant 0 : index
    %get3A_53 = arith.constant 0 : index
    %get3A_54 = vector.load %arg10[%get3A_52, %get3A_53] : memref<8x128xf32, #tpu.memory_space<vmem>>, vector<8x128xf32>
    %add3A_55 = arith.addf %get3A_54, %concatenate3A : vector<8x128xf32>
    %swap3A_56 = arith.constant 0 : index
    %swap3A_57 = arith.constant 0 : index
    %swap3A_58 = vector.load %arg10[%swap3A_56, %swap3A_57] : memref<8x128xf32, #tpu.memory_space<vmem>>, vector<8x128xf32>
    tpu.vector_store %arg10[%swap3A_56, %swap3A_57], %add3A_55 {strides = array<i32>} : memref<8x128xf32, #tpu.memory_space<vmem>>, vector<8x128xf32>,
    return
  }
  func.func @transform_0(%arg0: i32) -> (i32, i32) {
    %c0_i32 = arith.constant 0 : i32
    %c0_i32_0 = arith.constant 0 : i32
    return %arg0, %c0_i32 : i32, i32
  }
  func.func @transform_1(%arg0: i32) -> (i32, i32) {
    %c0_i32 = arith.constant 0 : i32
    %c0_i32_0 = arith.constant 0 : i32
    return %arg0, %c0_i32 : i32, i32
  }
  func.func @transform_2(%arg0: i32) -> (i32, i32) {
    %c0_i32 = arith.constant 0 : i32
    %c0_i32_0 = arith.constant 0 : i32
    return %arg0, %c0_i32 : i32, i32
  }
  func.func @transform_3(%arg0: i32) -> (i32, i32) {
    %c0_i32 = arith.constant 0 : i32
    %c0_i32_0 = arith.constant 0 : i32
    %c0_i32_1 = arith.constant 0 : i32
    return %c0_i32, %c0_i32_0 : i32, i32
  }
  func.func @transform_4(%arg0: i32) -> (i32, i32) {
    %c0_i32 = arith.constant 0 : i32
    %c0_i32_0 = arith.constant 0 : i32
    %c0_i32_1 = arith.constant 0 : i32
    return %c0_i32, %c0_i32_0 : i32, i32
  }
  func.func @transform_5(%arg0: i32) -> (i32, i32) {
    %c0_i32 = arith.constant 0 : i32
    %c0_i32_0 = arith.constant 0 : i32
    %c0_i32_1 = arith.constant 0 : i32
    return %c0_i32, %c0_i32_0 : i32, i32
  }
  func.func @transform_6(%arg0: i32) -> (i32, i32) {
    %c0_i32 = arith.constant 0 : i32
    %c0_i32_0 = arith.constant 0 : i32
    %c0_i32_1 = arith.constant 0 : i32
    return %c0_i32, %c0_i32_0 : i32, i32
  }
  func.func @transform_7(%arg0: i32) -> (i32, i32) {
    %c0_i32 = arith.constant 0 : i32
    %c0_i32_0 = arith.constant 0 : i32
    %c0_i32_1 = arith.constant 0 : i32
    return %c0_i32, %c0_i32_0 : i32, i32
  }
  func.func @transform_8(%arg0: i32) -> (i32, i32) {
    %c0_i32 = arith.constant 0 : i32
    %c0_i32_0 = arith.constant 0 : i32
    return %arg0, %c0_i32 : i32, i32
  }
  func.func @transform_9(%arg0: i32) -> (i32, i32) {
    %c0_i32 = arith.constant 0 : i32
    %c0_i32_0 = arith.constant 0 : i32
    %c0_i32_1 = arith.constant 0 : i32
    return %c0_i32, %c0_i32_0 : i32, i32
  }
}

module attributes {stable_mosaic.version = 14 : i64} {
  func.func @body(%arg0: i32, %arg1: memref<1024x128xf32, #tpu.memory_space<vmem>>, %arg2: memref<8x128xf32, #tpu.memory_space<vmem>>, %arg3: memref<8x128xf32, #tpu.memory_space<vmem>>) attributes {dimension_semantics = [#tpu.dimension_semantics<arbitrary>], iteration_bounds = array<i64: 10>, scalar_prefetch = 0 : i64, scratch_operands = 0 : i64, tpu.core_type = #tpu.core_type<tc>, window_params = [{transform_indices = @transform_0, window_bounds = array<i64: 1024, 128>}, {pipeline_mode = #tpu.pipeline_mode<synchronous>, transform_indices = @transform_1, window_bounds = array<i64: 8, 128>}, {pipeline_mode = #tpu.pipeline_mode<synchronous>, transform_indices = @transform_2, window_bounds = array<i64: 8, 128>}]} {
    %get3A = arith.constant 0 : index
    %get3A_0 = arith.constant 0 : index
    %get3A_1 = vector.load %arg1[%get3A, %get3A_0] : memref<1024x128xf32, #tpu.memory_space<vmem>>, vector<1024x128xf32>
    %get3A_2 = arith.constant 0 : index
    %get3A_3 = arith.constant 0 : index
    %get3A_4 = vector.load %arg2[%get3A_2, %get3A_3] : memref<8x128xf32, #tpu.memory_space<vmem>>, vector<1x128xf32>
    %sub3A = vector.broadcast %get3A_4 : vector<1x128xf32> to vector<1024x128xf32>
    %sub3A_5 = arith.subf %get3A_1, %sub3A : vector<1024x128xf32>
    %iota3A = tpu.iota {dimensions = array<i32: 0>} : vector<1024x1xi32>
    %mul3A = arith.constant 1024 : i32
    %mul3A_6 = arith.muli %arg0, %mul3A : i32
    %add3A = vector.broadcast %mul3A_6 : i32 to vector<1024x1xi32>
    %add3A_7 = arith.addi %iota3A, %add3A : vector<1024x1xi32>
    %lt3A = arith.constant 10000 : i32
    %lt3A_8 = vector.broadcast %lt3A : i32 to vector<1024x1xi32>
    %lt3A_9 = arith.cmpi slt, %add3A_7, %lt3A_8 : vector<1024x1xi32>
    %jit3A = arith.constant 0.000000e+00 : f32
    %broadcast_in_dim3A = vector.shape_cast %lt3A_9 : vector<1024x1xi1> to vector<1024x1xi1>
    %broadcast_in_dim3A_10 = vector.broadcast %broadcast_in_dim3A : vector<1024x1xi1> to vector<1024x128xi1>
    %broadcast_in_dim3A_11 = vector.broadcast %jit3A : f32 to vector<1024x128xf32>
    %select_n3A = arith.select %broadcast_in_dim3A_10, %sub3A_5, %broadcast_in_dim3A_11 : vector<1024x128xi1>, vector<1024x128xf32>
    %mul3A_12 = arith.mulf %select_n3A, %select_n3A : vector<1024x128xf32>
    %reduce_sum3A = arith.constant dense<0.000000e+00> : vector<128xf32>
    %reduce_sum3A_13 = vector.multi_reduction <add>, %mul3A_12, %reduce_sum3A [0] : vector<1024x128xf32> to vector<128xf32>
    %broadcast_in_dim3A_14 = vector.shape_cast %reduce_sum3A_13 : vector<128xf32> to vector<1x128xf32>
    %eq3A = arith.constant 0 : i32
    %eq3A_15 = arith.cmpi eq, %arg0, %eq3A : i32
    %convert_element_type3A = arith.extui %eq3A_15 : i1 to i32
    %cond3A = arith.constant 0 : i32
    %cond3A_16 = arith.cmpi ne, %convert_element_type3A, %cond3A : i32
    scf.if %cond3A_16 {
      %broadcast_in_dim3A_25 = arith.constant 0.000000e+00 : f32
      %broadcast_in_dim3A_26 = vector.broadcast %broadcast_in_dim3A_25 : f32 to vector<8x128xf32>
      %swap3A_27 = arith.constant 0 : index
      %swap3A_28 = arith.constant 0 : index
      %swap3A_29 = vector.load %arg3[%swap3A_27, %swap3A_28] : memref<8x128xf32, #tpu.memory_space<vmem>>, vector<8x128xf32>
      tpu.vector_store %arg3[%swap3A_27, %swap3A_28], %broadcast_in_dim3A_26 {strides = array<i32>} : memref<8x128xf32, #tpu.memory_space<vmem>>, vector<8x128xf32>,
    } else {
    }
    %get3A_17 = arith.constant 0 : index
    %get3A_18 = arith.constant 0 : index
    %get3A_19 = vector.load %arg3[%get3A_17, %get3A_18] : memref<8x128xf32, #tpu.memory_space<vmem>>, vector<8x128xf32>
    %broadcast_in_dim3A_20 = arith.constant 0.000000e+00 : f32
    %broadcast_in_dim3A_21 = vector.broadcast %broadcast_in_dim3A_20 : f32 to vector<7x128xf32>
    %concatenate3A = tpu.concatenate %broadcast_in_dim3A_14, %broadcast_in_dim3A_21 in 0 : vector<1x128xf32>, vector<7x128xf32> -> vector<8x128xf32>
    %add3A_22 = arith.addf %get3A_19, %concatenate3A : vector<8x128xf32>
    %swap3A = arith.constant 0 : index
    %swap3A_23 = arith.constant 0 : index
    %swap3A_24 = vector.load %arg3[%swap3A, %swap3A_23] : memref<8x128xf32, #tpu.memory_space<vmem>>, vector<8x128xf32>
    tpu.vector_store %arg3[%swap3A, %swap3A_23], %add3A_22 {strides = array<i32>} : memref<8x128xf32, #tpu.memory_space<vmem>>, vector<8x128xf32>,
    return
  }
  func.func @transform_0(%arg0: i32) -> (i32, i32) {
    %c0_i32 = arith.constant 0 : i32
    %c0_i32_0 = arith.constant 0 : i32
    return %arg0, %c0_i32 : i32, i32
  }
  func.func @transform_1(%arg0: i32) -> (i32, i32) {
    %c0_i32 = arith.constant 0 : i32
    %c0_i32_0 = arith.constant 0 : i32
    %c0_i32_1 = arith.constant 0 : i32
    return %c0_i32, %c0_i32_0 : i32, i32
  }
  func.func @transform_2(%arg0: i32) -> (i32, i32) {
    %c0_i32 = arith.constant 0 : i32
    %c0_i32_0 = arith.constant 0 : i32
    %c0_i32_1 = arith.constant 0 : i32
    return %c0_i32, %c0_i32_0 : i32, i32
  }
}

module attributes {stable_mosaic.version = 14 : i64} {
  func.func @body(%arg0: i32, %arg1: memref<1024x128xf32, #tpu.memory_space<vmem>>, %arg2: memref<1024x128xf32, #tpu.memory_space<vmem>>, %arg3: memref<1024x128xf32, #tpu.memory_space<vmem>>, %arg4: memref<128x108xf32, #tpu.memory_space<vmem>>, %arg5: memref<8x108xf32, #tpu.memory_space<vmem>>, %arg6: memref<108x128xf32, #tpu.memory_space<vmem>>, %arg7: memref<8x128xf32, #tpu.memory_space<vmem>>, %arg8: memref<8x128xf32, #tpu.memory_space<vmem>>, %arg9: memref<1024x128xf32, #tpu.memory_space<vmem>>, %arg10: memref<8x128xf32, #tpu.memory_space<vmem>>) attributes {dimension_semantics = [#tpu.dimension_semantics<arbitrary>], iteration_bounds = array<i64: 10>, scalar_prefetch = 0 : i64, scratch_operands = 0 : i64, tpu.core_type = #tpu.core_type<tc>, window_params = [{transform_indices = @transform_0, window_bounds = array<i64: 1024, 128>}, {transform_indices = @transform_1, window_bounds = array<i64: 1024, 128>}, {transform_indices = @transform_2, window_bounds = array<i64: 1024, 128>}, {pipeline_mode = #tpu.pipeline_mode<synchronous>, transform_indices = @transform_3, window_bounds = array<i64: 128, 108>}, {pipeline_mode = #tpu.pipeline_mode<synchronous>, transform_indices = @transform_4, window_bounds = array<i64: 8, 108>}, {pipeline_mode = #tpu.pipeline_mode<synchronous>, transform_indices = @transform_5, window_bounds = array<i64: 108, 128>}, {pipeline_mode = #tpu.pipeline_mode<synchronous>, transform_indices = @transform_6, window_bounds = array<i64: 8, 128>}, {pipeline_mode = #tpu.pipeline_mode<synchronous>, transform_indices = @transform_7, window_bounds = array<i64: 8, 128>}, {transform_indices = @transform_8, window_bounds = array<i64: 1024, 128>}, {pipeline_mode = #tpu.pipeline_mode<synchronous>, transform_indices = @transform_9, window_bounds = array<i64: 8, 128>}]} {
    %get3A = arith.constant 0 : index
    %get3A_0 = arith.constant 0 : index
    %get3A_1 = vector.load %arg1[%get3A, %get3A_0] : memref<1024x128xf32, #tpu.memory_space<vmem>>, vector<1024x128xf32>
    %get3A_2 = arith.constant 0 : index
    %get3A_3 = arith.constant 0 : index
    %get3A_4 = vector.load %arg2[%get3A_2, %get3A_3] : memref<1024x128xf32, #tpu.memory_space<vmem>>, vector<1024x128xf32>
    %get3A_5 = arith.constant 0 : index
    %get3A_6 = arith.constant 0 : index
    %get3A_7 = vector.load %arg3[%get3A_5, %get3A_6] : memref<1024x128xf32, #tpu.memory_space<vmem>>, vector<1024x128xf32>
    %add3A = arith.addf %get3A_4, %get3A_7 : vector<1024x128xf32>
    %get3A_8 = arith.constant 0 : index
    %get3A_9 = arith.constant 0 : index
    %get3A_10 = vector.load %arg8[%get3A_8, %get3A_9] : memref<8x128xf32, #tpu.memory_space<vmem>>, vector<1x128xf32>
    %get3A_11 = arith.constant 1 : index
    %get3A_12 = arith.constant 0 : index
    %get3A_13 = vector.load %arg8[%get3A_11, %get3A_12] : memref<8x128xf32, #tpu.memory_space<vmem>>, vector<1x128xf32>
    %iota3A = tpu.iota {dimensions = array<i32: 1>} : vector<1x128xi32>
    %eq3A = arith.constant 108 : i32
    %eq3A_14 = vector.broadcast %eq3A : i32 to vector<1x128xi32>
    %eq3A_15 = arith.cmpi eq, %iota3A, %eq3A_14 : vector<1x128xi32>
    %jit3A = arith.constant 0.000000e+00 : f32
    %broadcast_in_dim3A = vector.shape_cast %eq3A_15 : vector<1x128xi1> to vector<1x128xi1>
    %broadcast_in_dim3A_16 = vector.broadcast %broadcast_in_dim3A : vector<1x128xi1> to vector<1024x128xi1>
    %broadcast_in_dim3A_17 = vector.broadcast %jit3A : f32 to vector<1024x128xf32>
    %select_n3A = arith.select %broadcast_in_dim3A_16, %add3A, %broadcast_in_dim3A_17 : vector<1024x128xi1>, vector<1024x128xf32>
    %reduce_sum3A = arith.constant dense<0.000000e+00> : vector<1024xf32>
    %reduce_sum3A_18 = vector.multi_reduction <add>, %select_n3A, %reduce_sum3A [1] : vector<1024x128xf32> to vector<1024xf32>
    %broadcast_in_dim3A_19 = vector.shape_cast %reduce_sum3A_18 : vector<1024xf32> to vector<1024x1xf32>
    %mul3A = vector.broadcast %get3A_10 : vector<1x128xf32> to vector<1024x128xf32>
    %mul3A_20 = arith.mulf %get3A_1, %mul3A : vector<1024x128xf32>
    %add3A_21 = vector.broadcast %get3A_13 : vector<1x128xf32> to vector<1024x128xf32>
    %add3A_22 = arith.addf %mul3A_20, %add3A_21 : vector<1024x128xf32>
    %mul3A_23 = vector.broadcast %get3A_10 : vector<1x128xf32> to vector<1024x128xf32>
    %mul3A_24 = arith.mulf %mul3A_23, %add3A : vector<1024x128xf32>
    %add3A_25 = arith.addf %add3A_22, %mul3A_24 : vector<1024x128xf32>
    %mul3A_26 = vector.broadcast %get3A_13 : vector<1x128xf32> to vector<1024x128xf32>
    %mul3A_27 = vector.broadcast %broadcast_in_dim3A_19 : vector<1024x1xf32> to vector<1024x128xf32>
    %mul3A_28 = arith.mulf %mul3A_26, %mul3A_27 : vector<1024x128xf32>
    %add3A_29 = arith.addf %add3A_25, %mul3A_28 : vector<1024x128xf32>
    %get3A_30 = arith.constant 0 : index
    %get3A_31 = arith.constant 0 : index
    %get3A_32 = vector.load %arg4[%get3A_30, %get3A_31] : memref<128x108xf32, #tpu.memory_space<vmem>>, vector<128x108xf32>
    %dot_general3A = arith.constant dense<0.000000e+00> : vector<1024x108xf32>
    %dot_general3A_33 = tpu.matmul %add3A_29, %get3A_32, %dot_general3A {dimension_numbers = #tpu.dot_dimension_numbers<[1], [0], [0], [1], [0, 0, 1, 1], [], []>, precision = #tpu.contract_precision<fp32>, transpose_lhs_hint = false} : vector<1024x128xf32>, vector<128x108xf32>, vector<1024x108xf32> -> vector<1024x108xf32>
    %get3A_34 = arith.constant 0 : index
    %get3A_35 = arith.constant 0 : index
    %get3A_36 = vector.load %arg5[%get3A_34, %get3A_35] : memref<8x108xf32, #tpu.memory_space<vmem>>, vector<1x108xf32>
    %add3A_37 = vector.broadcast %get3A_36 : vector<1x108xf32> to vector<1024x108xf32>
    %add3A_38 = arith.addf %dot_general3A_33, %add3A_37 : vector<1024x108xf32>
    %max3A = arith.constant 0.000000e+00 : f32
    %max3A_39 = vector.broadcast %max3A : f32 to vector<1024x108xf32>
    %max3A_40 = arith.maximumf %add3A_38, %max3A_39 : vector<1024x108xf32>
    %get3A_41 = arith.constant 0 : index
    %get3A_42 = arith.constant 0 : index
    %get3A_43 = vector.load %arg6[%get3A_41, %get3A_42] : memref<108x128xf32, #tpu.memory_space<vmem>>, vector<108x128xf32>
    %dot_general3A_44 = arith.constant dense<0.000000e+00> : vector<1024x128xf32>
    %dot_general3A_45 = tpu.matmul %max3A_40, %get3A_43, %dot_general3A_44 {dimension_numbers = #tpu.dot_dimension_numbers<[1], [0], [0], [1], [0, 0, 1, 1], [], []>, precision = #tpu.contract_precision<fp32>, transpose_lhs_hint = false} : vector<1024x108xf32>, vector<108x128xf32>, vector<1024x128xf32> -> vector<1024x128xf32>
    %get3A_46 = arith.constant 0 : index
    %get3A_47 = arith.constant 0 : index
    %get3A_48 = vector.load %arg7[%get3A_46, %get3A_47] : memref<8x128xf32, #tpu.memory_space<vmem>>, vector<1x128xf32>
    %add3A_49 = vector.broadcast %get3A_48 : vector<1x128xf32> to vector<1024x128xf32>
    %add3A_50 = arith.addf %dot_general3A_45, %add3A_49 : vector<1024x128xf32>
    %max3A_51 = arith.constant 0.000000e+00 : f32
    %max3A_52 = vector.broadcast %max3A_51 : f32 to vector<1024x128xf32>
    %max3A_53 = arith.maximumf %add3A_50, %max3A_52 : vector<1024x128xf32>
    %swap3A = arith.constant 0 : index
    %swap3A_54 = arith.constant 0 : index
    %swap3A_55 = vector.load %arg9[%swap3A, %swap3A_54] : memref<1024x128xf32, #tpu.memory_space<vmem>>, vector<1024x128xf32>
    tpu.vector_store %arg9[%swap3A, %swap3A_54], %max3A_53 {strides = array<i32>} : memref<1024x128xf32, #tpu.memory_space<vmem>>, vector<1024x128xf32>,
    %iota3A_56 = tpu.iota {dimensions = array<i32: 0>} : vector<1024x1xi32>
    %mul3A_57 = arith.constant 1024 : i32
    %mul3A_58 = arith.muli %arg0, %mul3A_57 : i32
    %add3A_59 = vector.broadcast %mul3A_58 : i32 to vector<1024x1xi32>
    %add3A_60 = arith.addi %iota3A_56, %add3A_59 : vector<1024x1xi32>
    %lt3A = arith.constant 10000 : i32
    %lt3A_61 = vector.broadcast %lt3A : i32 to vector<1024x1xi32>
    %lt3A_62 = arith.cmpi slt, %add3A_60, %lt3A_61 : vector<1024x1xi32>
    %jit3A_63 = arith.constant 0.000000e+00 : f32
    %broadcast_in_dim3A_64 = vector.shape_cast %lt3A_62 : vector<1024x1xi1> to vector<1024x1xi1>
    %broadcast_in_dim3A_65 = vector.broadcast %broadcast_in_dim3A_64 : vector<1024x1xi1> to vector<1024x128xi1>
    %broadcast_in_dim3A_66 = vector.broadcast %jit3A_63 : f32 to vector<1024x128xf32>
    %select_n3A_67 = arith.select %broadcast_in_dim3A_65, %max3A_53, %broadcast_in_dim3A_66 : vector<1024x128xi1>, vector<1024x128xf32>
    %reduce_sum3A_68 = arith.constant dense<0.000000e+00> : vector<128xf32>
    %reduce_sum3A_69 = vector.multi_reduction <add>, %select_n3A_67, %reduce_sum3A_68 [0] : vector<1024x128xf32> to vector<128xf32>
    %broadcast_in_dim3A_70 = vector.shape_cast %reduce_sum3A_69 : vector<128xf32> to vector<1x128xf32>
    %mul3A_71 = arith.mulf %select_n3A_67, %select_n3A_67 : vector<1024x128xf32>
    %reduce_sum3A_72 = arith.constant dense<0.000000e+00> : vector<128xf32>
    %reduce_sum3A_73 = vector.multi_reduction <add>, %mul3A_71, %reduce_sum3A_72 [0] : vector<1024x128xf32> to vector<128xf32>
    %broadcast_in_dim3A_74 = vector.shape_cast %reduce_sum3A_73 : vector<128xf32> to vector<1x128xf32>
    %eq3A_75 = arith.constant 0 : i32
    %eq3A_76 = arith.cmpi eq, %arg0, %eq3A_75 : i32
    %convert_element_type3A = arith.extui %eq3A_76 : i1 to i32
    %cond3A = arith.constant 0 : i32
    %cond3A_77 = arith.cmpi ne, %convert_element_type3A, %cond3A : i32
    scf.if %cond3A_77 {
      %broadcast_in_dim3A_87 = arith.constant 0.000000e+00 : f32
      %broadcast_in_dim3A_88 = vector.broadcast %broadcast_in_dim3A_87 : f32 to vector<8x128xf32>
      %swap3A_89 = arith.constant 0 : index
      %swap3A_90 = arith.constant 0 : index
      %swap3A_91 = vector.load %arg10[%swap3A_89, %swap3A_90] : memref<8x128xf32, #tpu.memory_space<vmem>>, vector<8x128xf32>
      tpu.vector_store %arg10[%swap3A_89, %swap3A_90], %broadcast_in_dim3A_88 {strides = array<i32>} : memref<8x128xf32, #tpu.memory_space<vmem>>, vector<8x128xf32>,
    } else {
    }
    %broadcast_in_dim3A_78 = arith.constant 0.000000e+00 : f32
    %broadcast_in_dim3A_79 = vector.broadcast %broadcast_in_dim3A_78 : f32 to vector<6x128xf32>
    %concatenate3A = tpu.concatenate %broadcast_in_dim3A_70, %broadcast_in_dim3A_74, %broadcast_in_dim3A_79 in 0 : vector<1x128xf32>, vector<1x128xf32>, vector<6x128xf32> -> vector<8x128xf32>
    %get3A_80 = arith.constant 0 : index
    %get3A_81 = arith.constant 0 : index
    %get3A_82 = vector.load %arg10[%get3A_80, %get3A_81] : memref<8x128xf32, #tpu.memory_space<vmem>>, vector<8x128xf32>
    %add3A_83 = arith.addf %get3A_82, %concatenate3A : vector<8x128xf32>
    %swap3A_84 = arith.constant 0 : index
    %swap3A_85 = arith.constant 0 : index
    %swap3A_86 = vector.load %arg10[%swap3A_84, %swap3A_85] : memref<8x128xf32, #tpu.memory_space<vmem>>, vector<8x128xf32>
    tpu.vector_store %arg10[%swap3A_84, %swap3A_85], %add3A_83 {strides = array<i32>} : memref<8x128xf32, #tpu.memory_space<vmem>>, vector<8x128xf32>,
    return
  }
  func.func @transform_0(%arg0: i32) -> (i32, i32) {
    %c0_i32 = arith.constant 0 : i32
    %c0_i32_0 = arith.constant 0 : i32
    return %arg0, %c0_i32 : i32, i32
  }
  func.func @transform_1(%arg0: i32) -> (i32, i32) {
    %c0_i32 = arith.constant 0 : i32
    %c0_i32_0 = arith.constant 0 : i32
    return %arg0, %c0_i32 : i32, i32
  }
  func.func @transform_2(%arg0: i32) -> (i32, i32) {
    %c0_i32 = arith.constant 0 : i32
    %c0_i32_0 = arith.constant 0 : i32
    return %arg0, %c0_i32 : i32, i32
  }
  func.func @transform_3(%arg0: i32) -> (i32, i32) {
    %c0_i32 = arith.constant 0 : i32
    %c0_i32_0 = arith.constant 0 : i32
    %c0_i32_1 = arith.constant 0 : i32
    return %c0_i32, %c0_i32_0 : i32, i32
  }
  func.func @transform_4(%arg0: i32) -> (i32, i32) {
    %c0_i32 = arith.constant 0 : i32
    %c0_i32_0 = arith.constant 0 : i32
    %c0_i32_1 = arith.constant 0 : i32
    return %c0_i32, %c0_i32_0 : i32, i32
  }
  func.func @transform_5(%arg0: i32) -> (i32, i32) {
    %c0_i32 = arith.constant 0 : i32
    %c0_i32_0 = arith.constant 0 : i32
    %c0_i32_1 = arith.constant 0 : i32
    return %c0_i32, %c0_i32_0 : i32, i32
  }
  func.func @transform_6(%arg0: i32) -> (i32, i32) {
    %c0_i32 = arith.constant 0 : i32
    %c0_i32_0 = arith.constant 0 : i32
    %c0_i32_1 = arith.constant 0 : i32
    return %c0_i32, %c0_i32_0 : i32, i32
  }
  func.func @transform_7(%arg0: i32) -> (i32, i32) {
    %c0_i32 = arith.constant 0 : i32
    %c0_i32_0 = arith.constant 0 : i32
    %c0_i32_1 = arith.constant 0 : i32
    return %c0_i32, %c0_i32_0 : i32, i32
  }
  func.func @transform_8(%arg0: i32) -> (i32, i32) {
    %c0_i32 = arith.constant 0 : i32
    %c0_i32_0 = arith.constant 0 : i32
    return %arg0, %c0_i32 : i32, i32
  }
  func.func @transform_9(%arg0: i32) -> (i32, i32) {
    %c0_i32 = arith.constant 0 : i32
    %c0_i32_0 = arith.constant 0 : i32
    %c0_i32_1 = arith.constant 0 : i32
    return %c0_i32, %c0_i32_0 : i32, i32
  }
}

module attributes {stable_mosaic.version = 14 : i64} {
  func.func @body(%arg0: i32, %arg1: memref<512x128xf32, #tpu.memory_space<vmem>>, %arg2: memref<512x128xf32, #tpu.memory_space<vmem>>, %arg3: memref<512x6xf32, #tpu.memory_space<vmem>>, %arg4: memref<512x1xf32, #tpu.memory_space<vmem>>, %arg5: memref<8x128xf32, #tpu.memory_space<vmem>>, %arg6: memref<24x22xf32, #tpu.memory_space<vmem>>, %arg7: memref<8x22xf32, #tpu.memory_space<vmem>>, %arg8: memref<22x40xf32, #tpu.memory_space<vmem>>, %arg9: memref<8x40xf32, #tpu.memory_space<vmem>>, %arg10: memref<40x40xf32, #tpu.memory_space<vmem>>, %arg11: memref<8x40xf32, #tpu.memory_space<vmem>>, %arg12: memref<128x512xf32, #tpu.memory_space<vmem>>, %arg13: memref<128x512xf32, #tpu.memory_space<vmem>>, %arg14: memref<40x512xf32, #tpu.memory_space<vmem>>, %arg15: memref<8x512xf32, #tpu.memory_space<vmem>>, %arg16: memref<512x512xf32, #tpu.memory_space<vmem>>, %arg17: memref<8x512xf32, #tpu.memory_space<vmem>>, %arg18: memref<512x256xf32, #tpu.memory_space<vmem>>, %arg19: memref<8x256xf32, #tpu.memory_space<vmem>>, %arg20: memref<8x256xf32, #tpu.memory_space<vmem>>, %arg21: memref<8x8xf32, #tpu.memory_space<vmem>>, %arg22: memref<8x64xf32, #tpu.memory_space<vmem>>) attributes {dimension_semantics = [#tpu.dimension_semantics<arbitrary>], iteration_bounds = array<i64: 320>, scalar_prefetch = 0 : i64, scratch_operands = 0 : i64, tpu.core_type = #tpu.core_type<tc>, window_params = [{transform_indices = @transform_0, window_bounds = array<i64: 512, 128>}, {transform_indices = @transform_1, window_bounds = array<i64: 512, 128>}, {transform_indices = @transform_2, window_bounds = array<i64: 512, 6>}, {transform_indices = @transform_3, window_bounds = array<i64: 512, 1>}, {pipeline_mode = #tpu.pipeline_mode<synchronous>, transform_indices = @transform_4, window_bounds = array<i64: 8, 128>}, {pipeline_mode = #tpu.pipeline_mode<synchronous>, transform_indices = @transform_5, window_bounds = array<i64: 24, 22>}, {pipeline_mode = #tpu.pipeline_mode<synchronous>, transform_indices = @transform_6, window_bounds = array<i64: 8, 22>}, {pipeline_mode = #tpu.pipeline_mode<synchronous>, transform_indices = @transform_7, window_bounds = array<i64: 22, 40>}, {pipeline_mode = #tpu.pipeline_mode<synchronous>, transform_indices = @transform_8, window_bounds = array<i64: 8, 40>}, {pipeline_mode = #tpu.pipeline_mode<synchronous>, transform_indices = @transform_9, window_bounds = array<i64: 40, 40>}, {pipeline_mode = #tpu.pipeline_mode<synchronous>, transform_indices = @transform_10, window_bounds = array<i64: 8, 40>}, {pipeline_mode = #tpu.pipeline_mode<synchronous>, transform_indices = @transform_11, window_bounds = array<i64: 128, 512>}, {pipeline_mode = #tpu.pipeline_mode<synchronous>, transform_indices = @transform_12, window_bounds = array<i64: 128, 512>}, {pipeline_mode = #tpu.pipeline_mode<synchronous>, transform_indices = @transform_13, window_bounds = array<i64: 40, 512>}, {pipeline_mode = #tpu.pipeline_mode<synchronous>, transform_indices = @transform_14, window_bounds = array<i64: 8, 512>}, {pipeline_mode = #tpu.pipeline_mode<synchronous>, transform_indices = @transform_15, window_bounds = array<i64: 512, 512>}, {pipeline_mode = #tpu.pipeline_mode<synchronous>, transform_indices = @transform_16, window_bounds = array<i64: 8, 512>}, {pipeline_mode = #tpu.pipeline_mode<synchronous>, transform_indices = @transform_17, window_bounds = array<i64: 512, 256>}, {pipeline_mode = #tpu.pipeline_mode<synchronous>, transform_indices = @transform_18, window_bounds = array<i64: 8, 256>}, {pipeline_mode = #tpu.pipeline_mode<synchronous>, transform_indices = @transform_19, window_bounds = array<i64: 8, 256>}, {pipeline_mode = #tpu.pipeline_mode<synchronous>, transform_indices = @transform_20, window_bounds = array<i64: 8, 8>}, {pipeline_mode = #tpu.pipeline_mode<synchronous>, transform_indices = @transform_21, window_bounds = array<i64: 8, 64>}]} {
    %get3A = arith.constant 0 : index
    %get3A_0 = arith.constant 0 : index
    %get3A_1 = vector.load %arg3[%get3A, %get3A_0] : memref<512x6xf32, #tpu.memory_space<vmem>>, vector<512x6xf32>
    %iota3A = tpu.iota {dimensions = array<i32: 1>} : vector<1x24xi32>
    %broadcast_in_dim3A = arith.constant 0.000000e+00 : f32
    %broadcast_in_dim3A_2 = vector.broadcast %broadcast_in_dim3A : f32 to vector<512x24xf32>
    %slice3A = vector.extract_strided_slice %get3A_1 {offsets = [0, 0], sizes = [512, 1], strides = [1, 1]} : vector<512x6xf32> to vector<512x1xf32>
    %convert_element_type3A = arith.fptosi %slice3A : vector<512x1xf32> to vector<512x1xi32>
    %add3A = arith.constant 0 : i32
    %add3A_3 = vector.broadcast %add3A : i32 to vector<512x1xi32>
    %add3A_4 = arith.addi %convert_element_type3A, %add3A_3 : vector<512x1xi32>
    %eq3A = vector.broadcast %add3A_4 : vector<512x1xi32> to vector<512x24xi32>
    %eq3A_5 = vector.broadcast %iota3A : vector<1x24xi32> to vector<512x24xi32>
    %eq3A_6 = arith.cmpi eq, %eq3A, %eq3A_5 : vector<512x24xi32>
    %convert_element_type3A_7 = arith.extui %eq3A_6 : vector<512x24xi1> to vector<512x24xi32>
    %convert_element_type3A_8 = arith.sitofp %convert_element_type3A_7 : vector<512x24xi32> to vector<512x24xf32>
    %add3A_9 = arith.addf %broadcast_in_dim3A_2, %convert_element_type3A_8 : vector<512x24xf32>
    %slice3A_10 = vector.extract_strided_slice %get3A_1 {offsets = [0, 1], sizes = [512, 1], strides = [1, 1]} : vector<512x6xf32> to vector<512x1xf32>
    %convert_element_type3A_11 = arith.fptosi %slice3A_10 : vector<512x1xf32> to vector<512x1xi32>
    %add3A_12 = arith.constant 7 : i32
    %add3A_13 = vector.broadcast %add3A_12 : i32 to vector<512x1xi32>
    %add3A_14 = arith.addi %convert_element_type3A_11, %add3A_13 : vector<512x1xi32>
    %eq3A_15 = vector.broadcast %add3A_14 : vector<512x1xi32> to vector<512x24xi32>
    %eq3A_16 = vector.broadcast %iota3A : vector<1x24xi32> to vector<512x24xi32>
    %eq3A_17 = arith.cmpi eq, %eq3A_15, %eq3A_16 : vector<512x24xi32>
    %convert_element_type3A_18 = arith.extui %eq3A_17 : vector<512x24xi1> to vector<512x24xi32>
    %convert_element_type3A_19 = arith.sitofp %convert_element_type3A_18 : vector<512x24xi32> to vector<512x24xf32>
    %add3A_20 = arith.addf %add3A_9, %convert_element_type3A_19 : vector<512x24xf32>
    %slice3A_21 = vector.extract_strided_slice %get3A_1 {offsets = [0, 2], sizes = [512, 1], strides = [1, 1]} : vector<512x6xf32> to vector<512x1xf32>
    %convert_element_type3A_22 = arith.fptosi %slice3A_21 : vector<512x1xf32> to vector<512x1xi32>
    %add3A_23 = arith.constant 12 : i32
    %add3A_24 = vector.broadcast %add3A_23 : i32 to vector<512x1xi32>
    %add3A_25 = arith.addi %convert_element_type3A_22, %add3A_24 : vector<512x1xi32>
    %eq3A_26 = vector.broadcast %add3A_25 : vector<512x1xi32> to vector<512x24xi32>
    %eq3A_27 = vector.broadcast %iota3A : vector<1x24xi32> to vector<512x24xi32>
    %eq3A_28 = arith.cmpi eq, %eq3A_26, %eq3A_27 : vector<512x24xi32>
    %convert_element_type3A_29 = arith.extui %eq3A_28 : vector<512x24xi1> to vector<512x24xi32>
    %convert_element_type3A_30 = arith.sitofp %convert_element_type3A_29 : vector<512x24xi32> to vector<512x24xf32>
    %add3A_31 = arith.addf %add3A_20, %convert_element_type3A_30 : vector<512x24xf32>
    %slice3A_32 = vector.extract_strided_slice %get3A_1 {offsets = [0, 3], sizes = [512, 1], strides = [1, 1]} : vector<512x6xf32> to vector<512x1xf32>
    %convert_element_type3A_33 = arith.fptosi %slice3A_32 : vector<512x1xf32> to vector<512x1xi32>
    %add3A_34 = arith.constant 18 : i32
    %add3A_35 = vector.broadcast %add3A_34 : i32 to vector<512x1xi32>
    %add3A_36 = arith.addi %convert_element_type3A_33, %add3A_35 : vector<512x1xi32>
    %eq3A_37 = vector.broadcast %add3A_36 : vector<512x1xi32> to vector<512x24xi32>
    %eq3A_38 = vector.broadcast %iota3A : vector<1x24xi32> to vector<512x24xi32>
    %eq3A_39 = arith.cmpi eq, %eq3A_37, %eq3A_38 : vector<512x24xi32>
    %convert_element_type3A_40 = arith.extui %eq3A_39 : vector<512x24xi1> to vector<512x24xi32>
    %convert_element_type3A_41 = arith.sitofp %convert_element_type3A_40 : vector<512x24xi32> to vector<512x24xf32>
    %add3A_42 = arith.addf %add3A_31, %convert_element_type3A_41 : vector<512x24xf32>
    %slice3A_43 = vector.extract_strided_slice %get3A_1 {offsets = [0, 4], sizes = [512, 1], strides = [1, 1]} : vector<512x6xf32> to vector<512x1xf32>
    %convert_element_type3A_44 = arith.fptosi %slice3A_43 : vector<512x1xf32> to vector<512x1xi32>
    %add3A_45 = arith.constant 20 : i32
    %add3A_46 = vector.broadcast %add3A_45 : i32 to vector<512x1xi32>
    %add3A_47 = arith.addi %convert_element_type3A_44, %add3A_46 : vector<512x1xi32>
    %eq3A_48 = vector.broadcast %add3A_47 : vector<512x1xi32> to vector<512x24xi32>
    %eq3A_49 = vector.broadcast %iota3A : vector<1x24xi32> to vector<512x24xi32>
    %eq3A_50 = arith.cmpi eq, %eq3A_48, %eq3A_49 : vector<512x24xi32>
    %convert_element_type3A_51 = arith.extui %eq3A_50 : vector<512x24xi1> to vector<512x24xi32>
    %convert_element_type3A_52 = arith.sitofp %convert_element_type3A_51 : vector<512x24xi32> to vector<512x24xf32>
    %add3A_53 = arith.addf %add3A_42, %convert_element_type3A_52 : vector<512x24xf32>
    %slice3A_54 = vector.extract_strided_slice %get3A_1 {offsets = [0, 5], sizes = [512, 1], strides = [1, 1]} : vector<512x6xf32> to vector<512x1xf32>
    %eq3A_55 = arith.constant 22 : i32
    %eq3A_56 = vector.broadcast %eq3A_55 : i32 to vector<1x24xi32>
    %eq3A_57 = arith.cmpi eq, %iota3A, %eq3A_56 : vector<1x24xi32>
    %convert_element_type3A_58 = arith.extui %eq3A_57 : vector<1x24xi1> to vector<1x24xi32>
    %convert_element_type3A_59 = arith.sitofp %convert_element_type3A_58 : vector<1x24xi32> to vector<1x24xf32>
    %mul3A = vector.broadcast %slice3A_54 : vector<512x1xf32> to vector<512x24xf32>
    %mul3A_60 = vector.broadcast %convert_element_type3A_59 : vector<1x24xf32> to vector<512x24xf32>
    %mul3A_61 = arith.mulf %mul3A, %mul3A_60 : vector<512x24xf32>
    %add3A_62 = arith.addf %add3A_53, %mul3A_61 : vector<512x24xf32>
    %get3A_63 = arith.constant 0 : index
    %get3A_64 = arith.constant 0 : index
    %get3A_65 = vector.load %arg6[%get3A_63, %get3A_64] : memref<24x22xf32, #tpu.memory_space<vmem>>, vector<24x22xf32>
    %dot_general3A = arith.constant dense<0.000000e+00> : vector<512x22xf32>
    %dot_general3A_66 = tpu.matmul %add3A_62, %get3A_65, %dot_general3A {dimension_numbers = #tpu.dot_dimension_numbers<[1], [0], [0], [1], [0, 0, 1, 1], [], []>, precision = #tpu.contract_precision<fp32>, transpose_lhs_hint = false} : vector<512x24xf32>, vector<24x22xf32>, vector<512x22xf32> -> vector<512x22xf32>
    %get3A_67 = arith.constant 0 : index
    %get3A_68 = arith.constant 0 : index
    %get3A_69 = vector.load %arg7[%get3A_67, %get3A_68] : memref<8x22xf32, #tpu.memory_space<vmem>>, vector<1x22xf32>
    %add3A_70 = vector.broadcast %get3A_69 : vector<1x22xf32> to vector<512x22xf32>
    %add3A_71 = arith.addf %dot_general3A_66, %add3A_70 : vector<512x22xf32>
    %max3A = arith.constant 0.000000e+00 : f32
    %max3A_72 = vector.broadcast %max3A : f32 to vector<512x22xf32>
    %max3A_73 = arith.maximumf %add3A_71, %max3A_72 : vector<512x22xf32>
    %get3A_74 = arith.constant 0 : index
    %get3A_75 = arith.constant 0 : index
    %get3A_76 = vector.load %arg8[%get3A_74, %get3A_75] : memref<22x40xf32, #tpu.memory_space<vmem>>, vector<22x40xf32>
    %dot_general3A_77 = arith.constant dense<0.000000e+00> : vector<512x40xf32>
    %dot_general3A_78 = tpu.matmul %max3A_73, %get3A_76, %dot_general3A_77 {dimension_numbers = #tpu.dot_dimension_numbers<[1], [0], [0], [1], [0, 0, 1, 1], [], []>, precision = #tpu.contract_precision<fp32>, transpose_lhs_hint = false} : vector<512x22xf32>, vector<22x40xf32>, vector<512x40xf32> -> vector<512x40xf32>
    %get3A_79 = arith.constant 0 : index
    %get3A_80 = arith.constant 0 : index
    %get3A_81 = vector.load %arg9[%get3A_79, %get3A_80] : memref<8x40xf32, #tpu.memory_space<vmem>>, vector<1x40xf32>
    %add3A_82 = vector.broadcast %get3A_81 : vector<1x40xf32> to vector<512x40xf32>
    %add3A_83 = arith.addf %dot_general3A_78, %add3A_82 : vector<512x40xf32>
    %max3A_84 = arith.constant 0.000000e+00 : f32
    %max3A_85 = vector.broadcast %max3A_84 : f32 to vector<512x40xf32>
    %max3A_86 = arith.maximumf %add3A_83, %max3A_85 : vector<512x40xf32>
    %get3A_87 = arith.constant 0 : index
    %get3A_88 = arith.constant 0 : index
    %get3A_89 = vector.load %arg10[%get3A_87, %get3A_88] : memref<40x40xf32, #tpu.memory_space<vmem>>, vector<40x40xf32>
    %dot_general3A_90 = arith.constant dense<0.000000e+00> : vector<512x40xf32>
    %dot_general3A_91 = tpu.matmul %max3A_86, %get3A_89, %dot_general3A_90 {dimension_numbers = #tpu.dot_dimension_numbers<[1], [0], [0], [1], [0, 0, 1, 1], [], []>, precision = #tpu.contract_precision<fp32>, transpose_lhs_hint = false} : vector<512x40xf32>, vector<40x40xf32>, vector<512x40xf32> -> vector<512x40xf32>
    %get3A_92 = arith.constant 0 : index
    %get3A_93 = arith.constant 0 : index
    %get3A_94 = vector.load %arg11[%get3A_92, %get3A_93] : memref<8x40xf32, #tpu.memory_space<vmem>>, vector<1x40xf32>
    %add3A_95 = vector.broadcast %get3A_94 : vector<1x40xf32> to vector<512x40xf32>
    %add3A_96 = arith.addf %dot_general3A_91, %add3A_95 : vector<512x40xf32>
    %get3A_97 = arith.constant 0 : index
    %get3A_98 = arith.constant 0 : index
    %get3A_99 = vector.load %arg5[%get3A_97, %get3A_98] : memref<8x128xf32, #tpu.memory_space<vmem>>, vector<1x128xf32>
    %get3A_100 = arith.constant 1 : index
    %get3A_101 = arith.constant 0 : index
    %get3A_102 = vector.load %arg5[%get3A_100, %get3A_101] : memref<8x128xf32, #tpu.memory_space<vmem>>, vector<1x128xf32>
    %get3A_103 = arith.constant 0 : index
    %get3A_104 = arith.constant 0 : index
    %get3A_105 = vector.load %arg1[%get3A_103, %get3A_104] : memref<512x128xf32, #tpu.memory_space<vmem>>, vector<512x128xf32>
    %mul3A_106 = vector.broadcast %get3A_99 : vector<1x128xf32> to vector<512x128xf32>
    %mul3A_107 = arith.mulf %get3A_105, %mul3A_106 : vector<512x128xf32>
    %add3A_108 = vector.broadcast %get3A_102 : vector<1x128xf32> to vector<512x128xf32>
    %add3A_109 = arith.addf %mul3A_107, %add3A_108 : vector<512x128xf32>
    %get3A_110 = arith.constant 0 : index
    %get3A_111 = arith.constant 0 : index
    %get3A_112 = vector.load %arg2[%get3A_110, %get3A_111] : memref<512x128xf32, #tpu.memory_space<vmem>>, vector<512x128xf32>
    %mul3A_113 = vector.broadcast %get3A_99 : vector<1x128xf32> to vector<512x128xf32>
    %mul3A_114 = arith.mulf %get3A_112, %mul3A_113 : vector<512x128xf32>
    %add3A_115 = vector.broadcast %get3A_102 : vector<1x128xf32> to vector<512x128xf32>
    %add3A_116 = arith.addf %mul3A_114, %add3A_115 : vector<512x128xf32>
    %get3A_117 = arith.constant 0 : index
    %get3A_118 = arith.constant 0 : index
    %get3A_119 = vector.load %arg12[%get3A_117, %get3A_118] : memref<128x512xf32, #tpu.memory_space<vmem>>, vector<128x512xf32>
    %dot_general3A_120 = arith.constant dense<0.000000e+00> : vector<512x512xf32>
    %dot_general3A_121 = tpu.matmul %add3A_109, %get3A_119, %dot_general3A_120 {dimension_numbers = #tpu.dot_dimension_numbers<[1], [0], [0], [1], [0, 0, 1, 1], [], []>, precision = #tpu.contract_precision<fp32>, transpose_lhs_hint = false} : vector<512x128xf32>, vector<128x512xf32>, vector<512x512xf32> -> vector<512x512xf32>
    %get3A_122 = arith.constant 0 : index
    %get3A_123 = arith.constant 0 : index
    %get3A_124 = vector.load %arg13[%get3A_122, %get3A_123] : memref<128x512xf32, #tpu.memory_space<vmem>>, vector<128x512xf32>
    %dot_general3A_125 = arith.constant dense<0.000000e+00> : vector<512x512xf32>
    %dot_general3A_126 = tpu.matmul %add3A_116, %get3A_124, %dot_general3A_125 {dimension_numbers = #tpu.dot_dimension_numbers<[1], [0], [0], [1], [0, 0, 1, 1], [], []>, precision = #tpu.contract_precision<fp32>, transpose_lhs_hint = false} : vector<512x128xf32>, vector<128x512xf32>, vector<512x512xf32> -> vector<512x512xf32>
    %add3A_127 = arith.addf %dot_general3A_121, %dot_general3A_126 : vector<512x512xf32>
    %get3A_128 = arith.constant 0 : index
    %get3A_129 = arith.constant 0 : index
    %get3A_130 = vector.load %arg14[%get3A_128, %get3A_129] : memref<40x512xf32, #tpu.memory_space<vmem>>, vector<40x512xf32>
    %dot_general3A_131 = arith.constant dense<0.000000e+00> : vector<512x512xf32>
    %dot_general3A_132 = tpu.matmul %add3A_96, %get3A_130, %dot_general3A_131 {dimension_numbers = #tpu.dot_dimension_numbers<[1], [0], [0], [1], [0, 0, 1, 1], [], []>, precision = #tpu.contract_precision<fp32>, transpose_lhs_hint = false} : vector<512x40xf32>, vector<40x512xf32>, vector<512x512xf32> -> vector<512x512xf32>
    %add3A_133 = arith.addf %add3A_127, %dot_general3A_132 : vector<512x512xf32>
    %get3A_134 = arith.constant 0 : index
    %get3A_135 = arith.constant 0 : index
    %get3A_136 = vector.load %arg15[%get3A_134, %get3A_135] : memref<8x512xf32, #tpu.memory_space<vmem>>, vector<1x512xf32>
    %add3A_137 = vector.broadcast %get3A_136 : vector<1x512xf32> to vector<512x512xf32>
    %add3A_138 = arith.addf %add3A_133, %add3A_137 : vector<512x512xf32>
    %max3A_139 = arith.constant 0.000000e+00 : f32
    %max3A_140 = vector.broadcast %max3A_139 : f32 to vector<512x512xf32>
    %max3A_141 = arith.maximumf %add3A_138, %max3A_140 : vector<512x512xf32>
    %get3A_142 = arith.constant 0 : index
    %get3A_143 = arith.constant 0 : index
    %get3A_144 = vector.load %arg16[%get3A_142, %get3A_143] : memref<512x512xf32, #tpu.memory_space<vmem>>, vector<512x512xf32>
    %dot_general3A_145 = arith.constant dense<0.000000e+00> : vector<512x512xf32>
    %dot_general3A_146 = tpu.matmul %max3A_141, %get3A_144, %dot_general3A_145 {dimension_numbers = #tpu.dot_dimension_numbers<[1], [0], [0], [1], [0, 0, 1, 1], [], []>, precision = #tpu.contract_precision<fp32>, transpose_lhs_hint = false} : vector<512x512xf32>, vector<512x512xf32>, vector<512x512xf32> -> vector<512x512xf32>
    %get3A_147 = arith.constant 0 : index
    %get3A_148 = arith.constant 0 : index
    %get3A_149 = vector.load %arg17[%get3A_147, %get3A_148] : memref<8x512xf32, #tpu.memory_space<vmem>>, vector<1x512xf32>
    %add3A_150 = vector.broadcast %get3A_149 : vector<1x512xf32> to vector<512x512xf32>
    %add3A_151 = arith.addf %dot_general3A_146, %add3A_150 : vector<512x512xf32>
    %max3A_152 = arith.constant 0.000000e+00 : f32
    %max3A_153 = vector.broadcast %max3A_152 : f32 to vector<512x512xf32>
    %max3A_154 = arith.maximumf %add3A_151, %max3A_153 : vector<512x512xf32>
    %get3A_155 = arith.constant 0 : index
    %get3A_156 = arith.constant 0 : index
    %get3A_157 = vector.load %arg18[%get3A_155, %get3A_156] : memref<512x256xf32, #tpu.memory_space<vmem>>, vector<512x256xf32>
    %dot_general3A_158 = arith.constant dense<0.000000e+00> : vector<512x256xf32>
    %dot_general3A_159 = tpu.matmul %max3A_154, %get3A_157, %dot_general3A_158 {dimension_numbers = #tpu.dot_dimension_numbers<[1], [0], [0], [1], [0, 0, 1, 1], [], []>, precision = #tpu.contract_precision<fp32>, transpose_lhs_hint = false} : vector<512x512xf32>, vector<512x256xf32>, vector<512x256xf32> -> vector<512x256xf32>
    %get3A_160 = arith.constant 0 : index
    %get3A_161 = arith.constant 0 : index
    %get3A_162 = vector.load %arg19[%get3A_160, %get3A_161] : memref<8x256xf32, #tpu.memory_space<vmem>>, vector<1x256xf32>
    %add3A_163 = vector.broadcast %get3A_162 : vector<1x256xf32> to vector<512x256xf32>
    %add3A_164 = arith.addf %dot_general3A_159, %add3A_163 : vector<512x256xf32>
    %max3A_165 = arith.constant 0.000000e+00 : f32
    %max3A_166 = vector.broadcast %max3A_165 : f32 to vector<512x256xf32>
    %max3A_167 = arith.maximumf %add3A_164, %max3A_166 : vector<512x256xf32>
    %get3A_168 = arith.constant 0 : index
    %get3A_169 = arith.constant 0 : index
    %get3A_170 = vector.load %arg20[%get3A_168, %get3A_169] : memref<8x256xf32, #tpu.memory_space<vmem>>, vector<1x256xf32>
    %mul3A_171 = vector.broadcast %get3A_170 : vector<1x256xf32> to vector<512x256xf32>
    %mul3A_172 = arith.mulf %max3A_167, %mul3A_171 : vector<512x256xf32>
    %reduce_sum3A = arith.constant dense<0.000000e+00> : vector<512xf32>
    %reduce_sum3A_173 = vector.multi_reduction <add>, %mul3A_172, %reduce_sum3A [1] : vector<512x256xf32> to vector<512xf32>
    %broadcast_in_dim3A_174 = vector.shape_cast %reduce_sum3A_173 : vector<512xf32> to vector<512x1xf32>
    %get3A_175 = arith.constant 0 : index
    %get3A_176 = arith.constant 0 : index
    %get3A_177 = vector.load %arg21[%get3A_175, %get3A_176] : memref<8x8xf32, #tpu.memory_space<vmem>>, vector<1x1xf32>
    %add3A_178 = vector.broadcast %get3A_177 : vector<1x1xf32> to vector<512x1xf32>
    %add3A_179 = arith.addf %broadcast_in_dim3A_174, %add3A_178 : vector<512x1xf32>
    %iota3A_180 = tpu.iota {dimensions = array<i32: 0>} : vector<512x1xi32>
    %mul3A_181 = arith.constant 512 : i32
    %mul3A_182 = arith.muli %arg0, %mul3A_181 : i32
    %add3A_183 = vector.broadcast %mul3A_182 : i32 to vector<512x1xi32>
    %add3A_184 = arith.addi %iota3A_180, %add3A_183 : vector<512x1xi32>
    %lt3A = arith.constant 160000 : i32
    %lt3A_185 = vector.broadcast %lt3A : i32 to vector<512x1xi32>
    %lt3A_186 = arith.cmpi slt, %add3A_184, %lt3A_185 : vector<512x1xi32>
    %jit3A = arith.constant 0.000000e+00 : f32
    %broadcast_in_dim3A_187 = vector.broadcast %jit3A : f32 to vector<512x1xf32>
    %select_n3A = arith.select %lt3A_186, %add3A_179, %broadcast_in_dim3A_187 : vector<512x1xi1>, vector<512x1xf32>
    %iota3A_188 = tpu.iota {dimensions = array<i32: 1>} : vector<1x64xi32>
    %convert_element_type3A_189 = arith.sitofp %iota3A_188 : vector<1x64xi32> to vector<1x64xf32>
    %get3A_190 = arith.constant 0 : index
    %get3A_191 = arith.constant 0 : index
    %get3A_192 = vector.load %arg4[%get3A_190, %get3A_191] : memref<512x1xf32, #tpu.memory_space<vmem>>, vector<512x1xf32>
    %eq3A_193 = vector.broadcast %get3A_192 : vector<512x1xf32> to vector<512x64xf32>
    %eq3A_194 = vector.broadcast %convert_element_type3A_189 : vector<1x64xf32> to vector<512x64xf32>
    %eq3A_195 = arith.cmpf oeq, %eq3A_193, %eq3A_194 : vector<512x64xf32>
    %convert_element_type3A_196 = arith.extui %eq3A_195 : vector<512x64xi1> to vector<512x64xi32>
    %convert_element_type3A_197 = arith.sitofp %convert_element_type3A_196 : vector<512x64xi32> to vector<512x64xf32>
    %dot_general3A_198 = arith.constant dense<0.000000e+00> : vector<1x64xf32>
    %dot_general3A_199 = tpu.matmul %select_n3A, %convert_element_type3A_197, %dot_general3A_198 {dimension_numbers = #tpu.dot_dimension_numbers<[0], [0], [1], [1], [0, 1, 1, 1], [], []>, precision = #tpu.contract_precision<fp32>, transpose_lhs_hint = false} : vector<512x1xf32>, vector<512x64xf32>, vector<1x64xf32> -> vector<1x64xf32>
    %eq3A_200 = arith.constant 0 : i32
    %eq3A_201 = arith.cmpi eq, %arg0, %eq3A_200 : i32
    %convert_element_type3A_202 = arith.extui %eq3A_201 : i1 to i32
    %cond3A = arith.constant 0 : i32
    %cond3A_203 = arith.cmpi ne, %convert_element_type3A_202, %cond3A : i32
    scf.if %cond3A_203 {
      %broadcast_in_dim3A_212 = arith.constant 0.000000e+00 : f32
      %broadcast_in_dim3A_213 = vector.broadcast %broadcast_in_dim3A_212 : f32 to vector<8x64xf32>
      %swap3A_214 = arith.constant 0 : index
      %swap3A_215 = arith.constant 0 : index
      %swap3A_216 = vector.load %arg22[%swap3A_214, %swap3A_215] : memref<8x64xf32, #tpu.memory_space<vmem>>, vector<8x64xf32>
      tpu.vector_store %arg22[%swap3A_214, %swap3A_215], %broadcast_in_dim3A_213 {strides = array<i32>} : memref<8x64xf32, #tpu.memory_space<vmem>>, vector<8x64xf32>,
    } else {
    }
    %get3A_204 = arith.constant 0 : index
    %get3A_205 = arith.constant 0 : index
    %get3A_206 = vector.load %arg22[%get3A_204, %get3A_205] : memref<8x64xf32, #tpu.memory_space<vmem>>, vector<8x64xf32>
    %broadcast_in_dim3A_207 = arith.constant 0.000000e+00 : f32
    %broadcast_in_dim3A_208 = vector.broadcast %broadcast_in_dim3A_207 : f32 to vector<7x64xf32>
    %concatenate3A = tpu.concatenate %dot_general3A_199, %broadcast_in_dim3A_208 in 0 : vector<1x64xf32>, vector<7x64xf32> -> vector<8x64xf32>
    %add3A_209 = arith.addf %get3A_206, %concatenate3A : vector<8x64xf32>
    %swap3A = arith.constant 0 : index
    %swap3A_210 = arith.constant 0 : index
    %swap3A_211 = vector.load %arg22[%swap3A, %swap3A_210] : memref<8x64xf32, #tpu.memory_space<vmem>>, vector<8x64xf32>
    tpu.vector_store %arg22[%swap3A, %swap3A_210], %add3A_209 {strides = array<i32>} : memref<8x64xf32, #tpu.memory_space<vmem>>, vector<8x64xf32>,
    return
  }
  func.func @transform_0(%arg0: i32) -> (i32, i32) {
    %c0_i32 = arith.constant 0 : i32
    %c0_i32_0 = arith.constant 0 : i32
    return %arg0, %c0_i32 : i32, i32
  }
  func.func @transform_1(%arg0: i32) -> (i32, i32) {
    %c0_i32 = arith.constant 0 : i32
    %c0_i32_0 = arith.constant 0 : i32
    return %arg0, %c0_i32 : i32, i32
  }
  func.func @transform_2(%arg0: i32) -> (i32, i32) {
    %c0_i32 = arith.constant 0 : i32
    %c0_i32_0 = arith.constant 0 : i32
    return %arg0, %c0_i32 : i32, i32
  }
  func.func @transform_3(%arg0: i32) -> (i32, i32) {
    %c0_i32 = arith.constant 0 : i32
    %c0_i32_0 = arith.constant 0 : i32
    return %arg0, %c0_i32 : i32, i32
  }
  func.func @transform_4(%arg0: i32) -> (i32, i32) {
    %c0_i32 = arith.constant 0 : i32
    %c0_i32_0 = arith.constant 0 : i32
    %c0_i32_1 = arith.constant 0 : i32
    return %c0_i32, %c0_i32_0 : i32, i32
  }
  func.func @transform_5(%arg0: i32) -> (i32, i32) {
    %c0_i32 = arith.constant 0 : i32
    %c0_i32_0 = arith.constant 0 : i32
    %c0_i32_1 = arith.constant 0 : i32
    return %c0_i32, %c0_i32_0 : i32, i32
  }
  func.func @transform_6(%arg0: i32) -> (i32, i32) {
    %c0_i32 = arith.constant 0 : i32
    %c0_i32_0 = arith.constant 0 : i32
    %c0_i32_1 = arith.constant 0 : i32
    return %c0_i32, %c0_i32_0 : i32, i32
  }
  func.func @transform_7(%arg0: i32) -> (i32, i32) {
    %c0_i32 = arith.constant 0 : i32
    %c0_i32_0 = arith.constant 0 : i32
    %c0_i32_1 = arith.constant 0 : i32
    return %c0_i32, %c0_i32_0 : i32, i32
  }
  func.func @transform_8(%arg0: i32) -> (i32, i32) {
    %c0_i32 = arith.constant 0 : i32
    %c0_i32_0 = arith.constant 0 : i32
    %c0_i32_1 = arith.constant 0 : i32
    return %c0_i32, %c0_i32_0 : i32, i32
  }
  func.func @transform_9(%arg0: i32) -> (i32, i32) {
    %c0_i32 = arith.constant 0 : i32
    %c0_i32_0 = arith.constant 0 : i32
    %c0_i32_1 = arith.constant 0 : i32
    return %c0_i32, %c0_i32_0 : i32, i32
  }
  func.func @transform_10(%arg0: i32) -> (i32, i32) {
    %c0_i32 = arith.constant 0 : i32
    %c0_i32_0 = arith.constant 0 : i32
    %c0_i32_1 = arith.constant 0 : i32
    return %c0_i32, %c0_i32_0 : i32, i32
  }
  func.func @transform_11(%arg0: i32) -> (i32, i32) {
    %c0_i32 = arith.constant 0 : i32
    %c0_i32_0 = arith.constant 0 : i32
    %c0_i32_1 = arith.constant 0 : i32
    return %c0_i32, %c0_i32_0 : i32, i32
  }
  func.func @transform_12(%arg0: i32) -> (i32, i32) {
    %c0_i32 = arith.constant 0 : i32
    %c0_i32_0 = arith.constant 0 : i32
    %c0_i32_1 = arith.constant 0 : i32
    return %c0_i32, %c0_i32_0 : i32, i32
  }
  func.func @transform_13(%arg0: i32) -> (i32, i32) {
    %c0_i32 = arith.constant 0 : i32
    %c0_i32_0 = arith.constant 0 : i32
    %c0_i32_1 = arith.constant 0 : i32
    return %c0_i32, %c0_i32_0 : i32, i32
  }
  func.func @transform_14(%arg0: i32) -> (i32, i32) {
    %c0_i32 = arith.constant 0 : i32
    %c0_i32_0 = arith.constant 0 : i32
    %c0_i32_1 = arith.constant 0 : i32
    return %c0_i32, %c0_i32_0 : i32, i32
  }
  func.func @transform_15(%arg0: i32) -> (i32, i32) {
    %c0_i32 = arith.constant 0 : i32
    %c0_i32_0 = arith.constant 0 : i32
    %c0_i32_1 = arith.constant 0 : i32
    return %c0_i32, %c0_i32_0 : i32, i32
  }
  func.func @transform_16(%arg0: i32) -> (i32, i32) {
    %c0_i32 = arith.constant 0 : i32
    %c0_i32_0 = arith.constant 0 : i32
    %c0_i32_1 = arith.constant 0 : i32
    return %c0_i32, %c0_i32_0 : i32, i32
  }
  func.func @transform_17(%arg0: i32) -> (i32, i32) {
    %c0_i32 = arith.constant 0 : i32
    %c0_i32_0 = arith.constant 0 : i32
    %c0_i32_1 = arith.constant 0 : i32
    return %c0_i32, %c0_i32_0 : i32, i32
  }
  func.func @transform_18(%arg0: i32) -> (i32, i32) {
    %c0_i32 = arith.constant 0 : i32
    %c0_i32_0 = arith.constant 0 : i32
    %c0_i32_1 = arith.constant 0 : i32
    return %c0_i32, %c0_i32_0 : i32, i32
  }
  func.func @transform_19(%arg0: i32) -> (i32, i32) {
    %c0_i32 = arith.constant 0 : i32
    %c0_i32_0 = arith.constant 0 : i32
    %c0_i32_1 = arith.constant 0 : i32
    return %c0_i32, %c0_i32_0 : i32, i32
  }
  func.func @transform_20(%arg0: i32) -> (i32, i32) {
    %c0_i32 = arith.constant 0 : i32
    %c0_i32_0 = arith.constant 0 : i32
    %c0_i32_1 = arith.constant 0 : i32
    return %c0_i32, %c0_i32_0 : i32, i32
  }
  func.func @transform_21(%arg0: i32) -> (i32, i32) {
    %c0_i32 = arith.constant 0 : i32
    %c0_i32_0 = arith.constant 0 : i32
    %c0_i32_1 = arith.constant 0 : i32
    return %c0_i32, %c0_i32_0 : i32, i32
  }
}

</mosaic_0001>

<sc_bundles>
// kernel: kernel.11.cloned.1.call-start
scs
__scs_entry_jumppad:
0x0: {  	(pc) =	sbr.rel $0x88, $3  }
0x1: {  	(tag) =	ssettag $0x0;
	lr =	simm.s32 $0x1  }
0x2: {  	[smem:$0x3F74] =	sst lr;
	_ =	strace $0xD0000000  }
0x3: {  	_ = 	snop  }
0x4: {  	_ = 	snop  }
0x5: {  	_ = 	snop  }
0x6: {  	_ = 	snop  }
0x7: {  	_ = 	snop  }
__scs_overlays_trampoline_lowered:
0x8: {  	[smem:$0x3F83] =	sst s0  }
0x9: {  	[smem:$0x3F84] =	sst s1  }
0xa: {  	[smem:$0x3F85] =	sst s2  }
0xb: {  	[smem:$0x3F86] =	sst s3  }
0xc: {  	[smem:$0x3F87] =	sst s4  }
0xd: {  	[smem:$0x3F88] =	sst s5  }
0xe: {  	[smem:$0x3F89] =	sst s6  }
0xf: {  	[smem:$0x3F8A] =	sst s7  }
0x10: {  	[smem:$0x3F8B] =	sst s8  }
0x11: {  	[smem:$0x3F8C] =	sst s9;
	s0 =	simm.s32 @!p0 $0x0  }
0x12: {  	s1 =	sld [smem:$0x3F72];
	s0 =	simm.s32 @p0 $0x1  }
0x13: {  	[smem:$0x3F8D] =	sst s0;
	s0 =	simm.s32 @!p1 $0x0  }
0x14: {  	s2 =	sld [smem:$0x3F71];
	s0 =	simm.s32 @p1 $0x1  }
0x15: {  	[smem:$0x3F8E] =	sst s0;
	s0 =	simm.s32 @!p2 $0x0  }
0x16: {  	s3 =	sld [smem:$0x3FDB];
	s0 =	simm.s32 @p2 $0x1  }
0x17: {  	s4 =	simm.s32 $0x1BF5;
	[smem:$0x3F90] =	sst s0  }
0x18: {  	s0 =	sld [smem:$0x3F73];
	_ =	swait.ge [sflag:s4], $0x0  }
0x19: {  	s7 =	sld [smem:$0x3F74]  }
0x1a: {  	s8 =	sadd.s32 $0xFFFFE003, lr  }
0x1b: {  	s9 =	sadd.s32 $0xFFFFFEF7, lr;
	s5 =	simm.s32 $0xFFFFFFFF;
	p2 =	slt.u32 s8, $0xFFFFF086  }
0x1c: {  	p1 =	slt.u32 s9, $0xF7A;
	s5 =	simm.s32 @!p2 $0x0  }
0x1d: {  	s5 =	simm.s32 @p1 $0x1;
	p0 =	seq.s32 s7, s2  }
0x1e: {  	s7 =	smul.u32 @!p0 $0xF7A, s2;
	p2 =	seq.s32 @!p0 s5, $0x0  }
0x1f: {  	s9 =	smul.u32 $0xF7A, s1;
	s8 =	simm.s32 @!p0 $0x1BF5;
	p2 =	por !p2, p0  }
0x20: {  	[sflag:s8] =	ssyncset.s32 @!p0 $0xFFFFF086;
	s6 =	sadd.s32 @!p0 s3, s7;
	s7 =	simm.s32 @!p0 $0x108  }
0x21: {  	s3 =	sadd.s32 s3, s9;
	s6 =	sadd.s32 @!p0 $0x88, s6;
	s7 =	simm.s32 @p2 $0x1082  }
0x22: {  	[simem:s7], [sflag:s8] =	dma.local @!p0 [hbm:s6], $0xF7A  }
0x23: {  	s9 =	sor.u32 $0xD0000000, s2;
	s6 =	simm.s32 $0x108;
	_ =	swait.ge @!p0 [sflag:s8], $0x0  }
0x24: {  	s3 =	sadd.s32 $0x88, s3;
	s6 =	simm.s32 @!p1 $0x1082;
	[sflag:s4] =	ssyncset.s32 $0xFFFFF086  }
0x25: {  	[simem:s6], [sflag:s4] =	dma.local [hbm:s3], $0xF7A  }
0x26: {  	[smem:$0x3F74] =	sst s1;
	(tag) =	ssettag s2;
	_ =	strace s9  }
0x27: {  	s1 =	sld [smem:$0x3F84]  }
0x28: {  	s2 =	sld [smem:$0x3F85]  }
0x29: {  	s4 =	sld [smem:$0x3F87]  }
0x2a: {  	p0 =	seq.s32 s5, $0x0;
	s5 =	sld [smem:$0x3F88]  }
0x2b: {  	s6 =	sld [smem:$0x3F89]  }
0x2c: {  	s7 =	sld [smem:$0x3F8A]  }
0x2d: {  	s3 =	simm.s32 $0x108;
	s8 =	sld [smem:$0x3F8B]  }
0x2e: {  	s3 =	simm.s32 @!p0 $0x1082;
	s9 =	sld [smem:$0x3F8C]  }
0x2f: {  	lr =	sadd.s32 s0, s3;
	s0 =	sld [smem:$0x3F83]  }
0x30: {  	s3 =	sld [smem:$0x3F86]  }
0x31: {  	[smem:$0x3F8F] =	sst s10  }
0x32: {  	s10 =	sld [smem:$0x3F8D];
	_ =	sdelay $0x3  }
0x33: {  	p0 =	seq.s32 s10, $0x1;
	s10 =	sld [smem:$0x3F8F];
	_ =	sdelay $0x3  }
0x34: {  	[smem:$0x3F8F] =	sst s10  }
0x35: {  	s10 =	sld [smem:$0x3F8E];
	_ =	sdelay $0x3  }
0x36: {  	p1 =	seq.s32 s10, $0x1;
	s10 =	sld [smem:$0x3F8F];
	_ =	sdelay $0x3  }
0x37: {  	[smem:$0x3F8F] =	sst s10  }
0x38: {  	s10 =	sld [smem:$0x3F90]  }
0x39: {  	_ = 	snop;
	(pc) =	sbr.ind lr, $3  }
0x3a: {  	_ = 	snop  }
0x3b: {  	_ = 	snop  }
0x3c: {  	p2 =	seq.s32 s10, $0x1;
	s10 =	sld [smem:$0x3F8F]  }
0x3d: {  	_ =	shalt  }
0x3e: {  	_ =	shalt  }
0x3f: {  	_ =	shalt  }
0x40: {  	_ =	shalt  }
0x41: {  	_ =	shalt  }
0x42: {  	_ =	shalt  }
0x43: {  	_ =	shalt  }
0x44: {  	_ =	shalt  }
0x45: {  	_ =	shalt  }
0x46: {  	_ =	shalt  }
0x47: {  	_ =	shalt  }
0x48: {  	_ =	shalt  }
0x49: {  	_ =	shalt  }
0x4a: {  	_ =	shalt  }
0x4b: {  	_ =	shalt  }
0x4c: {  	_ =	shalt  }
0x4d: {  	_ =	shalt  }
0x4e: {  	_ =	shalt  }
0x4f: {  	_ =	shalt  }
0x50: {  	_ =	shalt  }
0x51: {  	_ =	shalt  }
0x52: {  	_ =	shalt  }
0x53: {  	_ =	shalt  }
0x54: {  	_ =	shalt  }
0x55: {  	_ =	shalt  }
0x56: {  	_ =	shalt  }
0x57: {  	_ =	shalt  }
0x58: {  	_ =	shalt  }
0x59: {  	_ =	shalt  }
0x5a: {  	_ =	shalt  }
0x5b: {  	_ =	shalt  }
0x5c: {  	_ =	shalt  }
0x5d: {  	_ =	shalt  }
0x5e: {  	_ =	shalt  }
0x5f: {  	_ =	shalt  }
0x60: {  	_ =	shalt  }
0x61: {  	_ =	shalt  }
0x62: {  	_ =	shalt  }
0x63: {  	_ =	shalt  }
0x64: {  	_ =	shalt  }
0x65: {  	_ =	shalt  }
0x66: {  	_ =	shalt  }
0x67: {  	_ =	shalt  }
0x68: {  	_ =	shalt  }
0x69: {  	_ =	shalt  }
0x6a: {  	_ =	shalt  }
0x6b: {  	_ =	shalt  }
0x6c: {  	_ =	shalt  }
0x6d: {  	_ =	shalt  }
0x6e: {  	_ =	shalt  }
0x6f: {  	_ =	shalt  }
0x70: {  	_ =	shalt  }
0x71: {  	_ =	shalt  }
0x72: {  	_ =	shalt  }
0x73: {  	_ =	shalt  }
0x74: {  	_ =	shalt  }
0x75: {  	_ =	shalt  }
0x76: {  	_ =	shalt  }
0x77: {  	_ =	shalt  }
0x78: {  	_ =	shalt  }
0x79: {  	_ =	shalt  }
0x7a: {  	_ =	shalt  }
0x7b: {  	_ =	shalt  }
0x7c: {  	_ =	shalt  }
0x7d: {  	_ =	shalt  }
0x7e: {  	_ =	shalt  }
0x7f: {  	_ =	shalt  }
0x80: {  	_ =	shalt  }
0x81: {  	_ =	shalt  }
0x82: {  	_ =	shalt  }
0x83: {  	_ =	shalt  }
0x84: {  	_ =	shalt  }
0x85: {  	_ =	shalt  }
0x86: {  	_ =	shalt  }
0x87: {  	_ =	shalt  }
.Lfunc_end0:
.L_simem_size_0:
called_computation_lowered:
.L_overlay_start_0:
0x88: {  	s2 =	sld [smem:$0x3FD9]  }
0x89: {  	s3 =	sld [smem:$0x3FFE];
	_ =	sdelay $0x1  }
0x8a: {  	s1 =	srdreg.scid  }
0x8b: {  	s0 =	sand.u32 $0x1, s1  }
0x8c: {  	s16 =	sshll.u32 s0, $0xA;
	s2 =	sadd.s32 s3, s2  }
0x8d: {  	s2 =	sadd.s32 s2, s16  }
0x8e: {  	[smem:$0x3F9B] =	sst s2  }
0x8f: {  	_ = 	snop  }
0x90: {  	(tm) =	ssettm $0x1  }
0x91: {  	s17 =	sld [smem:$0x3FFB];
	_ =	sdelay $0x3  }
0x92: {  	_ =	strace s17  }
0x93: {  	s2 =	sld [smem:$0x3FFC];
	_ =	sdelay $0x3  }
0x94: {  	_ =	strace s2  }
0x95: {  	s2 =	sld [smem:$0x3FFD];
	_ =	sdelay $0x3  }
0x96: {  	_ =	strace s2  }
0x97: {  	_ =	strace $0x8FFFFFFF  }
0x98: {  	s18 =	sld [smem:$0x3FDB];
	_ =	sdelay $0x1  }
0x99: {  	s19 =	simm.s32 $_scs_section_size  }
0x9a: {  	s4 =	simm.s32 $_size__tile_overlayer_lowered;
	s5 =	simm.s32 $_tile_overlayer_lowered  }
0x9b: {  	s22 =	simm.s32 $0x1BFF;
	s21 =	sshll.u32 s5, $0x1;
	s2 =	sadd.s32 s19, s18  }
0x9c: {  	s6 =	simm.s32 $0x0;
	s20 =	sshll.u32 s4, $0x1;
	s4 =	sadd.s32 s21, s2  }
0x9d: {  	[timem:s6], [sflag:s22] =	dma.local [hbm:s4], s20  }
0x9e: {  	_ =	swait.ge [sflag:s22], s20  }
0x9f: {  	s3 =	ssub.s32 $0x0, s20;
	[sflag:s22] =	ssyncset.done $0x0  }
0xa0: {  	[sflag:s22] =	ssyncadd.s32 s3;
	_ =	sdelay $0x1  }
0xa1: {  	s23 =	simm.s32 $0x1B8B  }
0xa2: {  	_ =	swait.ge [sflag:s23], $0x1  }
0xa3: {  	[sflag:s23] =	ssyncset.done $0x0  }
0xa4: {  	s25 =	simm.s32 $0x1B8E;
	s24 =	sld [smem:$0x3FFE];
	[sflag:s23] =	ssyncadd.s32 $0xFFFFFFFF  }
0xa5: {  	s26 =	simm.s32 $execute0_lowered;
	[smem:$0x3FD2] =	sst s25  }
0xa6: {  	s4 =	sshll.u32 s26, $0x1;
	_ =	strace $0x80000046;
	[dreg:$0x1] =	wrdreg $0xFFFFFFFF  }
0xa7: {  	s28 =	simm.s32 $_size_execute0_lowered;
	s2 =	sadd.s32 s2, s4;
	[dreg:$0x0] =	wrdreg $0x0  }
0xa8: {  	s4 =	sshll.u32 s28, $0x1;
	[dreg:$0x2] =	wrdreg s2  }
0xa9: {  	[dreg:$0x3] =	wrdreg s4  }
0xaa: {  	[dreg:$0x4] =	wrdreg $0xC0  }
0xab: {  	_ =	task [dreg:s6], $0x5FFFF  }
0xac: {  	[dreg:$0x1] =	wrdreg $0xFFFFFFFF  }
0xad: {  	[dreg:$0x0] =	wrdreg $0x60  }
0xae: {  	[dreg:$0x2] =	wrdreg s24  }
0xaf: {  	[dreg:$0x3] =	wrdreg $0xA8000  }
0xb0: {  	[dreg:$0x4] =	wrdreg $0x9  }
0xb1: {  	_ =	task.clear_ibuf [dreg:s6], $0x5FFFF;
	_ =	strace $0x90000046  }
0xb2: {  	s29 =	simm.s32 $0x9;
	_ =	strace $0x80000048  }
0xb3: {  	_ =	swait.ge [sflag:s29], $0x1  }
0xb4: {  	[sflag:s29] =	ssyncadd.s32 $0xFFFFFFFF  }
0xb5: {  	_ =	strace $0x90000048  }
0xb6: {  	_ =	sfence  }
0xb7: {  	s30 =	sld [smem:$0x0];
	_ =	sdelay $0x2  }
0xb8: {  	s31 =	sshll.u32 s1, $0xD;
	s1 =	sshrl.u32 s1, $0x2  }
0xb9: {  	s3 =	sand.u32 $0x4000, s31;
	s1 =	sadd.s32 s1, s30  }
0xba: {  	s0 =	sor.u32 s3, s0;
	s1 =	sshll.u32 s1, $0x11  }
0xbb: {  	s0 =	sor.u32 s1, s0  }
0xbc: {  	s0 =	sadd.s32 $0x8F2B, s0  }
0xbd: {  	[sflag:s0] =	ssyncadd.remote.s32 $0x1  }
0xbe: {  	_ =	sfence.sel $0xFFFF  }
0xbf: {  	[dreg:$0x0] =	wrdreg $0xFFFFFFFF;
	(pc) =	sbr.abs _section_cstart, $3  }
0xc0: {  	[dreg:$0x1] =	wrdreg $0xFFFFFFFF  }
0xc1: {  	_ =	task.clear_ibuf [dreg:s6], $0x2FFFF;
	_ =	strace $0x9FFFFFFF  }
0xc2: {  	(tm) =	ssettm $0x7FFFFFFF  }
0xc3: {  	_ =	shalt  }
tec
execute0_lowered:
.L_overlay_start_1:
0x0: {  	(tag) =	ssettag $0x1  }
0x1: {  	s7 =	rddreg [dreg:$0x0]  }
0x2: {  	s0 =	srdreg.scid;
	s2 =	rddreg [dreg:$0x1]  }
0x3: {  	s3 =	simm.s32 $0x0;
	s14 =	simm.s32 $0x80;
	s15 =	simm.s32 $0x2800  }
0x4: {  	s16 =	simm.s32 $0x6800;
	s17 =	simm.s32 $0x1;
	s18 =	simm.s32 $0x2  }
0x5: {  	s19 =	simm.s32 $0x2700;
	s6 =	sand.u32 $0x1, s0;
	s0 =	stileid.u32  }
0x6: {  	s20 =	simm.s32 $0x2780;
	s21 =	simm.s32 $0x0;
	s9 =	smul.u32 $0x2800, s0  }
0x7: {  	[smem:$0x7FF] =	sst s3;
	s5 =	sadd.s32 $0x11800, s7;
	s10 =	smul.u32 $0x28000, s6  }
0x8: {  	s1 =	sshll.u32 s6, $0x4;
	s6 =	ssub.s32 $0x2, s6;
	s11 =	smul.u32 $0x50000, s0  }
0x9: {  	s12 =	sshll.u32 s0, $0x6;
	s4 =	sor.u32 s0, s1;
	s1 =	rddreg [dreg:$0x2]  }
0xa: {  	_ =	strace $0x80000047;
	s31 =	sshrl.u32 s6, $0x1;
	s12 =	sor.u32 $0x1C03, s12  }
0xb: {  	s8 =	smul.u32 $0x280, s4;
	s4 =	sadd.s32 $0x39800, s7;
	s9 =	sadd.s32 s9, s10  }
0xc: {  	s10 =	ssub.s32 s6, s31;
	s11 =	sshrl.u32 s11, $0x2;
	s9 =	sadd.s32 s9, s7  }
0xd: {  	s13 =	sadd.s32 s11, s2;
	s11 =	simm.s32 $0x1400;
	s8 =	sadd.s32 s8, s7  }
0xe: {  	s13 =	sshrl.u32 s13, $0x3;
	s6 =	sadd.s32 $0xC800, s8;
	s7 =	sadd.s32 $0x7800, s8  }
0xf: {  	s8 =	sadd.s32 $0x3C000, s9;
	s9 =	smax.u32 s10, $0x1;
	s10 =	simm.s32 $0x3  }
.LBB2_1:
0x10: {  	[tilespmem:s3], [sflag:$0x3] =	stream.linear.gather [hbm4b:s6+s3], $0x1400, $0x38;
	[tilespmem:$0x1E800] =	vst v63  }
0x11: {  	_ =	swait.ge [sflag:s10], $0x1400  }
0x12: {  	[sflag:s10] =	ssyncset.done $0x0  }
0x13: {  	[sflag:s10] =	ssyncadd.s32 $0xFFFFEC00  }
0x14: {  	[tilespmem:s11], [sflag:$0x3] =	stream.linear.gather [hbm4b:s7+s3], $0x1400, $0x38;
	[tilespmem:$0x1E800] =	vst v63  }
0x15: {  	_ =	swait.ge [sflag:s10], $0x1400  }
0x16: {  	[sflag:s10] =	ssyncset.done $0x0  }
0x17: {  	[sflag:s10] =	ssyncadd.s32 $0xFFFFEC00  }
0x18: {  	[spmem:s13], [sflag:s12] =	dma.local [hbm:s4], $0x2800  }
0x19: {  	_ =	swait.ge [sflag:s10], $0x2800  }
0x1a: {  	[sflag:s10] =	ssyncset.done $0x0  }
0x1b: {  	[sflag:s10] =	ssyncadd.s32 $0xFFFFD800  }
0x1c: {  	[bflag:$0x0] =	sbarrier.arrive $0xFFFF  }
0x1d: {  	[tilespmem:s15], [sflag:$0x1] =	stream.indirect.gather [hbm4b:s5+s14], $0x80, s3, s14, $0xb8;
	[tilespmem:$0x1E800] =	vst v63  }
0x1e: {  	_ = 	snop  }
0x1f: {  	[tilespmem:s16], [sflag:$0x2] =	stream.indirect.gather [hbm4b:s5+s14], $0x80, s14, s14, $0xb8;
	[tilespmem:$0x1E800] =	vst v63  }
0x20: {  	_ =	swait.ge [sflag:s17], $0x4000  }
0x21: {  	[sflag:s17] =	ssyncset.done $0x0  }
0x22: {  	s22 =	simm.s32 $0x1400;
	[sflag:s17] =	ssyncadd.s32 $0xFFFFC000  }
0x23: {  	[spmem:s2] =	stream.indirect.scatter.add.f32 [tilespmem:s15], [sflag:$0x3], $0x80, s22, s14, $0xb8;
	[tilespmem:$0x1E800] =	vst v63  }
0x24: {  	_ =	swait.ge [sflag:s10], $0x4000  }
0x25: {  	[sflag:s10] =	ssyncset.done $0x0  }
0x26: {  	s30 =	simm.s32 $0x100;
	[sflag:s10] =	ssyncadd.s32 $0xFFFFC000  }
0x27: {  	[tilespmem:s15], [sflag:$0x1] =	stream.indirect.gather [hbm4b:s5+s14], $0x80, s30, s14, $0xb8;
	[tilespmem:$0x1E800] =	vst v63  }
0x28: {  	_ =	swait.ge [sflag:s18], $0x4000  }
0x29: {  	[sflag:s18] =	ssyncset.done $0x0  }
0x2a: {  	s31 =	simm.s32 $0x1480;
	[sflag:s18] =	ssyncadd.s32 $0xFFFFC000  }
0x2b: {  	[spmem:s2] =	stream.indirect.scatter.add.f32 [tilespmem:s16], [sflag:$0x3], $0x80, s31, s14, $0xb8;
	[tilespmem:$0x1E800] =	vst v63  }
0x2c: {  	_ =	swait.ge [sflag:s10], $0x4000  }
0x2d: {  	[sflag:s10] =	ssyncset.done $0x0  }
0x2e: {  	s23 =	simm.s32 $0x180;
	s22 =	simm.s32 $0x400;
	[sflag:s10] =	ssyncadd.s32 $0xFFFFC000  }
.LBB2_2:
0x2f: {  	[tilespmem:s16], [sflag:$0x2] =	stream.indirect.gather [hbm4b:s5+s14], $0x80, s23, s14, $0xb8;
	[tilespmem:$0x1E800] =	vst v63  }
0x30: {  	s23 =	smov.u32 s22  }
0x31: {  	p0 =	sne.s32 s22, $0x4800;
	s22 =	sadd.s32 $0x400, s22;
	_ =	swait.ge [sflag:s17], $0x4000  }
0x32: {  	s23 =	sshra.s32 s23, $0x2;
	[sflag:s17] =	ssyncset.done $0x0  }
0x33: {  	s24 =	sadd.s32 $0x1400, s23;
	[sflag:s17] =	ssyncadd.s32 $0xFFFFC000  }
0x34: {  	[spmem:s2] =	stream.indirect.scatter.add.f32 [tilespmem:s15], [sflag:$0x3], $0x80, s24, s14, $0xb8;
	[tilespmem:$0x1E800] =	vst v63  }
0x35: {  	_ =	swait.ge [sflag:s10], $0x4000  }
0x36: {  	[sflag:s10] =	ssyncset.done $0x0  }
0x37: {  	s24 =	sadd.s32 $0x100, s23;
	[sflag:s10] =	ssyncadd.s32 $0xFFFFC000  }
0x38: {  	[tilespmem:s15], [sflag:$0x1] =	stream.indirect.gather [hbm4b:s5+s14], $0x80, s24, s14, $0xb8;
	[tilespmem:$0x1E800] =	vst v63  }
0x39: {  	_ =	swait.ge [sflag:s18], $0x4000  }
0x3a: {  	[sflag:s18] =	ssyncset.done $0x0  }
.Ltmp0:
0x3b: {  	s24 =	sadd.s32 $0x1480, s23;
	[sflag:s18] =	ssyncadd.s32 $0xFFFFC000;
	(pc) =	sbr.rel @p0 .LBB2_2-.Ltmp0, $4  }
0x3c: {  	[spmem:s2] =	stream.indirect.scatter.add.f32 [tilespmem:s16], [sflag:$0x3], $0x80, s24, s14, $0xb8;
	[tilespmem:$0x1E800] =	vst v63  }
0x3d: {  	_ =	swait.ge [sflag:s10], $0x4000  }
0x3e: {  	[sflag:s10] =	ssyncset.done $0x0  }
0x3f: {  	s23 =	sadd.s32 $0x180, s23;
	[sflag:s10] =	ssyncadd.s32 $0xFFFFC000  }
0x40: {  	[tilespmem:s16], [sflag:$0x2] =	stream.indirect.gather [hbm4b:s5+s14], $0x80, s23, s14, $0xb8;
	[tilespmem:$0x1E800] =	vst v63  }
0x41: {  	_ =	swait.ge [sflag:s17], $0x4000  }
0x42: {  	[sflag:s17] =	ssyncset.done $0x0  }
0x43: {  	[sflag:s17] =	ssyncadd.s32 $0xFFFFC000  }
0x44: {  	[spmem:s2] =	stream.indirect.scatter.add.f32 [tilespmem:s15], [sflag:$0x3], $0x80, s19, s14, $0xb8;
	[tilespmem:$0x1E800] =	vst v63  }
0x45: {  	_ =	swait.ge [sflag:s10], $0x4000  }
0x46: {  	[sflag:s10] =	ssyncset.done $0x0  }
0x47: {  	[sflag:s10] =	ssyncadd.s32 $0xFFFFC000  }
0x48: {  	_ =	swait.ge [sflag:s18], $0x4000  }
0x49: {  	[sflag:s18] =	ssyncset.done $0x0  }
0x4a: {  	[sflag:s18] =	ssyncadd.s32 $0xFFFFC000  }
0x4b: {  	[spmem:s2] =	stream.indirect.scatter.add.f32 [tilespmem:s16], [sflag:$0x3], $0x80, s20, s14, $0xb8;
	[tilespmem:$0x1E800] =	vst v63  }
0x4c: {  	_ =	swait.ge [sflag:s10], $0x4000  }
0x4d: {  	s21 =	sadd.s32 $0x1, s21;
	[sflag:s10] =	ssyncset.done $0x0  }
0x4e: {  	p0 =	sne.s32 s21, s9;
	[sflag:s10] =	ssyncadd.s32 $0xFFFFC000  }
.Ltmp1:
0x4f: {  	[bflag:$0x0] =	sbarrier.arrive $0xFFFF;
	(pc) =	sbr.rel @p0 .LBB2_1-.Ltmp1, $4  }
0x50: {  	[hbm:s8], [sflag:s12] =	dma.local [spmem:s13], $0x2800  }
0x51: {  	_ =	swait.ge [sflag:s10], $0x2800  }
0x52: {  	[sflag:s10] =	ssyncset.done $0x0  }
0x53: {  	[sflag:s10] =	ssyncadd.s32 $0xFFFFD800  }
0x54: {  	_ =	sfence.sel $0x180000  }
0x55: {  	[bflag:$0x0] =	sbarrier.arrive $0xFFFF  }
0x56: {  	p0 =	sne.s32 s0, $0x0;
	_ =	strace $0x90000047  }
0x57: {  	s0 =	sadd.s32 @!p0 $0x100000, s1;
	[bflag:$0x2] =	sbarrier.arrive $0xFFFF  }
0x58: {  	[sflag:s0] =	ssyncadd.tile.s32 @!p0 $0x1;
	_ =	shalt  }
.Lfunc_end2:
_tile_overlayer_lowered:
.L_overlay_start_2:
0x59: {  	(tag) =	ssettag $0x2  }
0x5a: {  	s0 =	rddreg [dreg:$0x0];
	s2 =	stileid.u32  }
0x5b: {  	s1 =	rddreg [dreg:$0x1];
	p0 =	sne.s32 s2, $0x0  }
0x5c: {  	s3 =	rddreg [dreg:$0x2];
	[bflag:$0x3] =	sbarrier.arrive $0xFFFF;
	s2 =	simm.s32 @!p0 $0x1C03  }
0x5d: {  	[timem:s3], [sflag:s2] =	dma.local @!p0 [hbm:s0], s1  }
0x5e: {  	s0 =	simm.s32 @!p0 $0x3  }
0x5f: {  	_ =	swait.ge @!p0 [sflag:s0], s1  }
0x60: {  	s1 =	ssub.s32 @!p0 $0x0, s1;
	[sflag:s0] =	ssyncset.done @!p0 $0x0  }
0x61: {  	[sflag:s0] =	ssyncadd.s32 @!p0 s1  }
0x62: {  	[bflag:$0x3] =	sbarrier.arrive $0xFFFF  }
0x63: {  	_ =	shalt  }

// kernel: kernel.14.cloned.1.call-start
scs
__scs_entry_jumppad:
0x0: {  	(pc) =	sbr.rel $0x88, $3  }
0x1: {  	(tag) =	ssettag $0x0;
	lr =	simm.s32 $0x1  }
0x2: {  	[smem:$0x3F74] =	sst lr;
	_ =	strace $0xD0000000  }
0x3: {  	_ = 	snop  }
0x4: {  	_ = 	snop  }
0x5: {  	_ = 	snop  }
0x6: {  	_ = 	snop  }
0x7: {  	_ = 	snop  }
__scs_overlays_trampoline_lowered:
0x8: {  	[smem:$0x3F83] =	sst s0  }
0x9: {  	[smem:$0x3F84] =	sst s1  }
0xa: {  	[smem:$0x3F85] =	sst s2  }
0xb: {  	[smem:$0x3F86] =	sst s3  }
0xc: {  	[smem:$0x3F87] =	sst s4  }
0xd: {  	[smem:$0x3F88] =	sst s5  }
0xe: {  	[smem:$0x3F89] =	sst s6  }
0xf: {  	[smem:$0x3F8A] =	sst s7  }
0x10: {  	[smem:$0x3F8B] =	sst s8  }
0x11: {  	[smem:$0x3F8C] =	sst s9;
	s0 =	simm.s32 @!p0 $0x0  }
0x12: {  	s1 =	sld [smem:$0x3F72];
	s0 =	simm.s32 @p0 $0x1  }
0x13: {  	[smem:$0x3F8D] =	sst s0;
	s0 =	simm.s32 @!p1 $0x0  }
0x14: {  	s2 =	sld [smem:$0x3F71];
	s0 =	simm.s32 @p1 $0x1  }
0x15: {  	[smem:$0x3F8E] =	sst s0;
	s0 =	simm.s32 @!p2 $0x0  }
0x16: {  	s3 =	sld [smem:$0x3FDB];
	s0 =	simm.s32 @p2 $0x1  }
0x17: {  	s4 =	simm.s32 $0x1BF5;
	[smem:$0x3F90] =	sst s0  }
0x18: {  	s0 =	sld [smem:$0x3F73];
	_ =	swait.ge [sflag:s4], $0x0  }
0x19: {  	s7 =	sld [smem:$0x3F74]  }
0x1a: {  	s8 =	sadd.s32 $0xFFFFE003, lr  }
0x1b: {  	s9 =	sadd.s32 $0xFFFFFEF7, lr;
	s5 =	simm.s32 $0xFFFFFFFF;
	p2 =	slt.u32 s8, $0xFFFFF086  }
0x1c: {  	p1 =	slt.u32 s9, $0xF7A;
	s5 =	simm.s32 @!p2 $0x0  }
0x1d: {  	s5 =	simm.s32 @p1 $0x1;
	p0 =	seq.s32 s7, s2  }
0x1e: {  	s7 =	smul.u32 @!p0 $0xF7A, s2;
	p2 =	seq.s32 @!p0 s5, $0x0  }
0x1f: {  	s9 =	smul.u32 $0xF7A, s1;
	s8 =	simm.s32 @!p0 $0x1BF5;
	p2 =	por !p2, p0  }
0x20: {  	[sflag:s8] =	ssyncset.s32 @!p0 $0xFFFFF086;
	s6 =	sadd.s32 @!p0 s3, s7;
	s7 =	simm.s32 @!p0 $0x108  }
0x21: {  	s3 =	sadd.s32 s3, s9;
	s6 =	sadd.s32 @!p0 $0x88, s6;
	s7 =	simm.s32 @p2 $0x1082  }
0x22: {  	[simem:s7], [sflag:s8] =	dma.local @!p0 [hbm:s6], $0xF7A  }
0x23: {  	s9 =	sor.u32 $0xD0000000, s2;
	s6 =	simm.s32 $0x108;
	_ =	swait.ge @!p0 [sflag:s8], $0x0  }
0x24: {  	s3 =	sadd.s32 $0x88, s3;
	s6 =	simm.s32 @!p1 $0x1082;
	[sflag:s4] =	ssyncset.s32 $0xFFFFF086  }
0x25: {  	[simem:s6], [sflag:s4] =	dma.local [hbm:s3], $0xF7A  }
0x26: {  	[smem:$0x3F74] =	sst s1;
	(tag) =	ssettag s2;
	_ =	strace s9  }
0x27: {  	s1 =	sld [smem:$0x3F84]  }
0x28: {  	s2 =	sld [smem:$0x3F85]  }
0x29: {  	s4 =	sld [smem:$0x3F87]  }
0x2a: {  	p0 =	seq.s32 s5, $0x0;
	s5 =	sld [smem:$0x3F88]  }
0x2b: {  	s6 =	sld [smem:$0x3F89]  }
0x2c: {  	s7 =	sld [smem:$0x3F8A]  }
0x2d: {  	s3 =	simm.s32 $0x108;
	s8 =	sld [smem:$0x3F8B]  }
0x2e: {  	s3 =	simm.s32 @!p0 $0x1082;
	s9 =	sld [smem:$0x3F8C]  }
0x2f: {  	lr =	sadd.s32 s0, s3;
	s0 =	sld [smem:$0x3F83]  }
0x30: {  	s3 =	sld [smem:$0x3F86]  }
0x31: {  	[smem:$0x3F8F] =	sst s10  }
0x32: {  	s10 =	sld [smem:$0x3F8D];
	_ =	sdelay $0x3  }
0x33: {  	p0 =	seq.s32 s10, $0x1;
	s10 =	sld [smem:$0x3F8F];
	_ =	sdelay $0x3  }
0x34: {  	[smem:$0x3F8F] =	sst s10  }
0x35: {  	s10 =	sld [smem:$0x3F8E];
	_ =	sdelay $0x3  }
0x36: {  	p1 =	seq.s32 s10, $0x1;
	s10 =	sld [smem:$0x3F8F];
	_ =	sdelay $0x3  }
0x37: {  	[smem:$0x3F8F] =	sst s10  }
0x38: {  	s10 =	sld [smem:$0x3F90]  }
0x39: {  	_ = 	snop;
	(pc) =	sbr.ind lr, $3  }
0x3a: {  	_ = 	snop  }
0x3b: {  	_ = 	snop  }
0x3c: {  	p2 =	seq.s32 s10, $0x1;
	s10 =	sld [smem:$0x3F8F]  }
0x3d: {  	_ =	shalt  }
0x3e: {  	_ =	shalt  }
0x3f: {  	_ =	shalt  }
0x40: {  	_ =	shalt  }
0x41: {  	_ =	shalt  }
0x42: {  	_ =	shalt  }
0x43: {  	_ =	shalt  }
0x44: {  	_ =	shalt  }
0x45: {  	_ =	shalt  }
0x46: {  	_ =	shalt  }
0x47: {  	_ =	shalt  }
0x48: {  	_ =	shalt  }
0x49: {  	_ =	shalt  }
0x4a: {  	_ =	shalt  }
0x4b: {  	_ =	shalt  }
0x4c: {  	_ =	shalt  }
0x4d: {  	_ =	shalt  }
0x4e: {  	_ =	shalt  }
0x4f: {  	_ =	shalt  }
0x50: {  	_ =	shalt  }
0x51: {  	_ =	shalt  }
0x52: {  	_ =	shalt  }
0x53: {  	_ =	shalt  }
0x54: {  	_ =	shalt  }
0x55: {  	_ =	shalt  }
0x56: {  	_ =	shalt  }
0x57: {  	_ =	shalt  }
0x58: {  	_ =	shalt  }
0x59: {  	_ =	shalt  }
0x5a: {  	_ =	shalt  }
0x5b: {  	_ =	shalt  }
0x5c: {  	_ =	shalt  }
0x5d: {  	_ =	shalt  }
0x5e: {  	_ =	shalt  }
0x5f: {  	_ =	shalt  }
0x60: {  	_ =	shalt  }
0x61: {  	_ =	shalt  }
0x62: {  	_ =	shalt  }
0x63: {  	_ =	shalt  }
0x64: {  	_ =	shalt  }
0x65: {  	_ =	shalt  }
0x66: {  	_ =	shalt  }
0x67: {  	_ =	shalt  }
0x68: {  	_ =	shalt  }
0x69: {  	_ =	shalt  }
0x6a: {  	_ =	shalt  }
0x6b: {  	_ =	shalt  }
0x6c: {  	_ =	shalt  }
0x6d: {  	_ =	shalt  }
0x6e: {  	_ =	shalt  }
0x6f: {  	_ =	shalt  }
0x70: {  	_ =	shalt  }
0x71: {  	_ =	shalt  }
0x72: {  	_ =	shalt  }
0x73: {  	_ =	shalt  }
0x74: {  	_ =	shalt  }
0x75: {  	_ =	shalt  }
0x76: {  	_ =	shalt  }
0x77: {  	_ =	shalt  }
0x78: {  	_ =	shalt  }
0x79: {  	_ =	shalt  }
0x7a: {  	_ =	shalt  }
0x7b: {  	_ =	shalt  }
0x7c: {  	_ =	shalt  }
0x7d: {  	_ =	shalt  }
0x7e: {  	_ =	shalt  }
0x7f: {  	_ =	shalt  }
0x80: {  	_ =	shalt  }
0x81: {  	_ =	shalt  }
0x82: {  	_ =	shalt  }
0x83: {  	_ =	shalt  }
0x84: {  	_ =	shalt  }
0x85: {  	_ =	shalt  }
0x86: {  	_ =	shalt  }
0x87: {  	_ =	shalt  }
.Lfunc_end0:
.L_simem_size_0:
called_computation.1_lowered:
.L_overlay_start_0:
0x88: {  	s2 =	sld [smem:$0x3FD9]  }
0x89: {  	s3 =	sld [smem:$0x3FFE];
	_ =	sdelay $0x1  }
0x8a: {  	s1 =	srdreg.scid  }
0x8b: {  	s0 =	sand.u32 $0x1, s1  }
0x8c: {  	s16 =	sshll.u32 s0, $0xA;
	s2 =	sadd.s32 s3, s2  }
0x8d: {  	s2 =	sadd.s32 s2, s16  }
0x8e: {  	[smem:$0x3F9B] =	sst s2  }
0x8f: {  	_ = 	snop  }
0x90: {  	(tm) =	ssettm $0x1  }
0x91: {  	s17 =	sld [smem:$0x3FFB];
	_ =	sdelay $0x3  }
0x92: {  	_ =	strace s17  }
0x93: {  	s2 =	sld [smem:$0x3FFC];
	_ =	sdelay $0x3  }
0x94: {  	_ =	strace s2  }
0x95: {  	s2 =	sld [smem:$0x3FFD];
	_ =	sdelay $0x3  }
0x96: {  	_ =	strace s2  }
0x97: {  	_ =	strace $0x8FFFFFFF  }
0x98: {  	s18 =	sld [smem:$0x3FDB];
	_ =	sdelay $0x1  }
0x99: {  	s19 =	simm.s32 $_scs_section_size  }
0x9a: {  	s4 =	simm.s32 $_size__tile_overlayer_lowered;
	s5 =	simm.s32 $_tile_overlayer_lowered  }
0x9b: {  	s22 =	simm.s32 $0x1BFF;
	s21 =	sshll.u32 s5, $0x1;
	s2 =	sadd.s32 s19, s18  }
0x9c: {  	s6 =	simm.s32 $0x0;
	s20 =	sshll.u32 s4, $0x1;
	s4 =	sadd.s32 s21, s2  }
0x9d: {  	[timem:s6], [sflag:s22] =	dma.local [hbm:s4], s20  }
0x9e: {  	_ =	swait.ge [sflag:s22], s20  }
0x9f: {  	s3 =	ssub.s32 $0x0, s20;
	[sflag:s22] =	ssyncset.done $0x0  }
0xa0: {  	[sflag:s22] =	ssyncadd.s32 s3;
	_ =	sdelay $0x1  }
0xa1: {  	s23 =	simm.s32 $0x1B8B  }
0xa2: {  	_ =	swait.ge [sflag:s23], $0x1  }
0xa3: {  	[sflag:s23] =	ssyncset.done $0x0  }
0xa4: {  	s25 =	simm.s32 $0x1B8E;
	s24 =	sld [smem:$0x3FFE];
	[sflag:s23] =	ssyncadd.s32 $0xFFFFFFFF  }
0xa5: {  	s26 =	simm.s32 $execute0_lowered;
	[smem:$0x3FD2] =	sst s25  }
0xa6: {  	s4 =	sshll.u32 s26, $0x1;
	_ =	strace $0x80000049;
	[dreg:$0x1] =	wrdreg $0xFFFFFFFF  }
0xa7: {  	s28 =	simm.s32 $_size_execute0_lowered;
	s2 =	sadd.s32 s2, s4;
	[dreg:$0x0] =	wrdreg $0x0  }
0xa8: {  	s4 =	sshll.u32 s28, $0x1;
	[dreg:$0x2] =	wrdreg s2  }
0xa9: {  	[dreg:$0x3] =	wrdreg s4  }
0xaa: {  	[dreg:$0x4] =	wrdreg $0xC0  }
0xab: {  	_ =	task [dreg:s6], $0x5FFFF  }
0xac: {  	[dreg:$0x1] =	wrdreg $0xFFFFFFFF  }
0xad: {  	[dreg:$0x0] =	wrdreg $0x60  }
0xae: {  	[dreg:$0x2] =	wrdreg s24  }
0xaf: {  	[dreg:$0x3] =	wrdreg $0xA8000  }
0xb0: {  	[dreg:$0x4] =	wrdreg $0x9  }
0xb1: {  	_ =	task.clear_ibuf [dreg:s6], $0x5FFFF;
	_ =	strace $0x90000049  }
0xb2: {  	s29 =	simm.s32 $0x9;
	_ =	strace $0x8000004B  }
0xb3: {  	_ =	swait.ge [sflag:s29], $0x1  }
0xb4: {  	[sflag:s29] =	ssyncadd.s32 $0xFFFFFFFF  }
0xb5: {  	_ =	strace $0x9000004B  }
0xb6: {  	_ =	sfence  }
0xb7: {  	s30 =	sld [smem:$0x0];
	_ =	sdelay $0x2  }
0xb8: {  	s31 =	sshll.u32 s1, $0xD;
	s1 =	sshrl.u32 s1, $0x2  }
0xb9: {  	s3 =	sand.u32 $0x4000, s31;
	s1 =	sadd.s32 s1, s30  }
0xba: {  	s0 =	sor.u32 s3, s0;
	s1 =	sshll.u32 s1, $0x11  }
0xbb: {  	s0 =	sor.u32 s1, s0  }
0xbc: {  	s0 =	sadd.s32 $0x8F2B, s0  }
0xbd: {  	[sflag:s0] =	ssyncadd.remote.s32 $0x1  }
0xbe: {  	_ =	sfence.sel $0xFFFF  }
0xbf: {  	[dreg:$0x0] =	wrdreg $0xFFFFFFFF;
	(pc) =	sbr.abs _section_cstart, $3  }
0xc0: {  	[dreg:$0x1] =	wrdreg $0xFFFFFFFF  }
0xc1: {  	_ =	task.clear_ibuf [dreg:s6], $0x2FFFF;
	_ =	strace $0x9FFFFFFF  }
0xc2: {  	(tm) =	ssettm $0x7FFFFFFF  }
0xc3: {  	_ =	shalt  }
tec
execute0_lowered:
.L_overlay_start_1:
0x0: {  	(tag) =	ssettag $0x1  }
0x1: {  	s7 =	rddreg [dreg:$0x0]  }
0x2: {  	s0 =	srdreg.scid;
	s2 =	rddreg [dreg:$0x1]  }
0x3: {  	s3 =	simm.s32 $0x0;
	s14 =	simm.s32 $0x80;
	s15 =	simm.s32 $0x2800  }
0x4: {  	s16 =	simm.s32 $0x6800;
	s17 =	simm.s32 $0x1;
	s18 =	simm.s32 $0x2  }
0x5: {  	s19 =	simm.s32 $0x2700;
	s6 =	sand.u32 $0x1, s0;
	s0 =	stileid.u32  }
0x6: {  	s20 =	simm.s32 $0x2780;
	s21 =	simm.s32 $0x0;
	s9 =	smul.u32 $0x2800, s0  }
0x7: {  	[smem:$0x7FF] =	sst s3;
	s5 =	sadd.s32 $0x11800, s7;
	s10 =	smul.u32 $0x28000, s6  }
0x8: {  	s1 =	sshll.u32 s6, $0x4;
	s6 =	ssub.s32 $0x2, s6;
	s11 =	smul.u32 $0x50000, s0  }
0x9: {  	s12 =	sshll.u32 s0, $0x6;
	s4 =	sor.u32 s0, s1;
	s1 =	rddreg [dreg:$0x2]  }
0xa: {  	_ =	strace $0x8000004A;
	s31 =	sshrl.u32 s6, $0x1;
	s12 =	sor.u32 $0x1C03, s12  }
0xb: {  	s8 =	smul.u32 $0x280, s4;
	s4 =	sadd.s32 $0x39800, s7;
	s9 =	sadd.s32 s9, s10  }
0xc: {  	s10 =	ssub.s32 s6, s31;
	s11 =	sshrl.u32 s11, $0x2;
	s9 =	sadd.s32 s9, s7  }
0xd: {  	s13 =	sadd.s32 s11, s2;
	s11 =	simm.s32 $0x1400;
	s8 =	sadd.s32 s8, s7  }
0xe: {  	s13 =	sshrl.u32 s13, $0x3;
	s6 =	sadd.s32 $0xC800, s8;
	s7 =	sadd.s32 $0x7800, s8  }
0xf: {  	s8 =	sadd.s32 $0x3C000, s9;
	s9 =	smax.u32 s10, $0x1;
	s10 =	simm.s32 $0x3  }
.LBB2_1:
0x10: {  	[tilespmem:s3], [sflag:$0x3] =	stream.linear.gather [hbm4b:s6+s3], $0x1400, $0x38;
	[tilespmem:$0x1E800] =	vst v63  }
0x11: {  	_ =	swait.ge [sflag:s10], $0x1400  }
0x12: {  	[sflag:s10] =	ssyncset.done $0x0  }
0x13: {  	[sflag:s10] =	ssyncadd.s32 $0xFFFFEC00  }
0x14: {  	[tilespmem:s11], [sflag:$0x3] =	stream.linear.gather [hbm4b:s7+s3], $0x1400, $0x38;
	[tilespmem:$0x1E800] =	vst v63  }
0x15: {  	_ =	swait.ge [sflag:s10], $0x1400  }
0x16: {  	[sflag:s10] =	ssyncset.done $0x0  }
0x17: {  	[sflag:s10] =	ssyncadd.s32 $0xFFFFEC00  }
0x18: {  	[spmem:s13], [sflag:s12] =	dma.local [hbm:s4], $0x2800  }
0x19: {  	_ =	swait.ge [sflag:s10], $0x2800  }
0x1a: {  	[sflag:s10] =	ssyncset.done $0x0  }
0x1b: {  	[sflag:s10] =	ssyncadd.s32 $0xFFFFD800  }
0x1c: {  	[bflag:$0x0] =	sbarrier.arrive $0xFFFF  }
0x1d: {  	[tilespmem:s15], [sflag:$0x1] =	stream.indirect.gather [hbm4b:s5+s14], $0x80, s3, s14, $0xb8;
	[tilespmem:$0x1E800] =	vst v63  }
0x1e: {  	_ = 	snop  }
0x1f: {  	[tilespmem:s16], [sflag:$0x2] =	stream.indirect.gather [hbm4b:s5+s14], $0x80, s14, s14, $0xb8;
	[tilespmem:$0x1E800] =	vst v63  }
0x20: {  	_ =	swait.ge [sflag:s17], $0x4000  }
0x21: {  	[sflag:s17] =	ssyncset.done $0x0  }
0x22: {  	s22 =	simm.s32 $0x1400;
	[sflag:s17] =	ssyncadd.s32 $0xFFFFC000  }
0x23: {  	[spmem:s2] =	stream.indirect.scatter.add.f32 [tilespmem:s15], [sflag:$0x3], $0x80, s22, s14, $0xb8;
	[tilespmem:$0x1E800] =	vst v63  }
0x24: {  	_ =	swait.ge [sflag:s10], $0x4000  }
0x25: {  	[sflag:s10] =	ssyncset.done $0x0  }
0x26: {  	s30 =	simm.s32 $0x100;
	[sflag:s10] =	ssyncadd.s32 $0xFFFFC000  }
0x27: {  	[tilespmem:s15], [sflag:$0x1] =	stream.indirect.gather [hbm4b:s5+s14], $0x80, s30, s14, $0xb8;
	[tilespmem:$0x1E800] =	vst v63  }
0x28: {  	_ =	swait.ge [sflag:s18], $0x4000  }
0x29: {  	[sflag:s18] =	ssyncset.done $0x0  }
0x2a: {  	s31 =	simm.s32 $0x1480;
	[sflag:s18] =	ssyncadd.s32 $0xFFFFC000  }
0x2b: {  	[spmem:s2] =	stream.indirect.scatter.add.f32 [tilespmem:s16], [sflag:$0x3], $0x80, s31, s14, $0xb8;
	[tilespmem:$0x1E800] =	vst v63  }
0x2c: {  	_ =	swait.ge [sflag:s10], $0x4000  }
0x2d: {  	[sflag:s10] =	ssyncset.done $0x0  }
0x2e: {  	s23 =	simm.s32 $0x180;
	s22 =	simm.s32 $0x400;
	[sflag:s10] =	ssyncadd.s32 $0xFFFFC000  }
.LBB2_2:
0x2f: {  	[tilespmem:s16], [sflag:$0x2] =	stream.indirect.gather [hbm4b:s5+s14], $0x80, s23, s14, $0xb8;
	[tilespmem:$0x1E800] =	vst v63  }
0x30: {  	s23 =	smov.u32 s22  }
0x31: {  	p0 =	sne.s32 s22, $0x4800;
	s22 =	sadd.s32 $0x400, s22;
	_ =	swait.ge [sflag:s17], $0x4000  }
0x32: {  	s23 =	sshra.s32 s23, $0x2;
	[sflag:s17] =	ssyncset.done $0x0  }
0x33: {  	s24 =	sadd.s32 $0x1400, s23;
	[sflag:s17] =	ssyncadd.s32 $0xFFFFC000  }
0x34: {  	[spmem:s2] =	stream.indirect.scatter.add.f32 [tilespmem:s15], [sflag:$0x3], $0x80, s24, s14, $0xb8;
	[tilespmem:$0x1E800] =	vst v63  }
0x35: {  	_ =	swait.ge [sflag:s10], $0x4000  }
0x36: {  	[sflag:s10] =	ssyncset.done $0x0  }
0x37: {  	s24 =	sadd.s32 $0x100, s23;
	[sflag:s10] =	ssyncadd.s32 $0xFFFFC000  }
0x38: {  	[tilespmem:s15], [sflag:$0x1] =	stream.indirect.gather [hbm4b:s5+s14], $0x80, s24, s14, $0xb8;
	[tilespmem:$0x1E800] =	vst v63  }
0x39: {  	_ =	swait.ge [sflag:s18], $0x4000  }
0x3a: {  	[sflag:s18] =	ssyncset.done $0x0  }
.Ltmp0:
0x3b: {  	s24 =	sadd.s32 $0x1480, s23;
	[sflag:s18] =	ssyncadd.s32 $0xFFFFC000;
	(pc) =	sbr.rel @p0 .LBB2_2-.Ltmp0, $4  }
0x3c: {  	[spmem:s2] =	stream.indirect.scatter.add.f32 [tilespmem:s16], [sflag:$0x3], $0x80, s24, s14, $0xb8;
	[tilespmem:$0x1E800] =	vst v63  }
0x3d: {  	_ =	swait.ge [sflag:s10], $0x4000  }
0x3e: {  	[sflag:s10] =	ssyncset.done $0x0  }
0x3f: {  	s23 =	sadd.s32 $0x180, s23;
	[sflag:s10] =	ssyncadd.s32 $0xFFFFC000  }
0x40: {  	[tilespmem:s16], [sflag:$0x2] =	stream.indirect.gather [hbm4b:s5+s14], $0x80, s23, s14, $0xb8;
	[tilespmem:$0x1E800] =	vst v63  }
0x41: {  	_ =	swait.ge [sflag:s17], $0x4000  }
0x42: {  	[sflag:s17] =	ssyncset.done $0x0  }
0x43: {  	[sflag:s17] =	ssyncadd.s32 $0xFFFFC000  }
0x44: {  	[spmem:s2] =	stream.indirect.scatter.add.f32 [tilespmem:s15], [sflag:$0x3], $0x80, s19, s14, $0xb8;
	[tilespmem:$0x1E800] =	vst v63  }
0x45: {  	_ =	swait.ge [sflag:s10], $0x4000  }
0x46: {  	[sflag:s10] =	ssyncset.done $0x0  }
0x47: {  	[sflag:s10] =	ssyncadd.s32 $0xFFFFC000  }
0x48: {  	_ =	swait.ge [sflag:s18], $0x4000  }
0x49: {  	[sflag:s18] =	ssyncset.done $0x0  }
0x4a: {  	[sflag:s18] =	ssyncadd.s32 $0xFFFFC000  }
0x4b: {  	[spmem:s2] =	stream.indirect.scatter.add.f32 [tilespmem:s16], [sflag:$0x3], $0x80, s20, s14, $0xb8;
	[tilespmem:$0x1E800] =	vst v63  }
0x4c: {  	_ =	swait.ge [sflag:s10], $0x4000  }
0x4d: {  	s21 =	sadd.s32 $0x1, s21;
	[sflag:s10] =	ssyncset.done $0x0  }
0x4e: {  	p0 =	sne.s32 s21, s9;
	[sflag:s10] =	ssyncadd.s32 $0xFFFFC000  }
.Ltmp1:
0x4f: {  	[bflag:$0x0] =	sbarrier.arrive $0xFFFF;
	(pc) =	sbr.rel @p0 .LBB2_1-.Ltmp1, $4  }
0x50: {  	[hbm:s8], [sflag:s12] =	dma.local [spmem:s13], $0x2800  }
0x51: {  	_ =	swait.ge [sflag:s10], $0x2800  }
0x52: {  	[sflag:s10] =	ssyncset.done $0x0  }
0x53: {  	[sflag:s10] =	ssyncadd.s32 $0xFFFFD800  }
0x54: {  	_ =	sfence.sel $0x180000  }
0x55: {  	[bflag:$0x0] =	sbarrier.arrive $0xFFFF  }
0x56: {  	p0 =	sne.s32 s0, $0x0;
	_ =	strace $0x9000004A  }
0x57: {  	s0 =	sadd.s32 @!p0 $0x100000, s1;
	[bflag:$0x2] =	sbarrier.arrive $0xFFFF  }
0x58: {  	[sflag:s0] =	ssyncadd.tile.s32 @!p0 $0x1;
	_ =	shalt  }
.Lfunc_end2:
_tile_overlayer_lowered:
.L_overlay_start_2:
0x59: {  	(tag) =	ssettag $0x2  }
0x5a: {  	s0 =	rddreg [dreg:$0x0];
	s2 =	stileid.u32  }
0x5b: {  	s1 =	rddreg [dreg:$0x1];
	p0 =	sne.s32 s2, $0x0  }
0x5c: {  	s3 =	rddreg [dreg:$0x2];
	[bflag:$0x3] =	sbarrier.arrive $0xFFFF;
	s2 =	simm.s32 @!p0 $0x1C03  }
0x5d: {  	[timem:s3], [sflag:s2] =	dma.local @!p0 [hbm:s0], s1  }
0x5e: {  	s0 =	simm.s32 @!p0 $0x3  }
0x5f: {  	_ =	swait.ge @!p0 [sflag:s0], s1  }
0x60: {  	s1 =	ssub.s32 @!p0 $0x0, s1;
	[sflag:s0] =	ssyncset.done @!p0 $0x0  }
0x61: {  	[sflag:s0] =	ssyncadd.s32 @!p0 s1  }
0x62: {  	[bflag:$0x3] =	sbarrier.arrive $0xFFFF  }
0x63: {  	_ =	shalt  }

// kernel: kernel.17.cloned.1.call-start
scs
__scs_entry_jumppad:
0x0: {  	(pc) =	sbr.rel $0x88, $3  }
0x1: {  	(tag) =	ssettag $0x0;
	lr =	simm.s32 $0x1  }
0x2: {  	[smem:$0x3F74] =	sst lr;
	_ =	strace $0xD0000000  }
0x3: {  	_ = 	snop  }
0x4: {  	_ = 	snop  }
0x5: {  	_ = 	snop  }
0x6: {  	_ = 	snop  }
0x7: {  	_ = 	snop  }
__scs_overlays_trampoline_lowered:
0x8: {  	[smem:$0x3F83] =	sst s0  }
0x9: {  	[smem:$0x3F84] =	sst s1  }
0xa: {  	[smem:$0x3F85] =	sst s2  }
0xb: {  	[smem:$0x3F86] =	sst s3  }
0xc: {  	[smem:$0x3F87] =	sst s4  }
0xd: {  	[smem:$0x3F88] =	sst s5  }
0xe: {  	[smem:$0x3F89] =	sst s6  }
0xf: {  	[smem:$0x3F8A] =	sst s7  }
0x10: {  	[smem:$0x3F8B] =	sst s8  }
0x11: {  	[smem:$0x3F8C] =	sst s9;
	s0 =	simm.s32 @!p0 $0x0  }
0x12: {  	s1 =	sld [smem:$0x3F72];
	s0 =	simm.s32 @p0 $0x1  }
0x13: {  	[smem:$0x3F8D] =	sst s0;
	s0 =	simm.s32 @!p1 $0x0  }
0x14: {  	s2 =	sld [smem:$0x3F71];
	s0 =	simm.s32 @p1 $0x1  }
0x15: {  	[smem:$0x3F8E] =	sst s0;
	s0 =	simm.s32 @!p2 $0x0  }
0x16: {  	s3 =	sld [smem:$0x3FDB];
	s0 =	simm.s32 @p2 $0x1  }
0x17: {  	s4 =	simm.s32 $0x1BF5;
	[smem:$0x3F90] =	sst s0  }
0x18: {  	s0 =	sld [smem:$0x3F73];
	_ =	swait.ge [sflag:s4], $0x0  }
0x19: {  	s7 =	sld [smem:$0x3F74]  }
0x1a: {  	s8 =	sadd.s32 $0xFFFFE003, lr  }
0x1b: {  	s9 =	sadd.s32 $0xFFFFFEF7, lr;
	s5 =	simm.s32 $0xFFFFFFFF;
	p2 =	slt.u32 s8, $0xFFFFF086  }
0x1c: {  	p1 =	slt.u32 s9, $0xF7A;
	s5 =	simm.s32 @!p2 $0x0  }
0x1d: {  	s5 =	simm.s32 @p1 $0x1;
	p0 =	seq.s32 s7, s2  }
0x1e: {  	s7 =	smul.u32 @!p0 $0xF7A, s2;
	p2 =	seq.s32 @!p0 s5, $0x0  }
0x1f: {  	s9 =	smul.u32 $0xF7A, s1;
	s8 =	simm.s32 @!p0 $0x1BF5;
	p2 =	por !p2, p0  }
0x20: {  	[sflag:s8] =	ssyncset.s32 @!p0 $0xFFFFF086;
	s6 =	sadd.s32 @!p0 s3, s7;
	s7 =	simm.s32 @!p0 $0x108  }
0x21: {  	s3 =	sadd.s32 s3, s9;
	s6 =	sadd.s32 @!p0 $0x88, s6;
	s7 =	simm.s32 @p2 $0x1082  }
0x22: {  	[simem:s7], [sflag:s8] =	dma.local @!p0 [hbm:s6], $0xF7A  }
0x23: {  	s9 =	sor.u32 $0xD0000000, s2;
	s6 =	simm.s32 $0x108;
	_ =	swait.ge @!p0 [sflag:s8], $0x0  }
0x24: {  	s3 =	sadd.s32 $0x88, s3;
	s6 =	simm.s32 @!p1 $0x1082;
	[sflag:s4] =	ssyncset.s32 $0xFFFFF086  }
0x25: {  	[simem:s6], [sflag:s4] =	dma.local [hbm:s3], $0xF7A  }
0x26: {  	[smem:$0x3F74] =	sst s1;
	(tag) =	ssettag s2;
	_ =	strace s9  }
0x27: {  	s1 =	sld [smem:$0x3F84]  }
0x28: {  	s2 =	sld [smem:$0x3F85]  }
0x29: {  	s4 =	sld [smem:$0x3F87]  }
0x2a: {  	p0 =	seq.s32 s5, $0x0;
	s5 =	sld [smem:$0x3F88]  }
0x2b: {  	s6 =	sld [smem:$0x3F89]  }
0x2c: {  	s7 =	sld [smem:$0x3F8A]  }
0x2d: {  	s3 =	simm.s32 $0x108;
	s8 =	sld [smem:$0x3F8B]  }
0x2e: {  	s3 =	simm.s32 @!p0 $0x1082;
	s9 =	sld [smem:$0x3F8C]  }
0x2f: {  	lr =	sadd.s32 s0, s3;
	s0 =	sld [smem:$0x3F83]  }
0x30: {  	s3 =	sld [smem:$0x3F86]  }
0x31: {  	[smem:$0x3F8F] =	sst s10  }
0x32: {  	s10 =	sld [smem:$0x3F8D];
	_ =	sdelay $0x3  }
0x33: {  	p0 =	seq.s32 s10, $0x1;
	s10 =	sld [smem:$0x3F8F];
	_ =	sdelay $0x3  }
0x34: {  	[smem:$0x3F8F] =	sst s10  }
0x35: {  	s10 =	sld [smem:$0x3F8E];
	_ =	sdelay $0x3  }
0x36: {  	p1 =	seq.s32 s10, $0x1;
	s10 =	sld [smem:$0x3F8F];
	_ =	sdelay $0x3  }
0x37: {  	[smem:$0x3F8F] =	sst s10  }
0x38: {  	s10 =	sld [smem:$0x3F90]  }
0x39: {  	_ = 	snop;
	(pc) =	sbr.ind lr, $3  }
0x3a: {  	_ = 	snop  }
0x3b: {  	_ = 	snop  }
0x3c: {  	p2 =	seq.s32 s10, $0x1;
	s10 =	sld [smem:$0x3F8F]  }
0x3d: {  	_ =	shalt  }
0x3e: {  	_ =	shalt  }
0x3f: {  	_ =	shalt  }
0x40: {  	_ =	shalt  }
0x41: {  	_ =	shalt  }
0x42: {  	_ =	shalt  }
0x43: {  	_ =	shalt  }
0x44: {  	_ =	shalt  }
0x45: {  	_ =	shalt  }
0x46: {  	_ =	shalt  }
0x47: {  	_ =	shalt  }
0x48: {  	_ =	shalt  }
0x49: {  	_ =	shalt  }
0x4a: {  	_ =	shalt  }
0x4b: {  	_ =	shalt  }
0x4c: {  	_ =	shalt  }
0x4d: {  	_ =	shalt  }
0x4e: {  	_ =	shalt  }
0x4f: {  	_ =	shalt  }
0x50: {  	_ =	shalt  }
0x51: {  	_ =	shalt  }
0x52: {  	_ =	shalt  }
0x53: {  	_ =	shalt  }
0x54: {  	_ =	shalt  }
0x55: {  	_ =	shalt  }
0x56: {  	_ =	shalt  }
0x57: {  	_ =	shalt  }
0x58: {  	_ =	shalt  }
0x59: {  	_ =	shalt  }
0x5a: {  	_ =	shalt  }
0x5b: {  	_ =	shalt  }
0x5c: {  	_ =	shalt  }
0x5d: {  	_ =	shalt  }
0x5e: {  	_ =	shalt  }
0x5f: {  	_ =	shalt  }
0x60: {  	_ =	shalt  }
0x61: {  	_ =	shalt  }
0x62: {  	_ =	shalt  }
0x63: {  	_ =	shalt  }
0x64: {  	_ =	shalt  }
0x65: {  	_ =	shalt  }
0x66: {  	_ =	shalt  }
0x67: {  	_ =	shalt  }
0x68: {  	_ =	shalt  }
0x69: {  	_ =	shalt  }
0x6a: {  	_ =	shalt  }
0x6b: {  	_ =	shalt  }
0x6c: {  	_ =	shalt  }
0x6d: {  	_ =	shalt  }
0x6e: {  	_ =	shalt  }
0x6f: {  	_ =	shalt  }
0x70: {  	_ =	shalt  }
0x71: {  	_ =	shalt  }
0x72: {  	_ =	shalt  }
0x73: {  	_ =	shalt  }
0x74: {  	_ =	shalt  }
0x75: {  	_ =	shalt  }
0x76: {  	_ =	shalt  }
0x77: {  	_ =	shalt  }
0x78: {  	_ =	shalt  }
0x79: {  	_ =	shalt  }
0x7a: {  	_ =	shalt  }
0x7b: {  	_ =	shalt  }
0x7c: {  	_ =	shalt  }
0x7d: {  	_ =	shalt  }
0x7e: {  	_ =	shalt  }
0x7f: {  	_ =	shalt  }
0x80: {  	_ =	shalt  }
0x81: {  	_ =	shalt  }
0x82: {  	_ =	shalt  }
0x83: {  	_ =	shalt  }
0x84: {  	_ =	shalt  }
0x85: {  	_ =	shalt  }
0x86: {  	_ =	shalt  }
0x87: {  	_ =	shalt  }
.Lfunc_end0:
.L_simem_size_0:
called_computation.2_lowered:
.L_overlay_start_0:
0x88: {  	s2 =	sld [smem:$0x3FD9]  }
0x89: {  	s3 =	sld [smem:$0x3FFE];
	_ =	sdelay $0x1  }
0x8a: {  	s1 =	srdreg.scid  }
0x8b: {  	s0 =	sand.u32 $0x1, s1  }
0x8c: {  	s16 =	sshll.u32 s0, $0xA;
	s2 =	sadd.s32 s3, s2  }
0x8d: {  	s2 =	sadd.s32 s2, s16  }
0x8e: {  	[smem:$0x3F9B] =	sst s2  }
0x8f: {  	_ = 	snop  }
0x90: {  	(tm) =	ssettm $0x1  }
0x91: {  	s17 =	sld [smem:$0x3FFB];
	_ =	sdelay $0x3  }
0x92: {  	_ =	strace s17  }
0x93: {  	s2 =	sld [smem:$0x3FFC];
	_ =	sdelay $0x3  }
0x94: {  	_ =	strace s2  }
0x95: {  	s2 =	sld [smem:$0x3FFD];
	_ =	sdelay $0x3  }
0x96: {  	_ =	strace s2  }
0x97: {  	_ =	strace $0x8FFFFFFF  }
0x98: {  	s18 =	sld [smem:$0x3FDB];
	_ =	sdelay $0x1  }
0x99: {  	s19 =	simm.s32 $_scs_section_size  }
0x9a: {  	s4 =	simm.s32 $_size__tile_overlayer_lowered;
	s5 =	simm.s32 $_tile_overlayer_lowered  }
0x9b: {  	s22 =	simm.s32 $0x1BFF;
	s21 =	sshll.u32 s5, $0x1;
	s2 =	sadd.s32 s19, s18  }
0x9c: {  	s6 =	simm.s32 $0x0;
	s20 =	sshll.u32 s4, $0x1;
	s4 =	sadd.s32 s21, s2  }
0x9d: {  	[timem:s6], [sflag:s22] =	dma.local [hbm:s4], s20  }
0x9e: {  	_ =	swait.ge [sflag:s22], s20  }
0x9f: {  	s3 =	ssub.s32 $0x0, s20;
	[sflag:s22] =	ssyncset.done $0x0  }
0xa0: {  	[sflag:s22] =	ssyncadd.s32 s3;
	_ =	sdelay $0x1  }
0xa1: {  	s23 =	simm.s32 $0x1B8B  }
0xa2: {  	_ =	swait.ge [sflag:s23], $0x1  }
0xa3: {  	[sflag:s23] =	ssyncset.done $0x0  }
0xa4: {  	s25 =	simm.s32 $0x1B8E;
	s24 =	sld [smem:$0x3FFE];
	[sflag:s23] =	ssyncadd.s32 $0xFFFFFFFF  }
0xa5: {  	s26 =	simm.s32 $execute0_lowered;
	[smem:$0x3FD2] =	sst s25  }
0xa6: {  	s4 =	sshll.u32 s26, $0x1;
	_ =	strace $0x8000004C;
	[dreg:$0x1] =	wrdreg $0xFFFFFFFF  }
0xa7: {  	s28 =	simm.s32 $_size_execute0_lowered;
	s2 =	sadd.s32 s2, s4;
	[dreg:$0x0] =	wrdreg $0x0  }
0xa8: {  	s4 =	sshll.u32 s28, $0x1;
	[dreg:$0x2] =	wrdreg s2  }
0xa9: {  	[dreg:$0x3] =	wrdreg s4  }
0xaa: {  	[dreg:$0x4] =	wrdreg $0xC0  }
0xab: {  	_ =	task [dreg:s6], $0x5FFFF  }
0xac: {  	[dreg:$0x1] =	wrdreg $0xFFFFFFFF  }
0xad: {  	[dreg:$0x0] =	wrdreg $0x60  }
0xae: {  	[dreg:$0x2] =	wrdreg s24  }
0xaf: {  	[dreg:$0x3] =	wrdreg $0x9  }
0xb0: {  	_ =	task.clear_ibuf [dreg:s6], $0x4FFFF;
	_ =	strace $0x9000004C  }
0xb1: {  	s29 =	simm.s32 $0x9;
	_ =	strace $0x8000004E  }
0xb2: {  	_ =	swait.ge [sflag:s29], $0x1  }
0xb3: {  	[sflag:s29] =	ssyncadd.s32 $0xFFFFFFFF  }
0xb4: {  	_ =	strace $0x9000004E  }
0xb5: {  	_ =	sfence  }
0xb6: {  	s30 =	sld [smem:$0x0];
	_ =	sdelay $0x2  }
0xb7: {  	s31 =	sshll.u32 s1, $0xD;
	s1 =	sshrl.u32 s1, $0x2  }
0xb8: {  	s3 =	sand.u32 $0x4000, s31;
	s1 =	sadd.s32 s1, s30  }
0xb9: {  	s0 =	sor.u32 s3, s0;
	s1 =	sshll.u32 s1, $0x11  }
0xba: {  	s0 =	sor.u32 s1, s0  }
0xbb: {  	s0 =	sadd.s32 $0x8F2B, s0  }
0xbc: {  	[sflag:s0] =	ssyncadd.remote.s32 $0x1  }
0xbd: {  	_ =	sfence.sel $0xFFFF  }
0xbe: {  	[dreg:$0x0] =	wrdreg $0xFFFFFFFF;
	(pc) =	sbr.abs _section_cstart, $3  }
0xbf: {  	[dreg:$0x1] =	wrdreg $0xFFFFFFFF  }
0xc0: {  	_ =	task.clear_ibuf [dreg:s6], $0x2FFFF;
	_ =	strace $0x9FFFFFFF  }
0xc1: {  	(tm) =	ssettm $0x7FFFFFFF  }
tec
execute0_lowered:
.L_overlay_start_1:
0x0: {  	(tag) =	ssettag $0x1  }
0x1: {  	s0 =	rddreg [dreg:$0x0]  }
0x2: {  	s1 =	srdreg.scid;
	s2 =	simm.s32 $0x0;
	s10 =	stileid.u32  }
0x3: {  	s11 =	simm.s32 $0x11;
	s13 =	simm.s32 $0x40;
	s14 =	simm.s32 $0x5000  }
0x4: {  	s16 =	simm.s32 $0x7000;
	s18 =	simm.s32 $0x9000;
	s20 =	simm.s32 $0xB000  }
0x5: {  	s28 =	simm.s32 $0x13000;
	s29 =	simm.s32 $0x1;
	s30 =	simm.s32 $0x2  }
0x6: {  	s31 =	simm.s32 $0x3;
	s15 =	simm.s32 $0x8;
	s8 =	smul.u32 $0xA0000, s10  }
0x7: {  	s1 =	sand.u32 $0x1, s1;
	[smem:$0x7FF] =	sst s2;
	s25 =	smul.u32 $0x14000, s10  }
0x8: {  	s9 =	sadd.s32 $0xA0000, s0;
	s3 =	sshll.u32 s1, $0x4;
	s6 =	smul.u32 $0xA00000, s1  }
0x9: {  	s5 =	ssub.s32 $0x2, s1;
	s1 =	smul.u32 $0x140000, s1;
	s3 =	sor.u32 s10, s3  }
0xa: {  	_ =	strace $0x8000004D;
	s7 =	sshrl.u32 s5, $0x1;
	s4 =	smul.u32 $0x500, s3  }
0xb: {  	s3 =	sadd.s32 $0x7800, s0;
	s5 =	ssub.s32 s5, s7;
	s6 =	sadd.s32 s8, s6  }
0xc: {  	s26 =	sadd.s32 s1, s9;
	s24 =	sshrl.u32 s6, $0x3;
	s5 =	smax.u32 s5, $0x1  }
0xd: {  	s4 =	sadd.s32 s4, s0;
	s0 =	sadd.s32 $0x320000, s0;
	[dreg:$0x4] =	wrdreg s5  }
.Ltmp0:
0xe: {  	s8 =	sadd.s32 s24, s9;
	s9 =	sadd.s32 s25, s26;
	(pc) =	sbr.rel .LBB2_1-.Ltmp0, $4  }
0xf: {  	s5 =	simm.s32 $0x0;
	s23 =	sadd.s32 $0x96000, s4;
	s4 =	sadd.s32 $0x8C000, s4  }
0x10: {  	s7 =	sadd.s32 s24, s0;
	s0 =	sadd.s32 s1, s0;
	[dreg:$0x2] =	wrdreg s23  }
0x11: {  	s1 =	simm.s32 $0x6;
	[dreg:$0x3] =	wrdreg s4;
	s10 =	sadd.s32 s25, s0  }
0x12: {  	s23 =	simm.s32 $0xF000;
	s0 =	simm.s32 $0x4;
	s4 =	simm.s32 $0x10  }
.LBB2_4:
0x13: {  	s6 =	simm.s32 $0x9  }
0x14: {  	_ =	swait.ge [sflag:s6], $0x2000  }
0x15: {  	[sflag:s6] =	ssyncset.done $0x0  }
0x16: {  	s17 =	simm.s32 $0xA;
	[sflag:s6] =	ssyncadd.s32 $0xFFFFE000  }
0x17: {  	_ =	swait.ge [sflag:s17], $0x2000  }
0x18: {  	[sflag:s17] =	ssyncset.done $0x0  }
0x19: {  	s19 =	simm.s32 $0xB;
	[sflag:s17] =	ssyncadd.s32 $0xFFFFE000  }
0x1a: {  	_ =	swait.ge [sflag:s19], $0x2000  }
0x1b: {  	[sflag:s19] =	ssyncset.done $0x0  }
0x1c: {  	s21 =	simm.s32 $0xC;
	[sflag:s19] =	ssyncadd.s32 $0xFFFFE000  }
0x1d: {  	_ =	swait.ge [sflag:s21], $0x2000  }
0x1e: {  	[sflag:s21] =	ssyncset.done $0x0  }
0x1f: {  	s22 =	simm.s32 $0xD;
	[sflag:s21] =	ssyncadd.s32 $0xFFFFE000  }
0x20: {  	_ =	swait.ge [sflag:s22], $0x2000  }
0x21: {  	[sflag:s22] =	ssyncset.done $0x0  }
0x22: {  	s24 =	simm.s32 $0xE;
	[sflag:s22] =	ssyncadd.s32 $0xFFFFE000  }
0x23: {  	_ =	swait.ge [sflag:s24], $0x2000  }
0x24: {  	[sflag:s24] =	ssyncset.done $0x0  }
0x25: {  	s25 =	simm.s32 $0xF;
	[sflag:s24] =	ssyncadd.s32 $0xFFFFE000  }
0x26: {  	_ =	swait.ge [sflag:s25], $0x2000  }
0x27: {  	[sflag:s25] =	ssyncset.done $0x0  }
0x28: {  	[sflag:s25] =	ssyncadd.s32 $0xFFFFE000  }
0x29: {  	_ =	swait.ge [sflag:s4], $0x2000  }
0x2a: {  	s5 =	sadd.s32 $0x1, s5;
	s26 =	rddreg [dreg:$0x4]  }
0x2b: {  	p0 =	sne.s32 s5, s26  }
.Ltmp1:
0x2c: {  	_ = 	snop;
	(pc) =	sbr.rel @!p0 .LBB2_5-.Ltmp1, $3  }
0x2d: {  	_ =	sdelay $0x1  }
0x2e: {  	[sflag:s4] =	ssyncset.done $0x0  }
0x2f: {  	[sflag:s4] =	ssyncadd.s32 $0xFFFFE000  }
.LBB2_1:
0x30: {  	s6 =	rddreg [dreg:$0x2]  }
0x31: {  	[tilespmem:s2], [sflag:$0x11] =	stream.linear.gather [hbm4b:s6+s2], $0x2800, $0x38;
	[tilespmem:$0x15000] =	vst v63  }
0x32: {  	_ =	swait.ge [sflag:s11], $0x2800  }
0x33: {  	[sflag:s11] =	ssyncset.done $0x0  }
0x34: {  	s12 =	simm.s32 $0x2800;
	s25 =	rddreg [dreg:$0x3];
	[sflag:s11] =	ssyncadd.s32 $0xFFFFD800  }
0x35: {  	[tilespmem:s12], [sflag:$0x11] =	stream.linear.gather [hbm4b:s25+s2], $0x2800, $0x38;
	[tilespmem:$0x15000] =	vst v63  }
0x36: {  	_ =	swait.ge [sflag:s11], $0x2800  }
0x37: {  	[sflag:s11] =	ssyncset.done $0x0  }
0x38: {  	[sflag:s11] =	ssyncadd.s32 $0xFFFFD800  }
0x39: {  	[tilespmem:s14], [sflag:$0x1] =	stream.indirect.gather [hbm4b:s3+s13], $0x80, s2, s13, $0xb8;
	[tilespmem:$0x15000] =	vst v63  }
0x3a: {  	s26 =	simm.s32 $0x80  }
0x3b: {  	[tilespmem:s16], [sflag:$0x2] =	stream.indirect.gather [hbm4b:s3+s13], $0x80, s26, s13, $0xb8;
	[tilespmem:$0x15000] =	vst v63  }
0x3c: {  	s17 =	simm.s32 $0x100  }
0x3d: {  	[tilespmem:s18], [sflag:$0x3] =	stream.indirect.gather [hbm4b:s3+s13], $0x80, s17, s13, $0xb8;
	[tilespmem:$0x15000] =	vst v63  }
0x3e: {  	s19 =	simm.s32 $0x180  }
0x3f: {  	[tilespmem:s20], [sflag:$0x4] =	stream.indirect.gather [hbm4b:s3+s13], $0x80, s19, s13, $0xb8;
	[tilespmem:$0x15000] =	vst v63  }
0x40: {  	s21 =	simm.s32 $0xD000  }
0x41: {  	[tilespmem:s21], [sflag:$0x5] =	stream.indirect.gather [hbm4b:s3+s13], $0x80, s12, s13, $0xb8;
	[tilespmem:$0x15000] =	vst v63  }
0x42: {  	s22 =	simm.s32 $0x2880  }
0x43: {  	[tilespmem:s23], [sflag:$0x6] =	stream.indirect.gather [hbm4b:s3+s13], $0x80, s22, s13, $0xb8;
	[tilespmem:$0x15000] =	vst v63  }
0x44: {  	s24 =	simm.s32 $0x2900;
	s25 =	simm.s32 $0x11000  }
0x45: {  	[tilespmem:s25], [sflag:$0x7] =	stream.indirect.gather [hbm4b:s3+s13], $0x80, s24, s13, $0xb8;
	[tilespmem:$0x15000] =	vst v63  }
0x46: {  	s6 =	simm.s32 $0x0;
	s26 =	simm.s32 $0x2980;
	s12 =	simm.s32 $0x0  }
0x47: {  	[tilespmem:s28], [sflag:$0x8] =	stream.indirect.gather [hbm4b:s3+s13], $0x80, s26, s13, $0xb8;
	[tilespmem:$0x15000] =	vst v63  }
.LBB2_2:
0x48: {  	_ =	swait.ge [sflag:s29], $0x2000  }
0x49: {  	[sflag:s29] =	ssyncset.done $0x0  }
0x4a: {  	s17 =	sadd.s32 s12, s8;
	p0 =	seq.s32 s12, $0x13000;
	[sflag:s29] =	ssyncadd.s32 $0xFFFFE000  }
0x4b: {  	[hbm4b:s17+s2] =	stream.linear.scatter [tilespmem:s14], [sflag:$0x9], $0x2000, $0x38;
	[tilespmem:$0x15000] =	vst v63  }
0x4c: {  	s17 =	simm.s32 @!p0 $0x9  }
0x4d: {  	_ =	swait.ge @!p0 [sflag:s17], $0x2000  }
0x4e: {  	[sflag:s17] =	ssyncset.done @!p0 $0x0  }
0x4f: {  	[sflag:s17] =	ssyncadd.s32 @!p0 $0xFFFFE000;
	s17 =	sshra.s32 @!p0 s6, $0x2  }
0x50: {  	s19 =	simm.s32 @!p0 $0x40;
	s22 =	simm.s32 @!p0 $0x5000;
	s21 =	sadd.s32 @!p0 $0x200, s17  }
0x51: {  	[tilespmem:s22], [sflag:$0x1] =	stream.indirect.gather @!p0 [hbm4b:s3+s19], $0x80, s21, s19, $0xb8;
	[tilespmem:$0x15000] =	vst v63  }
0x52: {  	_ =	swait.ge [sflag:s30], $0x2000  }
0x53: {  	s26 =	sadd.s32 s12, s9;
	[sflag:s30] =	ssyncset.done $0x0  }
0x54: {  	s24 =	sadd.s32 $0x400, s26;
	s22 =	simm.s32 @!p0 $0xA;
	[sflag:s30] =	ssyncadd.s32 $0xFFFFE000  }
0x55: {  	[hbm4b:s24+s2] =	stream.linear.scatter [tilespmem:s16], [sflag:$0xA], $0x2000, $0x38;
	[tilespmem:$0x15000] =	vst v63  }
0x56: {  	_ =	swait.ge @!p0 [sflag:s22], $0x2000  }
0x57: {  	[sflag:s22] =	ssyncset.done @!p0 $0x0  }
0x58: {  	s24 =	simm.s32 @!p0 $0x7000;
	[sflag:s22] =	ssyncadd.s32 @!p0 $0xFFFFE000;
	s22 =	sadd.s32 @!p0 $0x280, s17  }
0x59: {  	[tilespmem:s24], [sflag:$0x2] =	stream.indirect.gather @!p0 [hbm4b:s3+s19], $0x80, s22, s19, $0xb8;
	[tilespmem:$0x15000] =	vst v63  }
0x5a: {  	_ =	swait.ge [sflag:s31], $0x2000  }
0x5b: {  	[sflag:s31] =	ssyncset.done $0x0  }
0x5c: {  	s25 =	sadd.s32 $0x800, s26;
	s22 =	simm.s32 @!p0 $0xB;
	[sflag:s31] =	ssyncadd.s32 $0xFFFFE000  }
0x5d: {  	[hbm4b:s25+s2] =	stream.linear.scatter [tilespmem:s18], [sflag:$0xB], $0x2000, $0x38;
	[tilespmem:$0x15000] =	vst v63  }
0x5e: {  	_ =	swait.ge @!p0 [sflag:s22], $0x2000  }
0x5f: {  	[sflag:s22] =	ssyncset.done @!p0 $0x0  }
0x60: {  	s24 =	simm.s32 @!p0 $0x9000;
	[sflag:s22] =	ssyncadd.s32 @!p0 $0xFFFFE000;
	s22 =	sadd.s32 @!p0 $0x300, s17  }
0x61: {  	[tilespmem:s24], [sflag:$0x3] =	stream.indirect.gather @!p0 [hbm4b:s3+s19], $0x80, s22, s19, $0xb8;
	[tilespmem:$0x15000] =	vst v63  }
0x62: {  	_ =	swait.ge [sflag:s0], $0x2000  }
0x63: {  	[sflag:s0] =	ssyncset.done $0x0  }
0x64: {  	s21 =	sadd.s32 $0xC00, s26;
	[sflag:s0] =	ssyncadd.s32 $0xFFFFE000  }
0x65: {  	[hbm4b:s21+s2] =	stream.linear.scatter [tilespmem:s20], [sflag:$0xC], $0x2000, $0x38;
	[tilespmem:$0x15000] =	vst v63  }
0x66: {  	s21 =	simm.s32 @p0 $0x5  }
0x67: {  	_ =	swait.ge @p0 [sflag:s21], $0x2000  }
0x68: {  	s22 =	simm.s32 @p0 $0x0;
	[sflag:s21] =	ssyncset.done @p0 $0x0  }
0x69: {  	s24 =	simm.s32 @p0 $0xD000;
	[sflag:s21] =	ssyncadd.s32 @p0 $0xFFFFE000;
	s21 =	sadd.s32 @p0 s12, s7  }
0x6a: {  	[hbm4b:s21+s22] =	stream.linear.scatter @p0 [tilespmem:s24], [sflag:$0xD], $0x2000, $0x38;
	[tilespmem:$0x15000] =	vst v63  }
0x6b: {  	s21 =	simm.s32 @!p0 $0xC  }
0x6c: {  	_ =	swait.ge @!p0 [sflag:s21], $0x2000  }
0x6d: {  	[sflag:s21] =	ssyncset.done @!p0 $0x0  }
0x6e: {  	s24 =	simm.s32 @!p0 $0xB000;
	[sflag:s21] =	ssyncadd.s32 @!p0 $0xFFFFE000;
	s21 =	sadd.s32 @!p0 $0x380, s17  }
0x6f: {  	[tilespmem:s24], [sflag:$0x4] =	stream.indirect.gather @!p0 [hbm4b:s3+s19], $0x80, s21, s19, $0xb8;
	[tilespmem:$0x15000] =	vst v63  }
0x70: {  	s21 =	simm.s32 @!p0 $0x5  }
0x71: {  	_ =	swait.ge @!p0 [sflag:s21], $0x2000  }
0x72: {  	s25 =	simm.s32 @!p0 $0xD000;
	[sflag:s21] =	ssyncset.done @!p0 $0x0  }
0x73: {  	s24 =	simm.s32 @!p0 $0x0;
	[sflag:s21] =	ssyncadd.s32 @!p0 $0xFFFFE000;
	s21 =	sadd.s32 @!p0 s12, s7  }
0x74: {  	[hbm4b:s21+s24] =	stream.linear.scatter @!p0 [tilespmem:s25], [sflag:$0xD], $0x2000, $0x38;
	[tilespmem:$0x15000] =	vst v63  }
0x75: {  	s21 =	simm.s32 @!p0 $0xD  }
0x76: {  	_ =	swait.ge @!p0 [sflag:s21], $0x2000  }
0x77: {  	[sflag:s21] =	ssyncset.done @!p0 $0x0  }
0x78: {  	[sflag:s21] =	ssyncadd.s32 @!p0 $0xFFFFE000;
	s21 =	sadd.s32 @!p0 $0x2A00, s17  }
0x79: {  	[tilespmem:s25], [sflag:$0x5] =	stream.indirect.gather @!p0 [hbm4b:s3+s19], $0x80, s21, s19, $0xb8;
	[tilespmem:$0x15000] =	vst v63  }
0x7a: {  	_ =	swait.ge [sflag:s1], $0x2000  }
0x7b: {  	s21 =	sadd.s32 s12, s10;
	[sflag:s1] =	ssyncset.done $0x0  }
0x7c: {  	s25 =	simm.s32 @p0 $0x7;
	s26 =	sadd.s32 $0x400, s21;
	[sflag:s1] =	ssyncadd.s32 $0xFFFFE000  }
0x7d: {  	[hbm4b:s26+s2] =	stream.linear.scatter [tilespmem:s23], [sflag:$0xE], $0x2000, $0x38;
	[tilespmem:$0x15000] =	vst v63  }
0x7e: {  	_ =	swait.ge @p0 [sflag:s25], $0x2000  }
0x7f: {  	s26 =	sadd.s32 @p0 s12, s10;
	[sflag:s25] =	ssyncset.done @p0 $0x0  }
0x80: {  	[sflag:s25] =	ssyncadd.s32 @p0 $0xFFFFE000;
	s25 =	sadd.s32 @p0 $0x800, s26;
	s26 =	simm.s32 @p0 $0x11000  }
0x81: {  	[hbm4b:s25+s22] =	stream.linear.scatter @p0 [tilespmem:s26], [sflag:$0xF], $0x2000, $0x38;
	[tilespmem:$0x15000] =	vst v63  }
0x82: {  	s22 =	simm.s32 @!p0 $0xE  }
0x83: {  	_ =	swait.ge @!p0 [sflag:s22], $0x2000  }
0x84: {  	[sflag:s22] =	ssyncset.done @!p0 $0x0  }
0x85: {  	s25 =	simm.s32 @!p0 $0xF000;
	[sflag:s22] =	ssyncadd.s32 @!p0 $0xFFFFE000;
	s22 =	sadd.s32 @!p0 $0x2A80, s17  }
0x86: {  	[tilespmem:s25], [sflag:$0x6] =	stream.indirect.gather @!p0 [hbm4b:s3+s19], $0x80, s22, s19, $0xb8;
	[tilespmem:$0x15000] =	vst v63  }
0x87: {  	s22 =	simm.s32 @!p0 $0x7  }
0x88: {  	_ =	swait.ge @!p0 [sflag:s22], $0x2000  }
0x89: {  	s25 =	sadd.s32 @!p0 s12, s10;
	[sflag:s22] =	ssyncset.done @!p0 $0x0  }
0x8a: {  	[sflag:s22] =	ssyncadd.s32 @!p0 $0xFFFFE000;
	s22 =	sadd.s32 @!p0 $0x800, s25;
	s25 =	simm.s32 @!p0 $0x11000  }
0x8b: {  	[hbm4b:s22+s24] =	stream.linear.scatter @!p0 [tilespmem:s25], [sflag:$0xF], $0x2000, $0x38;
	[tilespmem:$0x15000] =	vst v63  }
0x8c: {  	s22 =	simm.s32 @!p0 $0xF  }
0x8d: {  	_ =	swait.ge @!p0 [sflag:s22], $0x2000  }
0x8e: {  	[sflag:s22] =	ssyncset.done @!p0 $0x0  }
0x8f: {  	s17 =	sadd.s32 @!p0 $0x2B00, s17;
	[sflag:s22] =	ssyncadd.s32 @!p0 $0xFFFFE000  }
0x90: {  	[tilespmem:s25], [sflag:$0x7] =	stream.indirect.gather @!p0 [hbm4b:s3+s19], $0x80, s17, s19, $0xb8;
	[tilespmem:$0x15000] =	vst v63  }
.Ltmp2:
0x91: {  	_ = 	snop;
	(pc) =	sbr.rel @p0 .LBB2_4-.Ltmp2, $4  }
0x92: {  	_ =	swait.ge [sflag:s15], $0x2000  }
0x93: {  	[sflag:s15] =	ssyncset.done $0x0  }
0x94: {  	s26 =	sadd.s32 $0xC00, s21;
	[sflag:s15] =	ssyncadd.s32 $0xFFFFE000  }
0x95: {  	[hbm4b:s26+s2] =	stream.linear.scatter [tilespmem:s28], [sflag:$0x10], $0x2000, $0x38;
	[tilespmem:$0x15000] =	vst v63  }
.Ltmp3:
0x96: {  	(pc) =	sbr.rel .LBB2_2-.Ltmp3, $4  }
0x97: {  	_ =	swait.ge [sflag:s4], $0x2000  }
0x98: {  	s17 =	sshra.s32 s6, $0x2;
	s12 =	sadd.s32 $0x1000, s12;
	[sflag:s4] =	ssyncset.done $0x0  }
0x99: {  	s6 =	sadd.s32 $0x800, s6;
	s17 =	sadd.s32 $0x2B80, s17;
	[sflag:s4] =	ssyncadd.s32 $0xFFFFE000  }
0x9a: {  	[tilespmem:s28], [sflag:$0x8] =	stream.indirect.gather [hbm4b:s3+s13], $0x80, s17, s13, $0xb8;
	[tilespmem:$0x15000] =	vst v63  }
.LBB2_5:
0x9b: {  	_ =	sfence.sel $0x180000  }
0x9c: {  	[bflag:$0x0] =	sbarrier.arrive $0xFFFF  }
0x9d: {  	_ =	strace $0x9000004D  }
0x9e: {  	s0 =	stileid.u32;
	[bflag:$0x2] =	sbarrier.arrive $0xFFFF  }
0x9f: {  	p0 =	sne.s32 s0, $0x0;
	s0 =	rddreg [dreg:$0x1]  }
0xa0: {  	s0 =	sadd.s32 @!p0 $0x100000, s0  }
0xa1: {  	[sflag:s0] =	ssyncadd.tile.s32 @!p0 $0x1;
	_ =	shalt  }
.Lfunc_end2:
_tile_overlayer_lowered:
.L_overlay_start_2:
0xa2: {  	(tag) =	ssettag $0x2  }
0xa3: {  	s0 =	rddreg [dreg:$0x0];
	s2 =	stileid.u32  }
0xa4: {  	s1 =	rddreg [dreg:$0x1];
	p0 =	sne.s32 s2, $0x0  }
0xa5: {  	s3 =	rddreg [dreg:$0x2];
	[bflag:$0x3] =	sbarrier.arrive $0xFFFF;
	s2 =	simm.s32 @!p0 $0x1C11  }
0xa6: {  	[timem:s3], [sflag:s2] =	dma.local @!p0 [hbm:s0], s1  }
0xa7: {  	s0 =	simm.s32 @!p0 $0x11  }
0xa8: {  	_ =	swait.ge @!p0 [sflag:s0], s1  }
0xa9: {  	s1 =	ssub.s32 @!p0 $0x0, s1;
	[sflag:s0] =	ssyncset.done @!p0 $0x0  }
0xaa: {  	[sflag:s0] =	ssyncadd.s32 @!p0 s1  }
0xab: {  	[bflag:$0x3] =	sbarrier.arrive $0xFFFF  }
0xac: {  	_ =	shalt  }

</sc_bundles>
